<compile_context>
chip_gen: v7x
topology: tpu7x:2x2x1
jax: 0.10.2.dev20260603
libtpu: 0.0.44.dev20260713+nightly
codegen_flags: <defaults>
</compile_context>

<pallas_src>
import functools

import jax
import jax.numpy as jnp
from jax import lax
from jax.experimental import pallas as pl
from jax.experimental.pallas import tpu as pltpu
from jax.experimental.pallas import tpu_sc as plsc

_EPS = 1e-5
_MAX_NORM = 1.0 - 1e-5
_MN2 = _MAX_NORM * _MAX_NORM
_ALPHA = 0.1
_K = 16
_BM = 2048


def _front_body(hs_ref, w1_ref, b1_ref, g_ref, bb_ref, w2_ref, b2_ref,
                org_ref, q_ref):
    hs = hs_ref[...]
    pooled = jnp.mean(hs, axis=1)
    h = jnp.dot(pooled, w1_ref[...],
                preferred_element_type=jnp.float32) + b1_ref[...]
    mu = jnp.mean(h, axis=-1, keepdims=True)
    var = jnp.mean((h - mu) ** 2, axis=-1, keepdims=True)
    h = (h - mu) / jnp.sqrt(var + 1e-5) * g_ref[...] + bb_ref[...]
    h = 0.5 * h * (1.0 + lax.erf(h / jnp.sqrt(2.0).astype(jnp.float32)))
    v = jnp.dot(h, w2_ref[...],
                preferred_element_type=jnp.float32) + b2_ref[...]
    vn = jnp.maximum(jnp.sqrt(jnp.sum(v * v, axis=-1, keepdims=True)), _EPS)
    second = jnp.tanh(0.5 * vn) * v / vn
    u = org_ref[...]
    dot_uv = jnp.sum(u * second, axis=-1, keepdims=True)
    nu = jnp.clip(jnp.sum(u * u, axis=-1, keepdims=True), 0.0, _MN2)
    nv = jnp.clip(jnp.sum(second * second, axis=-1, keepdims=True), 0.0, _MN2)
    num = (1.0 + 2.0 * dot_uv + nv) * u + (1.0 - nu) * second
    den = 1.0 + 2.0 * dot_uv + nu * nv
    res = num / jnp.maximum(den, _EPS)
    n = jnp.maximum(jnp.sqrt(jnp.sum(res * res, axis=-1, keepdims=True)), _EPS)
    q_ref[...] = res / jnp.maximum(n / _MAX_NORM, 1.0)


def _rclass_body(q_ref, mem_ref, rout_ref, scr, *, nm, mtot):
    m = pl.program_id(1)

    @pl.when(m == 0)
    def _init():
        scr[...] = jnp.full(scr.shape, jnp.inf, jnp.float32)

    q = q_ref[...]
    mem = mem_ref[...]
    qq = jnp.sum(q * q, axis=-1, keepdims=True)
    nu = jnp.clip(qq, 0.0, _MN2)
    mm = jnp.sum(mem * mem, axis=-1)[None, :]
    qm = lax.dot_general(q, mem, (((1,), (1,)), ((), ())),
                         preferred_element_type=jnp.float32)
    dist_sq = jnp.maximum(qq + mm - 2.0 * qm, 0.0)
    nv = jnp.clip(mm, 0.0, _MN2)
    den = jnp.maximum((1.0 - nu) * (1.0 - nv), _EPS)
    x = 2.0 * dist_sq / den

    bq = q.shape[0]
    cols = lax.broadcasted_iota(jnp.int32, (bq, _BM), 1)
    xb = lax.bitcast_convert_type(x, jnp.int32)
    low = lax.shift_right_logical(cols, 7) + m * 16
    key = lax.bitcast_convert_type(
        lax.bitwise_or(lax.bitwise_and(xb, jnp.int32(-_BM)), low),
        jnp.float32)
    key = jnp.where(cols + m * _BM < mtot, key, jnp.inf)
    ng = _BM // 128
    b1 = key[:, 0:128]
    for s in range(1, ng):
        b1 = jnp.minimum(b1, key[:, 128 * s:128 * (s + 1)])
    b1t = jnp.concatenate([b1] * ng, axis=1)
    key2 = jnp.where(key == b1t, jnp.inf, key)
    b2 = key2[:, 0:128]
    for s in range(1, ng):
        b2 = jnp.minimum(b2, key2[:, 128 * s:128 * (s + 1)])

    r = scr[...]
    r1 = r[:, 0:128]
    r2 = r[:, 128:256]
    r3 = r[:, 256:384]
    r4 = r[:, 384:512]
    for t in (b1, b2):
        n1 = jnp.minimum(r1, t)
        t = jnp.maximum(r1, t)
        n2 = jnp.minimum(r2, t)
        t = jnp.maximum(r2, t)
        n3 = jnp.minimum(r3, t)
        t = jnp.maximum(r3, t)
        n4 = jnp.minimum(r4, t)
        r1, r2, r3, r4 = n1, n2, n3, n4
    out = jnp.concatenate([r1, r2, r3, r4], axis=1)
    scr[...] = out

    @pl.when(m == nm - 1)
    def _fin():
        rout_ref[...] = out


def _gmerge_body(keys_ref, w_ref, idx_ref):
    kf = keys_ref[...]
    lanepos = lax.broadcasted_iota(jnp.int32, kf.shape, 1)
    ki = lax.bitcast_convert_type(kf, jnp.int32)
    lowb = lax.bitwise_and(ki, jnp.int32(_BM - 1))
    gidx = lax.shift_right_logical(lowb, 4) * _BM + \
        lax.bitwise_and(lowb, jnp.int32(15)) * 128 + \
        lax.bitwise_and(lanepos, jnp.int32(127))
    big_i = jnp.iinfo(jnp.int32).max
    sv = kf
    si = gidx
    new_v = []
    new_i = []
    for _ in range(_K):
        vm = jnp.min(sv, axis=1, keepdims=True)
        iw = jnp.where(sv == vm, si, big_i)
        im = jnp.min(iw, axis=1, keepdims=True)
        new_v.append(vm)
        new_i.append(im)
        sv = jnp.where(iw == im, jnp.inf, sv)
    kb = lax.bitcast_convert_type(jnp.concatenate(new_v, axis=1), jnp.int32)
    xs = lax.bitcast_convert_type(
        lax.bitwise_and(kb, jnp.int32(-_BM)), jnp.float32)
    xc = jnp.maximum(xs, 1e-12)
    z = 1.0 + xc
    dist = jnp.log(z + jnp.sqrt((z - 1.0) * (z + 1.0)))
    neg = -dist
    e = jnp.exp(neg - jnp.max(neg, axis=1, keepdims=True))
    w_ref[...] = e / jnp.sum(e, axis=1, keepdims=True)
    idx_ref[...] = jnp.concatenate(new_i, axis=1)


def _inject_body(hs_ref, r_ref, wp_ref, bp_ref, out_ref):
    mf = jnp.dot(r_ref[...], wp_ref[...],
                 preferred_element_type=jnp.float32) + bp_ref[...]
    out_ref[...] = hs_ref[...] + _ALPHA * mf[:, None, :]


def _sc_retrieve(mem, idx, wts):
    b, k = idx.shape
    d = mem.shape[1]
    mem2 = mem.reshape(mem.shape[0] // 2, 2 * d)
    gidx = jax.lax.shift_right_logical(idx, 1)
    parity = jax.lax.bitwise_and(idx, 1)
    info = plsc.get_sparse_core_info()
    nc, ns = info.num_cores, info.num_subcores
    nw = nc * ns
    qw = b // nw
    rows_per_w = qw * k
    n_chunk = max(1, rows_per_w // 128)
    chunk = rows_per_w // n_chunk
    gidx2 = gidx.reshape(b * k // chunk, chunk)
    pflat = parity.reshape(b * k)
    wflat = wts.reshape(b * k)
    mesh = plsc.VectorSubcoreMesh(core_axis_name="c", subcore_axis_name="s")

    @functools.partial(
        pl.kernel,
        mesh=mesh,
        out_type=jax.ShapeDtypeStruct((b, d), jnp.float32),
        scratch_types=[
            pltpu.VMEM((n_chunk, chunk), jnp.int32),
            pltpu.VMEM((rows_per_w, 2 * d), jnp.float32),
            pltpu.VMEM((rows_per_w,), jnp.float32),
            pltpu.VMEM((rows_per_w,), jnp.int32),
            pltpu.VMEM((qw, d), jnp.float32),
            pltpu.SemaphoreType.DMA,
        ],
    )
    def _sc_k(mem_hbm, idx_hbm, w_hbm, p_hbm, out_hbm, idx_v, rows_v, w_v,
              p_v, acc_v, sem):
        cid = lax.axis_index("c")
        sid = lax.axis_index("s")
        wid = sid * nc + cid
        pltpu.sync_copy(idx_hbm.at[pl.ds(wid * n_chunk, n_chunk)], idx_v)
        pltpu.sync_copy(w_hbm.at[pl.ds(wid * rows_per_w, rows_per_w)], w_v)
        pltpu.sync_copy(p_hbm.at[pl.ds(wid * rows_per_w, rows_per_w)], p_v)
        cps = [
            pltpu.async_copy(mem_hbm.at[idx_v.at[j]],
                             rows_v.at[pl.ds(j * chunk, chunk)], sem)
            for j in range(n_chunk)
        ]
        for cp in cps:
            cp.wait()

        def _one_query(q, _):
            wq = w_v[pl.ds(q * k, k)]
            pq = p_v[pl.ds(q * k, k)] * d
            for j in range(d // 16):
                acc = jnp.zeros((16,), jnp.float32)
                for kk in range(k):
                    acc = acc + wq[kk] * \
                        rows_v[q * k + kk, pl.ds(pq[kk] + j * 16, 16)]
                acc_v[q, pl.ds(j * 16, 16)] = acc
            return _

        lax.fori_loop(0, qw, _one_query, None)
        pltpu.sync_copy(acc_v, out_hbm.at[pl.ds(wid * qw, qw)])

    return _sc_k(mem2, gidx2, wflat, pflat)


def kernel(hidden_states, W1, b1, ln_g, ln_b, W2, b2, query_origin,
           memory_embeddings, Wp, bp):
    b, s, h = hidden_states.shape
    d = W1.shape[1]
    m = memory_embeddings.shape[0]

    bq1 = 128 if b % 128 == 0 else b
    b1r = b1.reshape(1, d)
    gr = ln_g.reshape(1, d)
    br = ln_b.reshape(1, d)
    b2r = b2.reshape(1, d)
    bpr = bp.reshape(1, h)
    query = pl.pallas_call(
        _front_body,
        grid=(b // bq1,),
        in_specs=[
            pl.BlockSpec((bq1, s, h), lambda i: (i, 0, 0)),
            pl.BlockSpec((h, d), lambda i: (0, 0)),
            pl.BlockSpec((1, d), lambda i: (0, 0)),
            pl.BlockSpec((1, d), lambda i: (0, 0)),
            pl.BlockSpec((1, d), lambda i: (0, 0)),
            pl.BlockSpec((d, d), lambda i: (0, 0)),
            pl.BlockSpec((1, d), lambda i: (0, 0)),
            pl.BlockSpec((1, d), lambda i: (0, 0)),
        ],
        out_specs=pl.BlockSpec((bq1, d), lambda i: (i, 0)),
        out_shape=jax.ShapeDtypeStruct((b, d), jnp.float32),
    )(hidden_states, W1, b1r, gr, br, W2, b2r, query_origin)

    nm = (m + _BM - 1) // _BM
    bq2 = 512 if b % 512 == 0 else b
    nb = b // bq2
    rkeys = pl.pallas_call(
        functools.partial(_rclass_body, nm=nm, mtot=m),
        grid=(nb, nm),
        in_specs=[
            pl.BlockSpec((bq2, d), lambda i, j: (i, 0)),
            pl.BlockSpec((_BM, d), lambda i, j: (j, 0)),
        ],
        out_specs=pl.BlockSpec((bq2, 512), lambda i, j: (i, 0)),
        out_shape=jax.ShapeDtypeStruct((b, 512), jnp.float32),
        scratch_shapes=[pltpu.VMEM((bq2, 512), jnp.float32)],
    )(query, memory_embeddings)

    topk_dist, topk_idx = pl.pallas_call(
        _gmerge_body,
        grid=(nb,),
        in_specs=[pl.BlockSpec((bq2, 512), lambda i: (i, 0))],
        out_specs=[
            pl.BlockSpec((bq2, _K), lambda i: (i, 0)),
            pl.BlockSpec((bq2, _K), lambda i: (i, 0)),
        ],
        out_shape=[
            jax.ShapeDtypeStruct((b, _K), jnp.float32),
            jax.ShapeDtypeStruct((b, _K), jnp.int32),
        ],
    )(rkeys)

    retrieved = _sc_retrieve(memory_embeddings, topk_idx, topk_dist)

    bq4 = 128 if b % 128 == 0 else b
    injected = pl.pallas_call(
        _inject_body,
        grid=(b // bq4,),
        in_specs=[
            pl.BlockSpec((bq4, s, h), lambda i: (i, 0, 0)),
            pl.BlockSpec((bq4, d), lambda i: (i, 0)),
            pl.BlockSpec((d, h), lambda i: (0, 0)),
            pl.BlockSpec((1, h), lambda i: (0, 0)),
        ],
        out_specs=pl.BlockSpec((bq4, s, h), lambda i: (i, 0, 0)),
        out_shape=jax.ShapeDtypeStruct((b, s, h), jnp.float32),
    )(hidden_states, retrieved, Wp, bpr)
    return injected

# --- scband reference (transcript-rebuilt; emitter-appended) ---
"""Pipeline reference for scband-hyperbolic-memory-retrieval-3384434229327 (READ-ONLY COPY).

The authoritative reference and input builder live on the scoring server;
editing this copy changes nothing except your own understanding.
"""

import jax, jax.numpy as jnp
import numpy as np

EPS = 1e-5
MAX_NORM = 1.0 - 1e-5
C = 1.0
SQRT_C = 1.0
K = 16
ALPHA = 0.1
B, S, H, D, M = 1024, 50, 256, 64, 100000


def project(x):
    norm = jnp.maximum(jnp.linalg.norm(x, axis=-1, keepdims=True), EPS)
    return x / jnp.maximum(norm / MAX_NORM, 1.0)


def mobius_add(u, v):
    dot_uv = jnp.sum(u * v, axis=-1, keepdims=True)
    nu = jnp.clip(jnp.sum(u * u, axis=-1, keepdims=True), 0.0, MAX_NORM ** 2)
    nv = jnp.clip(jnp.sum(v * v, axis=-1, keepdims=True), 0.0, MAX_NORM ** 2)
    num = (1.0 + 2.0 * C * dot_uv + C * nv) * u + (1.0 - C * nu) * v
    den = 1.0 + 2.0 * C * dot_uv + C * C * nu * nv
    return project(num / jnp.maximum(den, EPS))


def exponential_map(x, v):
    v_norm = jnp.maximum(jnp.linalg.norm(v, axis=-1, keepdims=True), EPS)
    second = jnp.tanh(SQRT_C * v_norm / 2.0) * v / (SQRT_C * v_norm)
    return mobius_add(x, second)


def pairwise_poincare_distance(q, mem):
    # q: [B, D], mem: [M, D] -> [B, M]
    nu = jnp.clip(jnp.sum(q * q, axis=-1, keepdims=True), 0.0, MAX_NORM ** 2)  # [B,1]
    nv = jnp.clip(jnp.sum(mem * mem, axis=-1), 0.0, MAX_NORM ** 2)[None, :]    # [1,M]
    qq = jnp.sum(q * q, axis=-1, keepdims=True)
    mm = jnp.sum(mem * mem, axis=-1)[None, :]
    dist_sq = jnp.maximum(qq + mm - 2.0 * (q @ mem.T), 0.0)
    x = 2.0 * dist_sq / jnp.maximum((1.0 - nu) * (1.0 - nv), EPS)
    return jnp.arccosh(1.0 + jnp.maximum(x, 1e-12)) / SQRT_C


def layernorm(x, g, b):
    mu = jnp.mean(x, axis=-1, keepdims=True)
    var = jnp.mean((x - mu) ** 2, axis=-1, keepdims=True)
    return (x - mu) / jnp.sqrt(var + 1e-5) * g + b


def setup_inputs(seed: int = 0) -> dict:
    key = jax.random.key(seed)
    ks = jax.random.split(key, 12)
    hidden_states = jax.random.normal(ks[0], (B, S, H), dtype=jnp.float32)
    W1 = jax.random.normal(ks[1], (H, D), dtype=jnp.float32) * 0.02
    b1 = jnp.zeros((D,), jnp.float32)
    ln_g = jnp.ones((D,), jnp.float32)
    ln_b = jnp.zeros((D,), jnp.float32)
    W2 = jax.random.normal(ks[2], (D, D), dtype=jnp.float32) * 0.02
    b2 = jnp.zeros((D,), jnp.float32)
    query_origin = jnp.zeros((1, D), jnp.float32)
    memory_embeddings = project(jax.random.normal(ks[3], (M, D), dtype=jnp.float32) * 0.3)
    Wp = jax.random.normal(ks[4], (D, H), dtype=jnp.float32) * 0.02
    bp = jnp.zeros((H,), jnp.float32)
    return {"hidden_states": hidden_states, "W1": W1, "b1": b1, "ln_g": ln_g, "ln_b": ln_b,
            "W2": W2, "b2": b2, "query_origin": query_origin,
            "memory_embeddings": memory_embeddings, "Wp": Wp, "bp": bp}


def reference(hidden_states, W1, b1, ln_g, ln_b, W2, b2, query_origin, memory_embeddings, Wp, bp):
    pooled = jnp.mean(hidden_states, axis=1)                      # [B, H]
    h = pooled @ W1 + b1
    h = layernorm(h, ln_g, ln_b)
    h = jax.nn.gelu(h, approximate=False)
    tangent = h @ W2 + b2                                         # [B, D]
    origin = jnp.broadcast_to(query_origin, (hidden_states.shape[0], D))
    query = exponential_map(origin, tangent)                      # [B, D] on ball
    distances = pairwise_poincare_distance(query, memory_embeddings)  # [B, M]
    neg_topk, topk_idx = jax.lax.top_k(-distances, K)
    topk_dist = -neg_topk                                         # [B, K]
    neighbors = memory_embeddings[topk_idx]                       # [B, K, D]
    weights = jax.nn.softmax(-topk_dist, axis=-1)                 # [B, K]
    retrieved = jnp.sum(weights[..., None] * neighbors, axis=1)   # [B, D]
    memory_force = retrieved @ Wp + bp                            # [B, H]
    injected = hidden_states + ALPHA * memory_force[:, None, :]
    return injected

if __name__ == "__main__":
    import jax
    _d = setup_inputs()
    print(jax.jit(kernel)(*tuple(_d.values())))

</pallas_src>

<mosaic_0001>
#map = affine_map<(d0, d1) -> (0, 0)>
#map1 = affine_map<(d0, d1) -> (0)>
module attributes {stable_mosaic.version = 14 : i64} {
  func.func @_sc_k(%arg0: i32, %arg1: i32, %arg2: memref<50000x128xf32, #tpu.memory_space<hbm>>, %arg3: memref<128x128xi32, #tpu.memory_space<hbm>>, %arg4: memref<16384xf32, #tpu.memory_space<hbm>>, %arg5: memref<16384xi32, #tpu.memory_space<hbm>>, %arg6: memref<1024x64xf32, #tpu.memory_space<hbm>>, %arg7: memref<4x128xi32, #tpu.memory_space<vmem>>, %arg8: memref<512x128xf32, #tpu.memory_space<vmem>>, %arg9: memref<512xf32, #tpu.memory_space<vmem>>, %arg10: memref<512xi32, #tpu.memory_space<vmem>>, %arg11: memref<32x64xf32, #tpu.memory_space<vmem>>, %arg12: memref<!tpu.dma_semaphore, #tpu.memory_space<semaphore_mem>>) attributes {dimension_semantics = [#tpu.dimension_semantics<core_parallel>, #tpu.dimension_semantics<subcore_parallel>], iteration_bounds = array<i64: 2, 16>, scalar_prefetch = 0 : i64, scratch_operands = 6 : i64, tpu.core_type = #tpu.core_type<sc_vector_subcore>, window_params = [{transform_indices = #map}, {transform_indices = #map}, {transform_indices = #map1}, {transform_indices = #map1}, {transform_indices = #map}]} {
    %mul3A = arith.constant 2 : i32
    %mul3A_0 = arith.muli %arg1, %mul3A : i32
    %add3A = arith.addi %mul3A_0, %arg0 : i32
    %mul3A_1 = arith.constant 4 : i32
    %mul3A_2 = arith.muli %add3A, %mul3A_1 : i32
    "tpu.region"() ({
      %run_scoped3A = tpu.sem_alloc : memref<!tpu.dma_semaphore, #tpu.memory_space<semaphore_mem>>
      %dma_start3A_91 = arith.constant 0 : i32
      %dma_start3A_92 = tpu.memref_slice %arg3[%mul3A_2, %dma_start3A_91] : memref<128x128xi32, #tpu.memory_space<hbm>> -> memref<4x128xi32, #tpu.memory_space<hbm>>
      %dma_start3A_93 = arith.constant 0 : i32
      %dma_start3A_94 = tpu.memref_slice %arg3[%mul3A_2, %dma_start3A_93] : memref<128x128xi32, #tpu.memory_space<hbm>> -> memref<4x128xi32, #tpu.memory_space<hbm>>
      tpu.enqueue_dma source(%dma_start3A_94 : memref<4x128xi32, #tpu.memory_space<hbm>>) target(%arg7 : memref<4x128xi32, #tpu.memory_space<vmem>>) target_semaphore(%run_scoped3A : memref<!tpu.dma_semaphore, #tpu.memory_space<semaphore_mem>>)
      %dma_wait3A_95 = arith.constant 0 : i32
      %dma_wait3A_96 = tpu.memref_slice %arg3[%mul3A_2, %dma_wait3A_95] : memref<128x128xi32, #tpu.memory_space<hbm>> -> memref<4x128xi32, #tpu.memory_space<hbm>>
      %dma_wait3A_97 = arith.constant 0 : i32
      %dma_wait3A_98 = tpu.memref_slice %arg3[%mul3A_2, %dma_wait3A_97] : memref<128x128xi32, #tpu.memory_space<hbm>> -> memref<4x128xi32, #tpu.memory_space<hbm>>
      tpu.wait_dma2 semaphore(%run_scoped3A : memref<!tpu.dma_semaphore, #tpu.memory_space<semaphore_mem>>) src(%dma_wait3A_98 : memref<4x128xi32, #tpu.memory_space<hbm>>) dst(%arg7 : memref<4x128xi32, #tpu.memory_space<vmem>>)
      tpu.yield
    }) : () -> ()
    %mul3A_3 = arith.constant 512 : i32
    %mul3A_4 = arith.muli %add3A, %mul3A_3 : i32
    "tpu.region"() ({
      %run_scoped3A = tpu.sem_alloc : memref<!tpu.dma_semaphore, #tpu.memory_space<semaphore_mem>>
      %dma_start3A_91 = tpu.memref_slice %arg4[%mul3A_4] : memref<16384xf32, #tpu.memory_space<hbm>> -> memref<512xf32, #tpu.memory_space<hbm>>
      %dma_start3A_92 = tpu.memref_slice %arg4[%mul3A_4] : memref<16384xf32, #tpu.memory_space<hbm>> -> memref<512xf32, #tpu.memory_space<hbm>>
      tpu.enqueue_dma source(%dma_start3A_92 : memref<512xf32, #tpu.memory_space<hbm>>) target(%arg9 : memref<512xf32, #tpu.memory_space<vmem>>) target_semaphore(%run_scoped3A : memref<!tpu.dma_semaphore, #tpu.memory_space<semaphore_mem>>)
      %dma_wait3A_93 = tpu.memref_slice %arg4[%mul3A_4] : memref<16384xf32, #tpu.memory_space<hbm>> -> memref<512xf32, #tpu.memory_space<hbm>>
      %dma_wait3A_94 = tpu.memref_slice %arg4[%mul3A_4] : memref<16384xf32, #tpu.memory_space<hbm>> -> memref<512xf32, #tpu.memory_space<hbm>>
      tpu.wait_dma2 semaphore(%run_scoped3A : memref<!tpu.dma_semaphore, #tpu.memory_space<semaphore_mem>>) src(%dma_wait3A_94 : memref<512xf32, #tpu.memory_space<hbm>>) dst(%arg9 : memref<512xf32, #tpu.memory_space<vmem>>)
      tpu.yield
    }) : () -> ()
    %mul3A_5 = arith.constant 512 : i32
    %mul3A_6 = arith.muli %add3A, %mul3A_5 : i32
    "tpu.region"() ({
      %run_scoped3A = tpu.sem_alloc : memref<!tpu.dma_semaphore, #tpu.memory_space<semaphore_mem>>
      %dma_start3A_91 = tpu.memref_slice %arg5[%mul3A_6] : memref<16384xi32, #tpu.memory_space<hbm>> -> memref<512xi32, #tpu.memory_space<hbm>>
      %dma_start3A_92 = tpu.memref_slice %arg5[%mul3A_6] : memref<16384xi32, #tpu.memory_space<hbm>> -> memref<512xi32, #tpu.memory_space<hbm>>
      tpu.enqueue_dma source(%dma_start3A_92 : memref<512xi32, #tpu.memory_space<hbm>>) target(%arg10 : memref<512xi32, #tpu.memory_space<vmem>>) target_semaphore(%run_scoped3A : memref<!tpu.dma_semaphore, #tpu.memory_space<semaphore_mem>>)
      %dma_wait3A_93 = tpu.memref_slice %arg5[%mul3A_6] : memref<16384xi32, #tpu.memory_space<hbm>> -> memref<512xi32, #tpu.memory_space<hbm>>
      %dma_wait3A_94 = tpu.memref_slice %arg5[%mul3A_6] : memref<16384xi32, #tpu.memory_space<hbm>> -> memref<512xi32, #tpu.memory_space<hbm>>
      tpu.wait_dma2 semaphore(%run_scoped3A : memref<!tpu.dma_semaphore, #tpu.memory_space<semaphore_mem>>) src(%dma_wait3A_94 : memref<512xi32, #tpu.memory_space<hbm>>) dst(%arg10 : memref<512xi32, #tpu.memory_space<vmem>>)
      tpu.yield
    }) : () -> ()
    %dma_start3A = arith.constant 0 : i32
    %dma_start3A_7 = arith.constant 0 : i32
    %dma_start3A_8 = arith.constant 0 : i32
    %dma_start3A_9 = tpu.memref_slice %arg8[%dma_start3A_7, %dma_start3A_8] : memref<512x128xf32, #tpu.memory_space<vmem>> -> memref<128x128xf32, #tpu.memory_space<vmem>>
    %dma_start3A_10 = arith.constant 0 : i32
    %dma_start3A_11 = tpu.memref_slice %arg7[%dma_start3A, %dma_start3A_10] : memref<4x128xi32, #tpu.memory_space<vmem>> -> memref<1x128xi32, #tpu.memory_space<vmem>>
    %dma_start3A_12 = tpu.memref_squeeze %dma_start3A_11 : memref<1x128xi32, #tpu.memory_space<vmem>> -> memref<128xi32, #tpu.memory_space<vmem>>
    %dma_start3A_13 = arith.constant 0 : i32
    %dma_start3A_14 = arith.constant 0 : i32
    %dma_start3A_15 = tpu.memref_slice %arg2[%dma_start3A_13, %dma_start3A_14] : memref<50000x128xf32, #tpu.memory_space<hbm>> -> memref<50000x128xf32, #tpu.memory_space<hbm>>
    tpu.enqueue_indirect_dma source(%dma_start3A_15 : memref<50000x128xf32, #tpu.memory_space<hbm>>) target(%dma_start3A_9 : memref<128x128xf32, #tpu.memory_space<vmem>>) offsets(%dma_start3A_12 : memref<128xi32, #tpu.memory_space<vmem>>) semaphore(%arg12 : memref<!tpu.dma_semaphore, #tpu.memory_space<semaphore_mem>>)
    %dma_start3A_16 = arith.constant 1 : i32
    %dma_start3A_17 = arith.constant 128 : i32
    %dma_start3A_18 = arith.constant 0 : i32
    %dma_start3A_19 = tpu.memref_slice %arg8[%dma_start3A_17, %dma_start3A_18] : memref<512x128xf32, #tpu.memory_space<vmem>> -> memref<128x128xf32, #tpu.memory_space<vmem>>
    %dma_start3A_20 = arith.constant 0 : i32
    %dma_start3A_21 = tpu.memref_slice %arg7[%dma_start3A_16, %dma_start3A_20] : memref<4x128xi32, #tpu.memory_space<vmem>> -> memref<1x128xi32, #tpu.memory_space<vmem>>
    %dma_start3A_22 = tpu.memref_squeeze %dma_start3A_21 : memref<1x128xi32, #tpu.memory_space<vmem>> -> memref<128xi32, #tpu.memory_space<vmem>>
    %dma_start3A_23 = arith.constant 0 : i32
    %dma_start3A_24 = arith.constant 0 : i32
    %dma_start3A_25 = tpu.memref_slice %arg2[%dma_start3A_23, %dma_start3A_24] : memref<50000x128xf32, #tpu.memory_space<hbm>> -> memref<50000x128xf32, #tpu.memory_space<hbm>>
    tpu.enqueue_indirect_dma source(%dma_start3A_25 : memref<50000x128xf32, #tpu.memory_space<hbm>>) target(%dma_start3A_19 : memref<128x128xf32, #tpu.memory_space<vmem>>) offsets(%dma_start3A_22 : memref<128xi32, #tpu.memory_space<vmem>>) semaphore(%arg12 : memref<!tpu.dma_semaphore, #tpu.memory_space<semaphore_mem>>)
    %dma_start3A_26 = arith.constant 2 : i32
    %dma_start3A_27 = arith.constant 256 : i32
    %dma_start3A_28 = arith.constant 0 : i32
    %dma_start3A_29 = tpu.memref_slice %arg8[%dma_start3A_27, %dma_start3A_28] : memref<512x128xf32, #tpu.memory_space<vmem>> -> memref<128x128xf32, #tpu.memory_space<vmem>>
    %dma_start3A_30 = arith.constant 0 : i32
    %dma_start3A_31 = tpu.memref_slice %arg7[%dma_start3A_26, %dma_start3A_30] : memref<4x128xi32, #tpu.memory_space<vmem>> -> memref<1x128xi32, #tpu.memory_space<vmem>>
    %dma_start3A_32 = tpu.memref_squeeze %dma_start3A_31 : memref<1x128xi32, #tpu.memory_space<vmem>> -> memref<128xi32, #tpu.memory_space<vmem>>
    %dma_start3A_33 = arith.constant 0 : i32
    %dma_start3A_34 = arith.constant 0 : i32
    %dma_start3A_35 = tpu.memref_slice %arg2[%dma_start3A_33, %dma_start3A_34] : memref<50000x128xf32, #tpu.memory_space<hbm>> -> memref<50000x128xf32, #tpu.memory_space<hbm>>
    tpu.enqueue_indirect_dma source(%dma_start3A_35 : memref<50000x128xf32, #tpu.memory_space<hbm>>) target(%dma_start3A_29 : memref<128x128xf32, #tpu.memory_space<vmem>>) offsets(%dma_start3A_32 : memref<128xi32, #tpu.memory_space<vmem>>) semaphore(%arg12 : memref<!tpu.dma_semaphore, #tpu.memory_space<semaphore_mem>>)
    %dma_start3A_36 = arith.constant 3 : i32
    %dma_start3A_37 = arith.constant 384 : i32
    %dma_start3A_38 = arith.constant 0 : i32
    %dma_start3A_39 = tpu.memref_slice %arg8[%dma_start3A_37, %dma_start3A_38] : memref<512x128xf32, #tpu.memory_space<vmem>> -> memref<128x128xf32, #tpu.memory_space<vmem>>
    %dma_start3A_40 = arith.constant 0 : i32
    %dma_start3A_41 = tpu.memref_slice %arg7[%dma_start3A_36, %dma_start3A_40] : memref<4x128xi32, #tpu.memory_space<vmem>> -> memref<1x128xi32, #tpu.memory_space<vmem>>
    %dma_start3A_42 = tpu.memref_squeeze %dma_start3A_41 : memref<1x128xi32, #tpu.memory_space<vmem>> -> memref<128xi32, #tpu.memory_space<vmem>>
    %dma_start3A_43 = arith.constant 0 : i32
    %dma_start3A_44 = arith.constant 0 : i32
    %dma_start3A_45 = tpu.memref_slice %arg2[%dma_start3A_43, %dma_start3A_44] : memref<50000x128xf32, #tpu.memory_space<hbm>> -> memref<50000x128xf32, #tpu.memory_space<hbm>>
    tpu.enqueue_indirect_dma source(%dma_start3A_45 : memref<50000x128xf32, #tpu.memory_space<hbm>>) target(%dma_start3A_39 : memref<128x128xf32, #tpu.memory_space<vmem>>) offsets(%dma_start3A_42 : memref<128xi32, #tpu.memory_space<vmem>>) semaphore(%arg12 : memref<!tpu.dma_semaphore, #tpu.memory_space<semaphore_mem>>)
    %dma_wait3A = arith.constant 0 : i32
    %dma_wait3A_46 = arith.constant 0 : i32
    %dma_wait3A_47 = arith.constant 0 : i32
    %dma_wait3A_48 = tpu.memref_slice %arg8[%dma_wait3A_46, %dma_wait3A_47] : memref<512x128xf32, #tpu.memory_space<vmem>> -> memref<128x128xf32, #tpu.memory_space<vmem>>
    %dma_wait3A_49 = arith.constant 0 : i32
    %dma_wait3A_50 = tpu.memref_slice %arg7[%dma_wait3A, %dma_wait3A_49] : memref<4x128xi32, #tpu.memory_space<vmem>> -> memref<1x128xi32, #tpu.memory_space<vmem>>
    %dma_wait3A_51 = tpu.memref_squeeze %dma_wait3A_50 : memref<1x128xi32, #tpu.memory_space<vmem>> -> memref<128xi32, #tpu.memory_space<vmem>>
    %dma_wait3A_52 = arith.constant 0 : i32
    %dma_wait3A_53 = arith.constant 0 : i32
    %dma_wait3A_54 = tpu.memref_slice %arg2[%dma_wait3A_52, %dma_wait3A_53] : memref<50000x128xf32, #tpu.memory_space<hbm>> -> memref<50000x128xf32, #tpu.memory_space<hbm>>
    tpu.wait_indirect_dma semaphore(%arg12 : memref<!tpu.dma_semaphore, #tpu.memory_space<semaphore_mem>>) src(%dma_wait3A_54 : memref<50000x128xf32, #tpu.memory_space<hbm>>) dst(%dma_wait3A_48 : memref<128x128xf32, #tpu.memory_space<vmem>>)
    %dma_wait3A_55 = arith.constant 1 : i32
    %dma_wait3A_56 = arith.constant 128 : i32
    %dma_wait3A_57 = arith.constant 0 : i32
    %dma_wait3A_58 = tpu.memref_slice %arg8[%dma_wait3A_56, %dma_wait3A_57] : memref<512x128xf32, #tpu.memory_space<vmem>> -> memref<128x128xf32, #tpu.memory_space<vmem>>
    %dma_wait3A_59 = arith.constant 0 : i32
    %dma_wait3A_60 = tpu.memref_slice %arg7[%dma_wait3A_55, %dma_wait3A_59] : memref<4x128xi32, #tpu.memory_space<vmem>> -> memref<1x128xi32, #tpu.memory_space<vmem>>
    %dma_wait3A_61 = tpu.memref_squeeze %dma_wait3A_60 : memref<1x128xi32, #tpu.memory_space<vmem>> -> memref<128xi32, #tpu.memory_space<vmem>>
    %dma_wait3A_62 = arith.constant 0 : i32
    %dma_wait3A_63 = arith.constant 0 : i32
    %dma_wait3A_64 = tpu.memref_slice %arg2[%dma_wait3A_62, %dma_wait3A_63] : memref<50000x128xf32, #tpu.memory_space<hbm>> -> memref<50000x128xf32, #tpu.memory_space<hbm>>
    tpu.wait_indirect_dma semaphore(%arg12 : memref<!tpu.dma_semaphore, #tpu.memory_space<semaphore_mem>>) src(%dma_wait3A_64 : memref<50000x128xf32, #tpu.memory_space<hbm>>) dst(%dma_wait3A_58 : memref<128x128xf32, #tpu.memory_space<vmem>>)
    %dma_wait3A_65 = arith.constant 2 : i32
    %dma_wait3A_66 = arith.constant 256 : i32
    %dma_wait3A_67 = arith.constant 0 : i32
    %dma_wait3A_68 = tpu.memref_slice %arg8[%dma_wait3A_66, %dma_wait3A_67] : memref<512x128xf32, #tpu.memory_space<vmem>> -> memref<128x128xf32, #tpu.memory_space<vmem>>
    %dma_wait3A_69 = arith.constant 0 : i32
    %dma_wait3A_70 = tpu.memref_slice %arg7[%dma_wait3A_65, %dma_wait3A_69] : memref<4x128xi32, #tpu.memory_space<vmem>> -> memref<1x128xi32, #tpu.memory_space<vmem>>
    %dma_wait3A_71 = tpu.memref_squeeze %dma_wait3A_70 : memref<1x128xi32, #tpu.memory_space<vmem>> -> memref<128xi32, #tpu.memory_space<vmem>>
    %dma_wait3A_72 = arith.constant 0 : i32
    %dma_wait3A_73 = arith.constant 0 : i32
    %dma_wait3A_74 = tpu.memref_slice %arg2[%dma_wait3A_72, %dma_wait3A_73] : memref<50000x128xf32, #tpu.memory_space<hbm>> -> memref<50000x128xf32, #tpu.memory_space<hbm>>
    tpu.wait_indirect_dma semaphore(%arg12 : memref<!tpu.dma_semaphore, #tpu.memory_space<semaphore_mem>>) src(%dma_wait3A_74 : memref<50000x128xf32, #tpu.memory_space<hbm>>) dst(%dma_wait3A_68 : memref<128x128xf32, #tpu.memory_space<vmem>>)
    %dma_wait3A_75 = arith.constant 3 : i32
    %dma_wait3A_76 = arith.constant 384 : i32
    %dma_wait3A_77 = arith.constant 0 : i32
    %dma_wait3A_78 = tpu.memref_slice %arg8[%dma_wait3A_76, %dma_wait3A_77] : memref<512x128xf32, #tpu.memory_space<vmem>> -> memref<128x128xf32, #tpu.memory_space<vmem>>
    %dma_wait3A_79 = arith.constant 0 : i32
    %dma_wait3A_80 = tpu.memref_slice %arg7[%dma_wait3A_75, %dma_wait3A_79] : memref<4x128xi32, #tpu.memory_space<vmem>> -> memref<1x128xi32, #tpu.memory_space<vmem>>
    %dma_wait3A_81 = tpu.memref_squeeze %dma_wait3A_80 : memref<1x128xi32, #tpu.memory_space<vmem>> -> memref<128xi32, #tpu.memory_space<vmem>>
    %dma_wait3A_82 = arith.constant 0 : i32
    %dma_wait3A_83 = arith.constant 0 : i32
    %dma_wait3A_84 = tpu.memref_slice %arg2[%dma_wait3A_82, %dma_wait3A_83] : memref<50000x128xf32, #tpu.memory_space<hbm>> -> memref<50000x128xf32, #tpu.memory_space<hbm>>
    tpu.wait_indirect_dma semaphore(%arg12 : memref<!tpu.dma_semaphore, #tpu.memory_space<semaphore_mem>>) src(%dma_wait3A_84 : memref<50000x128xf32, #tpu.memory_space<hbm>>) dst(%dma_wait3A_78 : memref<128x128xf32, #tpu.memory_space<vmem>>)
    %scan3A = arith.constant 0 : i32
    %scan3A_85 = arith.constant 32 : i32
    %scan3A_86 = arith.addi %scan3A, %scan3A_85 : i32
    %scan3A_87 = arith.constant 1 : i32
    scf.for %scan3A_91 = %scan3A to %scan3A_86 step %scan3A_87  : i32 {
      %mul3A_92 = arith.constant 16 : i32
      %mul3A_93 = arith.muli %scan3A_91, %mul3A_92 : i32
      %get3A = arith.index_cast %mul3A_93 : i32 to index
      %get3A_94 = tpu.vector_load %arg9[%get3A] {strides = array<i32>} : memref<512xf32, #tpu.memory_space<vmem>>, vector<16xf32>,
      %get3A_95 = vector.shape_cast %get3A_94 : vector<16xf32> to vector<16xf32>
      %mul3A_96 = arith.constant 16 : i32
      %mul3A_97 = arith.muli %scan3A_91, %mul3A_96 : i32
      %get3A_98 = arith.index_cast %mul3A_97 : i32 to index
      %get3A_99 = tpu.vector_load %arg10[%get3A_98] {strides = array<i32>} : memref<512xi32, #tpu.memory_space<vmem>>, vector<16xi32>,
      %get3A_100 = vector.shape_cast %get3A_99 : vector<16xi32> to vector<16xi32>
      %mul3A_101 = arith.constant 64 : i32
      %mul3A_102 = vector.broadcast %mul3A_101 : i32 to vector<16xi32>
      %mul3A_103 = arith.muli %get3A_100, %mul3A_102 : vector<16xi32>
      %broadcast_in_dim3A = arith.constant 0.000000e+00 : f32
      %broadcast_in_dim3A_104 = vector.broadcast %broadcast_in_dim3A : f32 to vector<16xf32>
      %slice3A = vector.extract_strided_slice %get3A_95 {offsets = [0], sizes = [1], strides = [1]} : vector<16xf32> to vector<1xf32>
      %squeeze3A = vector.extract %slice3A[0] : f32 from vector<1xf32>
      %mul3A_105 = arith.constant 16 : i32
      %mul3A_106 = arith.muli %scan3A_91, %mul3A_105 : i32
      %add3A_107 = arith.constant 0 : i32
      %add3A_108 = arith.addi %mul3A_106, %add3A_107 : i32
      %slice3A_109 = vector.extract_strided_slice %mul3A_103 {offsets = [0], sizes = [1], strides = [1]} : vector<16xi32> to vector<1xi32>
      %squeeze3A_110 = vector.extract %slice3A_109[0] : i32 from vector<1xi32>
      %add3A_111 = arith.constant 0 : i32
      %add3A_112 = arith.addi %squeeze3A_110, %add3A_111 : i32
      %get3A_113 = arith.index_cast %add3A_108 : i32 to index
      %get3A_114 = arith.index_cast %add3A_112 : i32 to index
      %get3A_115 = tpu.vector_load %arg8[%get3A_113, %get3A_114] {strides = array<i32>} : memref<512x128xf32, #tpu.memory_space<vmem>>, vector<1x16xf32>,
      %get3A_116 = vector.shape_cast %get3A_115 : vector<1x16xf32> to vector<16xf32>
      %mul3A_117 = vector.broadcast %squeeze3A : f32 to vector<16xf32>
      %mul3A_118 = arith.mulf %mul3A_117, %get3A_116 : vector<16xf32>
      %add3A_119 = arith.addf %broadcast_in_dim3A_104, %mul3A_118 : vector<16xf32>
      %slice3A_120 = vector.extract_strided_slice %get3A_95 {offsets = [1], sizes = [1], strides = [1]} : vector<16xf32> to vector<1xf32>
      %squeeze3A_121 = vector.extract %slice3A_120[0] : f32 from vector<1xf32>
      %mul3A_122 = arith.constant 16 : i32
      %mul3A_123 = arith.muli %scan3A_91, %mul3A_122 : i32
      %add3A_124 = arith.constant 1 : i32
      %add3A_125 = arith.addi %mul3A_123, %add3A_124 : i32
      %slice3A_126 = vector.extract_strided_slice %mul3A_103 {offsets = [1], sizes = [1], strides = [1]} : vector<16xi32> to vector<1xi32>
      %squeeze3A_127 = vector.extract %slice3A_126[0] : i32 from vector<1xi32>
      %add3A_128 = arith.constant 0 : i32
      %add3A_129 = arith.addi %squeeze3A_127, %add3A_128 : i32
      %get3A_130 = arith.index_cast %add3A_125 : i32 to index
      %get3A_131 = arith.index_cast %add3A_129 : i32 to index
      %get3A_132 = tpu.vector_load %arg8[%get3A_130, %get3A_131] {strides = array<i32>} : memref<512x128xf32, #tpu.memory_space<vmem>>, vector<1x16xf32>,
      %get3A_133 = vector.shape_cast %get3A_132 : vector<1x16xf32> to vector<16xf32>
      %mul3A_134 = vector.broadcast %squeeze3A_121 : f32 to vector<16xf32>
      %mul3A_135 = arith.mulf %mul3A_134, %get3A_133 : vector<16xf32>
      %add3A_136 = arith.addf %add3A_119, %mul3A_135 : vector<16xf32>
      %slice3A_137 = vector.extract_strided_slice %get3A_95 {offsets = [2], sizes = [1], strides = [1]} : vector<16xf32> to vector<1xf32>
      %squeeze3A_138 = vector.extract %slice3A_137[0] : f32 from vector<1xf32>
      %mul3A_139 = arith.constant 16 : i32
      %mul3A_140 = arith.muli %scan3A_91, %mul3A_139 : i32
      %add3A_141 = arith.constant 2 : i32
      %add3A_142 = arith.addi %mul3A_140, %add3A_141 : i32
      %slice3A_143 = vector.extract_strided_slice %mul3A_103 {offsets = [2], sizes = [1], strides = [1]} : vector<16xi32> to vector<1xi32>
      %squeeze3A_144 = vector.extract %slice3A_143[0] : i32 from vector<1xi32>
      %add3A_145 = arith.constant 0 : i32
      %add3A_146 = arith.addi %squeeze3A_144, %add3A_145 : i32
      %get3A_147 = arith.index_cast %add3A_142 : i32 to index
      %get3A_148 = arith.index_cast %add3A_146 : i32 to index
      %get3A_149 = tpu.vector_load %arg8[%get3A_147, %get3A_148] {strides = array<i32>} : memref<512x128xf32, #tpu.memory_space<vmem>>, vector<1x16xf32>,
      %get3A_150 = vector.shape_cast %get3A_149 : vector<1x16xf32> to vector<16xf32>
      %mul3A_151 = vector.broadcast %squeeze3A_138 : f32 to vector<16xf32>
      %mul3A_152 = arith.mulf %mul3A_151, %get3A_150 : vector<16xf32>
      %add3A_153 = arith.addf %add3A_136, %mul3A_152 : vector<16xf32>
      %slice3A_154 = vector.extract_strided_slice %get3A_95 {offsets = [3], sizes = [1], strides = [1]} : vector<16xf32> to vector<1xf32>
      %squeeze3A_155 = vector.extract %slice3A_154[0] : f32 from vector<1xf32>
      %mul3A_156 = arith.constant 16 : i32
      %mul3A_157 = arith.muli %scan3A_91, %mul3A_156 : i32
      %add3A_158 = arith.constant 3 : i32
      %add3A_159 = arith.addi %mul3A_157, %add3A_158 : i32
      %slice3A_160 = vector.extract_strided_slice %mul3A_103 {offsets = [3], sizes = [1], strides = [1]} : vector<16xi32> to vector<1xi32>
      %squeeze3A_161 = vector.extract %slice3A_160[0] : i32 from vector<1xi32>
      %add3A_162 = arith.constant 0 : i32
      %add3A_163 = arith.addi %squeeze3A_161, %add3A_162 : i32
      %get3A_164 = arith.index_cast %add3A_159 : i32 to index
      %get3A_165 = arith.index_cast %add3A_163 : i32 to index
      %get3A_166 = tpu.vector_load %arg8[%get3A_164, %get3A_165] {strides = array<i32>} : memref<512x128xf32, #tpu.memory_space<vmem>>, vector<1x16xf32>,
      %get3A_167 = vector.shape_cast %get3A_166 : vector<1x16xf32> to vector<16xf32>
      %mul3A_168 = vector.broadcast %squeeze3A_155 : f32 to vector<16xf32>
      %mul3A_169 = arith.mulf %mul3A_168, %get3A_167 : vector<16xf32>
      %add3A_170 = arith.addf %add3A_153, %mul3A_169 : vector<16xf32>
      %slice3A_171 = vector.extract_strided_slice %get3A_95 {offsets = [4], sizes = [1], strides = [1]} : vector<16xf32> to vector<1xf32>
      %squeeze3A_172 = vector.extract %slice3A_171[0] : f32 from vector<1xf32>
      %mul3A_173 = arith.constant 16 : i32
      %mul3A_174 = arith.muli %scan3A_91, %mul3A_173 : i32
      %add3A_175 = arith.constant 4 : i32
      %add3A_176 = arith.addi %mul3A_174, %add3A_175 : i32
      %slice3A_177 = vector.extract_strided_slice %mul3A_103 {offsets = [4], sizes = [1], strides = [1]} : vector<16xi32> to vector<1xi32>
      %squeeze3A_178 = vector.extract %slice3A_177[0] : i32 from vector<1xi32>
      %add3A_179 = arith.constant 0 : i32
      %add3A_180 = arith.addi %squeeze3A_178, %add3A_179 : i32
      %get3A_181 = arith.index_cast %add3A_176 : i32 to index
      %get3A_182 = arith.index_cast %add3A_180 : i32 to index
      %get3A_183 = tpu.vector_load %arg8[%get3A_181, %get3A_182] {strides = array<i32>} : memref<512x128xf32, #tpu.memory_space<vmem>>, vector<1x16xf32>,
      %get3A_184 = vector.shape_cast %get3A_183 : vector<1x16xf32> to vector<16xf32>
      %mul3A_185 = vector.broadcast %squeeze3A_172 : f32 to vector<16xf32>
      %mul3A_186 = arith.mulf %mul3A_185, %get3A_184 : vector<16xf32>
      %add3A_187 = arith.addf %add3A_170, %mul3A_186 : vector<16xf32>
      %slice3A_188 = vector.extract_strided_slice %get3A_95 {offsets = [5], sizes = [1], strides = [1]} : vector<16xf32> to vector<1xf32>
      %squeeze3A_189 = vector.extract %slice3A_188[0] : f32 from vector<1xf32>
      %mul3A_190 = arith.constant 16 : i32
      %mul3A_191 = arith.muli %scan3A_91, %mul3A_190 : i32
      %add3A_192 = arith.constant 5 : i32
      %add3A_193 = arith.addi %mul3A_191, %add3A_192 : i32
      %slice3A_194 = vector.extract_strided_slice %mul3A_103 {offsets = [5], sizes = [1], strides = [1]} : vector<16xi32> to vector<1xi32>
      %squeeze3A_195 = vector.extract %slice3A_194[0] : i32 from vector<1xi32>
      %add3A_196 = arith.constant 0 : i32
      %add3A_197 = arith.addi %squeeze3A_195, %add3A_196 : i32
      %get3A_198 = arith.index_cast %add3A_193 : i32 to index
      %get3A_199 = arith.index_cast %add3A_197 : i32 to index
      %get3A_200 = tpu.vector_load %arg8[%get3A_198, %get3A_199] {strides = array<i32>} : memref<512x128xf32, #tpu.memory_space<vmem>>, vector<1x16xf32>,
      %get3A_201 = vector.shape_cast %get3A_200 : vector<1x16xf32> to vector<16xf32>
      %mul3A_202 = vector.broadcast %squeeze3A_189 : f32 to vector<16xf32>
      %mul3A_203 = arith.mulf %mul3A_202, %get3A_201 : vector<16xf32>
      %add3A_204 = arith.addf %add3A_187, %mul3A_203 : vector<16xf32>
      %slice3A_205 = vector.extract_strided_slice %get3A_95 {offsets = [6], sizes = [1], strides = [1]} : vector<16xf32> to vector<1xf32>
      %squeeze3A_206 = vector.extract %slice3A_205[0] : f32 from vector<1xf32>
      %mul3A_207 = arith.constant 16 : i32
      %mul3A_208 = arith.muli %scan3A_91, %mul3A_207 : i32
      %add3A_209 = arith.constant 6 : i32
      %add3A_210 = arith.addi %mul3A_208, %add3A_209 : i32
      %slice3A_211 = vector.extract_strided_slice %mul3A_103 {offsets = [6], sizes = [1], strides = [1]} : vector<16xi32> to vector<1xi32>
      %squeeze3A_212 = vector.extract %slice3A_211[0] : i32 from vector<1xi32>
      %add3A_213 = arith.constant 0 : i32
      %add3A_214 = arith.addi %squeeze3A_212, %add3A_213 : i32
      %get3A_215 = arith.index_cast %add3A_210 : i32 to index
      %get3A_216 = arith.index_cast %add3A_214 : i32 to index
      %get3A_217 = tpu.vector_load %arg8[%get3A_215, %get3A_216] {strides = array<i32>} : memref<512x128xf32, #tpu.memory_space<vmem>>, vector<1x16xf32>,
      %get3A_218 = vector.shape_cast %get3A_217 : vector<1x16xf32> to vector<16xf32>
      %mul3A_219 = vector.broadcast %squeeze3A_206 : f32 to vector<16xf32>
      %mul3A_220 = arith.mulf %mul3A_219, %get3A_218 : vector<16xf32>
      %add3A_221 = arith.addf %add3A_204, %mul3A_220 : vector<16xf32>
      %slice3A_222 = vector.extract_strided_slice %get3A_95 {offsets = [7], sizes = [1], strides = [1]} : vector<16xf32> to vector<1xf32>
      %squeeze3A_223 = vector.extract %slice3A_222[0] : f32 from vector<1xf32>
      %mul3A_224 = arith.constant 16 : i32
      %mul3A_225 = arith.muli %scan3A_91, %mul3A_224 : i32
      %add3A_226 = arith.constant 7 : i32
      %add3A_227 = arith.addi %mul3A_225, %add3A_226 : i32
      %slice3A_228 = vector.extract_strided_slice %mul3A_103 {offsets = [7], sizes = [1], strides = [1]} : vector<16xi32> to vector<1xi32>
      %squeeze3A_229 = vector.extract %slice3A_228[0] : i32 from vector<1xi32>
      %add3A_230 = arith.constant 0 : i32
      %add3A_231 = arith.addi %squeeze3A_229, %add3A_230 : i32
      %get3A_232 = arith.index_cast %add3A_227 : i32 to index
      %get3A_233 = arith.index_cast %add3A_231 : i32 to index
      %get3A_234 = tpu.vector_load %arg8[%get3A_232, %get3A_233] {strides = array<i32>} : memref<512x128xf32, #tpu.memory_space<vmem>>, vector<1x16xf32>,
      %get3A_235 = vector.shape_cast %get3A_234 : vector<1x16xf32> to vector<16xf32>
      %mul3A_236 = vector.broadcast %squeeze3A_223 : f32 to vector<16xf32>
      %mul3A_237 = arith.mulf %mul3A_236, %get3A_235 : vector<16xf32>
      %add3A_238 = arith.addf %add3A_221, %mul3A_237 : vector<16xf32>
      %slice3A_239 = vector.extract_strided_slice %get3A_95 {offsets = [8], sizes = [1], strides = [1]} : vector<16xf32> to vector<1xf32>
      %squeeze3A_240 = vector.extract %slice3A_239[0] : f32 from vector<1xf32>
      %mul3A_241 = arith.constant 16 : i32
      %mul3A_242 = arith.muli %scan3A_91, %mul3A_241 : i32
      %add3A_243 = arith.constant 8 : i32
      %add3A_244 = arith.addi %mul3A_242, %add3A_243 : i32
      %slice3A_245 = vector.extract_strided_slice %mul3A_103 {offsets = [8], sizes = [1], strides = [1]} : vector<16xi32> to vector<1xi32>
      %squeeze3A_246 = vector.extract %slice3A_245[0] : i32 from vector<1xi32>
      %add3A_247 = arith.constant 0 : i32
      %add3A_248 = arith.addi %squeeze3A_246, %add3A_247 : i32
      %get3A_249 = arith.index_cast %add3A_244 : i32 to index
      %get3A_250 = arith.index_cast %add3A_248 : i32 to index
      %get3A_251 = tpu.vector_load %arg8[%get3A_249, %get3A_250] {strides = array<i32>} : memref<512x128xf32, #tpu.memory_space<vmem>>, vector<1x16xf32>,
      %get3A_252 = vector.shape_cast %get3A_251 : vector<1x16xf32> to vector<16xf32>
      %mul3A_253 = vector.broadcast %squeeze3A_240 : f32 to vector<16xf32>
      %mul3A_254 = arith.mulf %mul3A_253, %get3A_252 : vector<16xf32>
      %add3A_255 = arith.addf %add3A_238, %mul3A_254 : vector<16xf32>
      %slice3A_256 = vector.extract_strided_slice %get3A_95 {offsets = [9], sizes = [1], strides = [1]} : vector<16xf32> to vector<1xf32>
      %squeeze3A_257 = vector.extract %slice3A_256[0] : f32 from vector<1xf32>
      %mul3A_258 = arith.constant 16 : i32
      %mul3A_259 = arith.muli %scan3A_91, %mul3A_258 : i32
      %add3A_260 = arith.constant 9 : i32
      %add3A_261 = arith.addi %mul3A_259, %add3A_260 : i32
      %slice3A_262 = vector.extract_strided_slice %mul3A_103 {offsets = [9], sizes = [1], strides = [1]} : vector<16xi32> to vector<1xi32>
      %squeeze3A_263 = vector.extract %slice3A_262[0] : i32 from vector<1xi32>
      %add3A_264 = arith.constant 0 : i32
      %add3A_265 = arith.addi %squeeze3A_263, %add3A_264 : i32
      %get3A_266 = arith.index_cast %add3A_261 : i32 to index
      %get3A_267 = arith.index_cast %add3A_265 : i32 to index
      %get3A_268 = tpu.vector_load %arg8[%get3A_266, %get3A_267] {strides = array<i32>} : memref<512x128xf32, #tpu.memory_space<vmem>>, vector<1x16xf32>,
      %get3A_269 = vector.shape_cast %get3A_268 : vector<1x16xf32> to vector<16xf32>
      %mul3A_270 = vector.broadcast %squeeze3A_257 : f32 to vector<16xf32>
      %mul3A_271 = arith.mulf %mul3A_270, %get3A_269 : vector<16xf32>
      %add3A_272 = arith.addf %add3A_255, %mul3A_271 : vector<16xf32>
      %slice3A_273 = vector.extract_strided_slice %get3A_95 {offsets = [10], sizes = [1], strides = [1]} : vector<16xf32> to vector<1xf32>
      %squeeze3A_274 = vector.extract %slice3A_273[0] : f32 from vector<1xf32>
      %mul3A_275 = arith.constant 16 : i32
      %mul3A_276 = arith.muli %scan3A_91, %mul3A_275 : i32
      %add3A_277 = arith.constant 10 : i32
      %add3A_278 = arith.addi %mul3A_276, %add3A_277 : i32
      %slice3A_279 = vector.extract_strided_slice %mul3A_103 {offsets = [10], sizes = [1], strides = [1]} : vector<16xi32> to vector<1xi32>
      %squeeze3A_280 = vector.extract %slice3A_279[0] : i32 from vector<1xi32>
      %add3A_281 = arith.constant 0 : i32
      %add3A_282 = arith.addi %squeeze3A_280, %add3A_281 : i32
      %get3A_283 = arith.index_cast %add3A_278 : i32 to index
      %get3A_284 = arith.index_cast %add3A_282 : i32 to index
      %get3A_285 = tpu.vector_load %arg8[%get3A_283, %get3A_284] {strides = array<i32>} : memref<512x128xf32, #tpu.memory_space<vmem>>, vector<1x16xf32>,
      %get3A_286 = vector.shape_cast %get3A_285 : vector<1x16xf32> to vector<16xf32>
      %mul3A_287 = vector.broadcast %squeeze3A_274 : f32 to vector<16xf32>
      %mul3A_288 = arith.mulf %mul3A_287, %get3A_286 : vector<16xf32>
      %add3A_289 = arith.addf %add3A_272, %mul3A_288 : vector<16xf32>
      %slice3A_290 = vector.extract_strided_slice %get3A_95 {offsets = [11], sizes = [1], strides = [1]} : vector<16xf32> to vector<1xf32>
      %squeeze3A_291 = vector.extract %slice3A_290[0] : f32 from vector<1xf32>
      %mul3A_292 = arith.constant 16 : i32
      %mul3A_293 = arith.muli %scan3A_91, %mul3A_292 : i32
      %add3A_294 = arith.constant 11 : i32
      %add3A_295 = arith.addi %mul3A_293, %add3A_294 : i32
      %slice3A_296 = vector.extract_strided_slice %mul3A_103 {offsets = [11], sizes = [1], strides = [1]} : vector<16xi32> to vector<1xi32>
      %squeeze3A_297 = vector.extract %slice3A_296[0] : i32 from vector<1xi32>
      %add3A_298 = arith.constant 0 : i32
      %add3A_299 = arith.addi %squeeze3A_297, %add3A_298 : i32
      %get3A_300 = arith.index_cast %add3A_295 : i32 to index
      %get3A_301 = arith.index_cast %add3A_299 : i32 to index
      %get3A_302 = tpu.vector_load %arg8[%get3A_300, %get3A_301] {strides = array<i32>} : memref<512x128xf32, #tpu.memory_space<vmem>>, vector<1x16xf32>,
      %get3A_303 = vector.shape_cast %get3A_302 : vector<1x16xf32> to vector<16xf32>
      %mul3A_304 = vector.broadcast %squeeze3A_291 : f32 to vector<16xf32>
      %mul3A_305 = arith.mulf %mul3A_304, %get3A_303 : vector<16xf32>
      %add3A_306 = arith.addf %add3A_289, %mul3A_305 : vector<16xf32>
      %slice3A_307 = vector.extract_strided_slice %get3A_95 {offsets = [12], sizes = [1], strides = [1]} : vector<16xf32> to vector<1xf32>
      %squeeze3A_308 = vector.extract %slice3A_307[0] : f32 from vector<1xf32>
      %mul3A_309 = arith.constant 16 : i32
      %mul3A_310 = arith.muli %scan3A_91, %mul3A_309 : i32
      %add3A_311 = arith.constant 12 : i32
      %add3A_312 = arith.addi %mul3A_310, %add3A_311 : i32
      %slice3A_313 = vector.extract_strided_slice %mul3A_103 {offsets = [12], sizes = [1], strides = [1]} : vector<16xi32> to vector<1xi32>
      %squeeze3A_314 = vector.extract %slice3A_313[0] : i32 from vector<1xi32>
      %add3A_315 = arith.constant 0 : i32
      %add3A_316 = arith.addi %squeeze3A_314, %add3A_315 : i32
      %get3A_317 = arith.index_cast %add3A_312 : i32 to index
      %get3A_318 = arith.index_cast %add3A_316 : i32 to index
      %get3A_319 = tpu.vector_load %arg8[%get3A_317, %get3A_318] {strides = array<i32>} : memref<512x128xf32, #tpu.memory_space<vmem>>, vector<1x16xf32>,
      %get3A_320 = vector.shape_cast %get3A_319 : vector<1x16xf32> to vector<16xf32>
      %mul3A_321 = vector.broadcast %squeeze3A_308 : f32 to vector<16xf32>
      %mul3A_322 = arith.mulf %mul3A_321, %get3A_320 : vector<16xf32>
      %add3A_323 = arith.addf %add3A_306, %mul3A_322 : vector<16xf32>
      %slice3A_324 = vector.extract_strided_slice %get3A_95 {offsets = [13], sizes = [1], strides = [1]} : vector<16xf32> to vector<1xf32>
      %squeeze3A_325 = vector.extract %slice3A_324[0] : f32 from vector<1xf32>
      %mul3A_326 = arith.constant 16 : i32
      %mul3A_327 = arith.muli %scan3A_91, %mul3A_326 : i32
      %add3A_328 = arith.constant 13 : i32
      %add3A_329 = arith.addi %mul3A_327, %add3A_328 : i32
      %slice3A_330 = vector.extract_strided_slice %mul3A_103 {offsets = [13], sizes = [1], strides = [1]} : vector<16xi32> to vector<1xi32>
      %squeeze3A_331 = vector.extract %slice3A_330[0] : i32 from vector<1xi32>
      %add3A_332 = arith.constant 0 : i32
      %add3A_333 = arith.addi %squeeze3A_331, %add3A_332 : i32
      %get3A_334 = arith.index_cast %add3A_329 : i32 to index
      %get3A_335 = arith.index_cast %add3A_333 : i32 to index
      %get3A_336 = tpu.vector_load %arg8[%get3A_334, %get3A_335] {strides = array<i32>} : memref<512x128xf32, #tpu.memory_space<vmem>>, vector<1x16xf32>,
      %get3A_337 = vector.shape_cast %get3A_336 : vector<1x16xf32> to vector<16xf32>
      %mul3A_338 = vector.broadcast %squeeze3A_325 : f32 to vector<16xf32>
      %mul3A_339 = arith.mulf %mul3A_338, %get3A_337 : vector<16xf32>
      %add3A_340 = arith.addf %add3A_323, %mul3A_339 : vector<16xf32>
      %slice3A_341 = vector.extract_strided_slice %get3A_95 {offsets = [14], sizes = [1], strides = [1]} : vector<16xf32> to vector<1xf32>
      %squeeze3A_342 = vector.extract %slice3A_341[0] : f32 from vector<1xf32>
      %mul3A_343 = arith.constant 16 : i32
      %mul3A_344 = arith.muli %scan3A_91, %mul3A_343 : i32
      %add3A_345 = arith.constant 14 : i32
      %add3A_346 = arith.addi %mul3A_344, %add3A_345 : i32
      %slice3A_347 = vector.extract_strided_slice %mul3A_103 {offsets = [14], sizes = [1], strides = [1]} : vector<16xi32> to vector<1xi32>
      %squeeze3A_348 = vector.extract %slice3A_347[0] : i32 from vector<1xi32>
      %add3A_349 = arith.constant 0 : i32
      %add3A_350 = arith.addi %squeeze3A_348, %add3A_349 : i32
      %get3A_351 = arith.index_cast %add3A_346 : i32 to index
      %get3A_352 = arith.index_cast %add3A_350 : i32 to index
      %get3A_353 = tpu.vector_load %arg8[%get3A_351, %get3A_352] {strides = array<i32>} : memref<512x128xf32, #tpu.memory_space<vmem>>, vector<1x16xf32>,
      %get3A_354 = vector.shape_cast %get3A_353 : vector<1x16xf32> to vector<16xf32>
      %mul3A_355 = vector.broadcast %squeeze3A_342 : f32 to vector<16xf32>
      %mul3A_356 = arith.mulf %mul3A_355, %get3A_354 : vector<16xf32>
      %add3A_357 = arith.addf %add3A_340, %mul3A_356 : vector<16xf32>
      %slice3A_358 = vector.extract_strided_slice %get3A_95 {offsets = [15], sizes = [1], strides = [1]} : vector<16xf32> to vector<1xf32>
      %squeeze3A_359 = vector.extract %slice3A_358[0] : f32 from vector<1xf32>
      %mul3A_360 = arith.constant 16 : i32
      %mul3A_361 = arith.muli %scan3A_91, %mul3A_360 : i32
      %add3A_362 = arith.constant 15 : i32
      %add3A_363 = arith.addi %mul3A_361, %add3A_362 : i32
      %slice3A_364 = vector.extract_strided_slice %mul3A_103 {offsets = [15], sizes = [1], strides = [1]} : vector<16xi32> to vector<1xi32>
      %squeeze3A_365 = vector.extract %slice3A_364[0] : i32 from vector<1xi32>
      %add3A_366 = arith.constant 0 : i32
      %add3A_367 = arith.addi %squeeze3A_365, %add3A_366 : i32
      %get3A_368 = arith.index_cast %add3A_363 : i32 to index
      %get3A_369 = arith.index_cast %add3A_367 : i32 to index
      %get3A_370 = tpu.vector_load %arg8[%get3A_368, %get3A_369] {strides = array<i32>} : memref<512x128xf32, #tpu.memory_space<vmem>>, vector<1x16xf32>,
      %get3A_371 = vector.shape_cast %get3A_370 : vector<1x16xf32> to vector<16xf32>
      %mul3A_372 = vector.broadcast %squeeze3A_359 : f32 to vector<16xf32>
      %mul3A_373 = arith.mulf %mul3A_372, %get3A_371 : vector<16xf32>
      %add3A_374 = arith.addf %add3A_357, %mul3A_373 : vector<16xf32>
      %swap3A = arith.index_cast %scan3A_91 : i32 to index
      %swap3A_375 = arith.constant 0 : index
      %swap3A_376 = tpu.vector_load %arg11[%swap3A, %swap3A_375] {strides = array<i32>} : memref<32x64xf32, #tpu.memory_space<vmem>>, vector<1x16xf32>,
      %swap3A_377 = vector.shape_cast %swap3A_376 : vector<1x16xf32> to vector<16xf32>
      %swap3A_378 = vector.shape_cast %add3A_374 : vector<16xf32> to vector<1x16xf32>
      tpu.vector_store %arg11[%swap3A, %swap3A_375], %swap3A_378 {strides = array<i32>} : memref<32x64xf32, #tpu.memory_space<vmem>>, vector<1x16xf32>,
      %broadcast_in_dim3A_379 = arith.constant 0.000000e+00 : f32
      %broadcast_in_dim3A_380 = vector.broadcast %broadcast_in_dim3A_379 : f32 to vector<16xf32>
      %slice3A_381 = vector.extract_strided_slice %get3A_95 {offsets = [0], sizes = [1], strides = [1]} : vector<16xf32> to vector<1xf32>
      %squeeze3A_382 = vector.extract %slice3A_381[0] : f32 from vector<1xf32>
      %mul3A_383 = arith.constant 16 : i32
      %mul3A_384 = arith.muli %scan3A_91, %mul3A_383 : i32
      %add3A_385 = arith.constant 0 : i32
      %add3A_386 = arith.addi %mul3A_384, %add3A_385 : i32
      %slice3A_387 = vector.extract_strided_slice %mul3A_103 {offsets = [0], sizes = [1], strides = [1]} : vector<16xi32> to vector<1xi32>
      %squeeze3A_388 = vector.extract %slice3A_387[0] : i32 from vector<1xi32>
      %add3A_389 = arith.constant 16 : i32
      %add3A_390 = arith.addi %squeeze3A_388, %add3A_389 : i32
      %get3A_391 = arith.index_cast %add3A_386 : i32 to index
      %get3A_392 = arith.index_cast %add3A_390 : i32 to index
      %get3A_393 = tpu.vector_load %arg8[%get3A_391, %get3A_392] {strides = array<i32>} : memref<512x128xf32, #tpu.memory_space<vmem>>, vector<1x16xf32>,
      %get3A_394 = vector.shape_cast %get3A_393 : vector<1x16xf32> to vector<16xf32>
      %mul3A_395 = vector.broadcast %squeeze3A_382 : f32 to vector<16xf32>
      %mul3A_396 = arith.mulf %mul3A_395, %get3A_394 : vector<16xf32>
      %add3A_397 = arith.addf %broadcast_in_dim3A_380, %mul3A_396 : vector<16xf32>
      %slice3A_398 = vector.extract_strided_slice %get3A_95 {offsets = [1], sizes = [1], strides = [1]} : vector<16xf32> to vector<1xf32>
      %squeeze3A_399 = vector.extract %slice3A_398[0] : f32 from vector<1xf32>
      %mul3A_400 = arith.constant 16 : i32
      %mul3A_401 = arith.muli %scan3A_91, %mul3A_400 : i32
      %add3A_402 = arith.constant 1 : i32
      %add3A_403 = arith.addi %mul3A_401, %add3A_402 : i32
      %slice3A_404 = vector.extract_strided_slice %mul3A_103 {offsets = [1], sizes = [1], strides = [1]} : vector<16xi32> to vector<1xi32>
      %squeeze3A_405 = vector.extract %slice3A_404[0] : i32 from vector<1xi32>
      %add3A_406 = arith.constant 16 : i32
      %add3A_407 = arith.addi %squeeze3A_405, %add3A_406 : i32
      %get3A_408 = arith.index_cast %add3A_403 : i32 to index
      %get3A_409 = arith.index_cast %add3A_407 : i32 to index
      %get3A_410 = tpu.vector_load %arg8[%get3A_408, %get3A_409] {strides = array<i32>} : memref<512x128xf32, #tpu.memory_space<vmem>>, vector<1x16xf32>,
      %get3A_411 = vector.shape_cast %get3A_410 : vector<1x16xf32> to vector<16xf32>
      %mul3A_412 = vector.broadcast %squeeze3A_399 : f32 to vector<16xf32>
      %mul3A_413 = arith.mulf %mul3A_412, %get3A_411 : vector<16xf32>
      %add3A_414 = arith.addf %add3A_397, %mul3A_413 : vector<16xf32>
      %slice3A_415 = vector.extract_strided_slice %get3A_95 {offsets = [2], sizes = [1], strides = [1]} : vector<16xf32> to vector<1xf32>
      %squeeze3A_416 = vector.extract %slice3A_415[0] : f32 from vector<1xf32>
      %mul3A_417 = arith.constant 16 : i32
      %mul3A_418 = arith.muli %scan3A_91, %mul3A_417 : i32
      %add3A_419 = arith.constant 2 : i32
      %add3A_420 = arith.addi %mul3A_418, %add3A_419 : i32
      %slice3A_421 = vector.extract_strided_slice %mul3A_103 {offsets = [2], sizes = [1], strides = [1]} : vector<16xi32> to vector<1xi32>
      %squeeze3A_422 = vector.extract %slice3A_421[0] : i32 from vector<1xi32>
      %add3A_423 = arith.constant 16 : i32
      %add3A_424 = arith.addi %squeeze3A_422, %add3A_423 : i32
      %get3A_425 = arith.index_cast %add3A_420 : i32 to index
      %get3A_426 = arith.index_cast %add3A_424 : i32 to index
      %get3A_427 = tpu.vector_load %arg8[%get3A_425, %get3A_426] {strides = array<i32>} : memref<512x128xf32, #tpu.memory_space<vmem>>, vector<1x16xf32>,
      %get3A_428 = vector.shape_cast %get3A_427 : vector<1x16xf32> to vector<16xf32>
      %mul3A_429 = vector.broadcast %squeeze3A_416 : f32 to vector<16xf32>
      %mul3A_430 = arith.mulf %mul3A_429, %get3A_428 : vector<16xf32>
      %add3A_431 = arith.addf %add3A_414, %mul3A_430 : vector<16xf32>
      %slice3A_432 = vector.extract_strided_slice %get3A_95 {offsets = [3], sizes = [1], strides = [1]} : vector<16xf32> to vector<1xf32>
      %squeeze3A_433 = vector.extract %slice3A_432[0] : f32 from vector<1xf32>
      %mul3A_434 = arith.constant 16 : i32
      %mul3A_435 = arith.muli %scan3A_91, %mul3A_434 : i32
      %add3A_436 = arith.constant 3 : i32
      %add3A_437 = arith.addi %mul3A_435, %add3A_436 : i32
      %slice3A_438 = vector.extract_strided_slice %mul3A_103 {offsets = [3], sizes = [1], strides = [1]} : vector<16xi32> to vector<1xi32>
      %squeeze3A_439 = vector.extract %slice3A_438[0] : i32 from vector<1xi32>
      %add3A_440 = arith.constant 16 : i32
      %add3A_441 = arith.addi %squeeze3A_439, %add3A_440 : i32
      %get3A_442 = arith.index_cast %add3A_437 : i32 to index
      %get3A_443 = arith.index_cast %add3A_441 : i32 to index
      %get3A_444 = tpu.vector_load %arg8[%get3A_442, %get3A_443] {strides = array<i32>} : memref<512x128xf32, #tpu.memory_space<vmem>>, vector<1x16xf32>,
      %get3A_445 = vector.shape_cast %get3A_444 : vector<1x16xf32> to vector<16xf32>
      %mul3A_446 = vector.broadcast %squeeze3A_433 : f32 to vector<16xf32>
      %mul3A_447 = arith.mulf %mul3A_446, %get3A_445 : vector<16xf32>
      %add3A_448 = arith.addf %add3A_431, %mul3A_447 : vector<16xf32>
      %slice3A_449 = vector.extract_strided_slice %get3A_95 {offsets = [4], sizes = [1], strides = [1]} : vector<16xf32> to vector<1xf32>
      %squeeze3A_450 = vector.extract %slice3A_449[0] : f32 from vector<1xf32>
      %mul3A_451 = arith.constant 16 : i32
      %mul3A_452 = arith.muli %scan3A_91, %mul3A_451 : i32
      %add3A_453 = arith.constant 4 : i32
      %add3A_454 = arith.addi %mul3A_452, %add3A_453 : i32
      %slice3A_455 = vector.extract_strided_slice %mul3A_103 {offsets = [4], sizes = [1], strides = [1]} : vector<16xi32> to vector<1xi32>
      %squeeze3A_456 = vector.extract %slice3A_455[0] : i32 from vector<1xi32>
      %add3A_457 = arith.constant 16 : i32
      %add3A_458 = arith.addi %squeeze3A_456, %add3A_457 : i32
      %get3A_459 = arith.index_cast %add3A_454 : i32 to index
      %get3A_460 = arith.index_cast %add3A_458 : i32 to index
      %get3A_461 = tpu.vector_load %arg8[%get3A_459, %get3A_460] {strides = array<i32>} : memref<512x128xf32, #tpu.memory_space<vmem>>, vector<1x16xf32>,
      %get3A_462 = vector.shape_cast %get3A_461 : vector<1x16xf32> to vector<16xf32>
      %mul3A_463 = vector.broadcast %squeeze3A_450 : f32 to vector<16xf32>
      %mul3A_464 = arith.mulf %mul3A_463, %get3A_462 : vector<16xf32>
      %add3A_465 = arith.addf %add3A_448, %mul3A_464 : vector<16xf32>
      %slice3A_466 = vector.extract_strided_slice %get3A_95 {offsets = [5], sizes = [1], strides = [1]} : vector<16xf32> to vector<1xf32>
      %squeeze3A_467 = vector.extract %slice3A_466[0] : f32 from vector<1xf32>
      %mul3A_468 = arith.constant 16 : i32
      %mul3A_469 = arith.muli %scan3A_91, %mul3A_468 : i32
      %add3A_470 = arith.constant 5 : i32
      %add3A_471 = arith.addi %mul3A_469, %add3A_470 : i32
      %slice3A_472 = vector.extract_strided_slice %mul3A_103 {offsets = [5], sizes = [1], strides = [1]} : vector<16xi32> to vector<1xi32>
      %squeeze3A_473 = vector.extract %slice3A_472[0] : i32 from vector<1xi32>
      %add3A_474 = arith.constant 16 : i32
      %add3A_475 = arith.addi %squeeze3A_473, %add3A_474 : i32
      %get3A_476 = arith.index_cast %add3A_471 : i32 to index
      %get3A_477 = arith.index_cast %add3A_475 : i32 to index
      %get3A_478 = tpu.vector_load %arg8[%get3A_476, %get3A_477] {strides = array<i32>} : memref<512x128xf32, #tpu.memory_space<vmem>>, vector<1x16xf32>,
      %get3A_479 = vector.shape_cast %get3A_478 : vector<1x16xf32> to vector<16xf32>
      %mul3A_480 = vector.broadcast %squeeze3A_467 : f32 to vector<16xf32>
      %mul3A_481 = arith.mulf %mul3A_480, %get3A_479 : vector<16xf32>
      %add3A_482 = arith.addf %add3A_465, %mul3A_481 : vector<16xf32>
      %slice3A_483 = vector.extract_strided_slice %get3A_95 {offsets = [6], sizes = [1], strides = [1]} : vector<16xf32> to vector<1xf32>
      %squeeze3A_484 = vector.extract %slice3A_483[0] : f32 from vector<1xf32>
      %mul3A_485 = arith.constant 16 : i32
      %mul3A_486 = arith.muli %scan3A_91, %mul3A_485 : i32
      %add3A_487 = arith.constant 6 : i32
      %add3A_488 = arith.addi %mul3A_486, %add3A_487 : i32
      %slice3A_489 = vector.extract_strided_slice %mul3A_103 {offsets = [6], sizes = [1], strides = [1]} : vector<16xi32> to vector<1xi32>
      %squeeze3A_490 = vector.extract %slice3A_489[0] : i32 from vector<1xi32>
      %add3A_491 = arith.constant 16 : i32
      %add3A_492 = arith.addi %squeeze3A_490, %add3A_491 : i32
      %get3A_493 = arith.index_cast %add3A_488 : i32 to index
      %get3A_494 = arith.index_cast %add3A_492 : i32 to index
      %get3A_495 = tpu.vector_load %arg8[%get3A_493, %get3A_494] {strides = array<i32>} : memref<512x128xf32, #tpu.memory_space<vmem>>, vector<1x16xf32>,
      %get3A_496 = vector.shape_cast %get3A_495 : vector<1x16xf32> to vector<16xf32>
      %mul3A_497 = vector.broadcast %squeeze3A_484 : f32 to vector<16xf32>
      %mul3A_498 = arith.mulf %mul3A_497, %get3A_496 : vector<16xf32>
      %add3A_499 = arith.addf %add3A_482, %mul3A_498 : vector<16xf32>
      %slice3A_500 = vector.extract_strided_slice %get3A_95 {offsets = [7], sizes = [1], strides = [1]} : vector<16xf32> to vector<1xf32>
      %squeeze3A_501 = vector.extract %slice3A_500[0] : f32 from vector<1xf32>
      %mul3A_502 = arith.constant 16 : i32
      %mul3A_503 = arith.muli %scan3A_91, %mul3A_502 : i32
      %add3A_504 = arith.constant 7 : i32
      %add3A_505 = arith.addi %mul3A_503, %add3A_504 : i32
      %slice3A_506 = vector.extract_strided_slice %mul3A_103 {offsets = [7], sizes = [1], strides = [1]} : vector<16xi32> to vector<1xi32>
      %squeeze3A_507 = vector.extract %slice3A_506[0] : i32 from vector<1xi32>
      %add3A_508 = arith.constant 16 : i32
      %add3A_509 = arith.addi %squeeze3A_507, %add3A_508 : i32
      %get3A_510 = arith.index_cast %add3A_505 : i32 to index
      %get3A_511 = arith.index_cast %add3A_509 : i32 to index
      %get3A_512 = tpu.vector_load %arg8[%get3A_510, %get3A_511] {strides = array<i32>} : memref<512x128xf32, #tpu.memory_space<vmem>>, vector<1x16xf32>,
      %get3A_513 = vector.shape_cast %get3A_512 : vector<1x16xf32> to vector<16xf32>
      %mul3A_514 = vector.broadcast %squeeze3A_501 : f32 to vector<16xf32>
      %mul3A_515 = arith.mulf %mul3A_514, %get3A_513 : vector<16xf32>
      %add3A_516 = arith.addf %add3A_499, %mul3A_515 : vector<16xf32>
      %slice3A_517 = vector.extract_strided_slice %get3A_95 {offsets = [8], sizes = [1], strides = [1]} : vector<16xf32> to vector<1xf32>
      %squeeze3A_518 = vector.extract %slice3A_517[0] : f32 from vector<1xf32>
      %mul3A_519 = arith.constant 16 : i32
      %mul3A_520 = arith.muli %scan3A_91, %mul3A_519 : i32
      %add3A_521 = arith.constant 8 : i32
      %add3A_522 = arith.addi %mul3A_520, %add3A_521 : i32
      %slice3A_523 = vector.extract_strided_slice %mul3A_103 {offsets = [8], sizes = [1], strides = [1]} : vector<16xi32> to vector<1xi32>
      %squeeze3A_524 = vector.extract %slice3A_523[0] : i32 from vector<1xi32>
      %add3A_525 = arith.constant 16 : i32
      %add3A_526 = arith.addi %squeeze3A_524, %add3A_525 : i32
      %get3A_527 = arith.index_cast %add3A_522 : i32 to index
      %get3A_528 = arith.index_cast %add3A_526 : i32 to index
      %get3A_529 = tpu.vector_load %arg8[%get3A_527, %get3A_528] {strides = array<i32>} : memref<512x128xf32, #tpu.memory_space<vmem>>, vector<1x16xf32>,
      %get3A_530 = vector.shape_cast %get3A_529 : vector<1x16xf32> to vector<16xf32>
      %mul3A_531 = vector.broadcast %squeeze3A_518 : f32 to vector<16xf32>
      %mul3A_532 = arith.mulf %mul3A_531, %get3A_530 : vector<16xf32>
      %add3A_533 = arith.addf %add3A_516, %mul3A_532 : vector<16xf32>
      %slice3A_534 = vector.extract_strided_slice %get3A_95 {offsets = [9], sizes = [1], strides = [1]} : vector<16xf32> to vector<1xf32>
      %squeeze3A_535 = vector.extract %slice3A_534[0] : f32 from vector<1xf32>
      %mul3A_536 = arith.constant 16 : i32
      %mul3A_537 = arith.muli %scan3A_91, %mul3A_536 : i32
      %add3A_538 = arith.constant 9 : i32
      %add3A_539 = arith.addi %mul3A_537, %add3A_538 : i32
      %slice3A_540 = vector.extract_strided_slice %mul3A_103 {offsets = [9], sizes = [1], strides = [1]} : vector<16xi32> to vector<1xi32>
      %squeeze3A_541 = vector.extract %slice3A_540[0] : i32 from vector<1xi32>
      %add3A_542 = arith.constant 16 : i32
      %add3A_543 = arith.addi %squeeze3A_541, %add3A_542 : i32
      %get3A_544 = arith.index_cast %add3A_539 : i32 to index
      %get3A_545 = arith.index_cast %add3A_543 : i32 to index
      %get3A_546 = tpu.vector_load %arg8[%get3A_544, %get3A_545] {strides = array<i32>} : memref<512x128xf32, #tpu.memory_space<vmem>>, vector<1x16xf32>,
      %get3A_547 = vector.shape_cast %get3A_546 : vector<1x16xf32> to vector<16xf32>
      %mul3A_548 = vector.broadcast %squeeze3A_535 : f32 to vector<16xf32>
      %mul3A_549 = arith.mulf %mul3A_548, %get3A_547 : vector<16xf32>
      %add3A_550 = arith.addf %add3A_533, %mul3A_549 : vector<16xf32>
      %slice3A_551 = vector.extract_strided_slice %get3A_95 {offsets = [10], sizes = [1], strides = [1]} : vector<16xf32> to vector<1xf32>
      %squeeze3A_552 = vector.extract %slice3A_551[0] : f32 from vector<1xf32>
      %mul3A_553 = arith.constant 16 : i32
      %mul3A_554 = arith.muli %scan3A_91, %mul3A_553 : i32
      %add3A_555 = arith.constant 10 : i32
      %add3A_556 = arith.addi %mul3A_554, %add3A_555 : i32
      %slice3A_557 = vector.extract_strided_slice %mul3A_103 {offsets = [10], sizes = [1], strides = [1]} : vector<16xi32> to vector<1xi32>
      %squeeze3A_558 = vector.extract %slice3A_557[0] : i32 from vector<1xi32>
      %add3A_559 = arith.constant 16 : i32
      %add3A_560 = arith.addi %squeeze3A_558, %add3A_559 : i32
      %get3A_561 = arith.index_cast %add3A_556 : i32 to index
      %get3A_562 = arith.index_cast %add3A_560 : i32 to index
      %get3A_563 = tpu.vector_load %arg8[%get3A_561, %get3A_562] {strides = array<i32>} : memref<512x128xf32, #tpu.memory_space<vmem>>, vector<1x16xf32>,
      %get3A_564 = vector.shape_cast %get3A_563 : vector<1x16xf32> to vector<16xf32>
      %mul3A_565 = vector.broadcast %squeeze3A_552 : f32 to vector<16xf32>
      %mul3A_566 = arith.mulf %mul3A_565, %get3A_564 : vector<16xf32>
      %add3A_567 = arith.addf %add3A_550, %mul3A_566 : vector<16xf32>
      %slice3A_568 = vector.extract_strided_slice %get3A_95 {offsets = [11], sizes = [1], strides = [1]} : vector<16xf32> to vector<1xf32>
      %squeeze3A_569 = vector.extract %slice3A_568[0] : f32 from vector<1xf32>
      %mul3A_570 = arith.constant 16 : i32
      %mul3A_571 = arith.muli %scan3A_91, %mul3A_570 : i32
      %add3A_572 = arith.constant 11 : i32
      %add3A_573 = arith.addi %mul3A_571, %add3A_572 : i32
      %slice3A_574 = vector.extract_strided_slice %mul3A_103 {offsets = [11], sizes = [1], strides = [1]} : vector<16xi32> to vector<1xi32>
      %squeeze3A_575 = vector.extract %slice3A_574[0] : i32 from vector<1xi32>
      %add3A_576 = arith.constant 16 : i32
      %add3A_577 = arith.addi %squeeze3A_575, %add3A_576 : i32
      %get3A_578 = arith.index_cast %add3A_573 : i32 to index
      %get3A_579 = arith.index_cast %add3A_577 : i32 to index
      %get3A_580 = tpu.vector_load %arg8[%get3A_578, %get3A_579] {strides = array<i32>} : memref<512x128xf32, #tpu.memory_space<vmem>>, vector<1x16xf32>,
      %get3A_581 = vector.shape_cast %get3A_580 : vector<1x16xf32> to vector<16xf32>
      %mul3A_582 = vector.broadcast %squeeze3A_569 : f32 to vector<16xf32>
      %mul3A_583 = arith.mulf %mul3A_582, %get3A_581 : vector<16xf32>
      %add3A_584 = arith.addf %add3A_567, %mul3A_583 : vector<16xf32>
      %slice3A_585 = vector.extract_strided_slice %get3A_95 {offsets = [12], sizes = [1], strides = [1]} : vector<16xf32> to vector<1xf32>
      %squeeze3A_586 = vector.extract %slice3A_585[0] : f32 from vector<1xf32>
      %mul3A_587 = arith.constant 16 : i32
      %mul3A_588 = arith.muli %scan3A_91, %mul3A_587 : i32
      %add3A_589 = arith.constant 12 : i32
      %add3A_590 = arith.addi %mul3A_588, %add3A_589 : i32
      %slice3A_591 = vector.extract_strided_slice %mul3A_103 {offsets = [12], sizes = [1], strides = [1]} : vector<16xi32> to vector<1xi32>
      %squeeze3A_592 = vector.extract %slice3A_591[0] : i32 from vector<1xi32>
      %add3A_593 = arith.constant 16 : i32
      %add3A_594 = arith.addi %squeeze3A_592, %add3A_593 : i32
      %get3A_595 = arith.index_cast %add3A_590 : i32 to index
      %get3A_596 = arith.index_cast %add3A_594 : i32 to index
      %get3A_597 = tpu.vector_load %arg8[%get3A_595, %get3A_596] {strides = array<i32>} : memref<512x128xf32, #tpu.memory_space<vmem>>, vector<1x16xf32>,
      %get3A_598 = vector.shape_cast %get3A_597 : vector<1x16xf32> to vector<16xf32>
      %mul3A_599 = vector.broadcast %squeeze3A_586 : f32 to vector<16xf32>
      %mul3A_600 = arith.mulf %mul3A_599, %get3A_598 : vector<16xf32>
      %add3A_601 = arith.addf %add3A_584, %mul3A_600 : vector<16xf32>
      %slice3A_602 = vector.extract_strided_slice %get3A_95 {offsets = [13], sizes = [1], strides = [1]} : vector<16xf32> to vector<1xf32>
      %squeeze3A_603 = vector.extract %slice3A_602[0] : f32 from vector<1xf32>
      %mul3A_604 = arith.constant 16 : i32
      %mul3A_605 = arith.muli %scan3A_91, %mul3A_604 : i32
      %add3A_606 = arith.constant 13 : i32
      %add3A_607 = arith.addi %mul3A_605, %add3A_606 : i32
      %slice3A_608 = vector.extract_strided_slice %mul3A_103 {offsets = [13], sizes = [1], strides = [1]} : vector<16xi32> to vector<1xi32>
      %squeeze3A_609 = vector.extract %slice3A_608[0] : i32 from vector<1xi32>
      %add3A_610 = arith.constant 16 : i32
      %add3A_611 = arith.addi %squeeze3A_609, %add3A_610 : i32
      %get3A_612 = arith.index_cast %add3A_607 : i32 to index
      %get3A_613 = arith.index_cast %add3A_611 : i32 to index
      %get3A_614 = tpu.vector_load %arg8[%get3A_612, %get3A_613] {strides = array<i32>} : memref<512x128xf32, #tpu.memory_space<vmem>>, vector<1x16xf32>,
      %get3A_615 = vector.shape_cast %get3A_614 : vector<1x16xf32> to vector<16xf32>
      %mul3A_616 = vector.broadcast %squeeze3A_603 : f32 to vector<16xf32>
      %mul3A_617 = arith.mulf %mul3A_616, %get3A_615 : vector<16xf32>
      %add3A_618 = arith.addf %add3A_601, %mul3A_617 : vector<16xf32>
      %slice3A_619 = vector.extract_strided_slice %get3A_95 {offsets = [14], sizes = [1], strides = [1]} : vector<16xf32> to vector<1xf32>
      %squeeze3A_620 = vector.extract %slice3A_619[0] : f32 from vector<1xf32>
      %mul3A_621 = arith.constant 16 : i32
      %mul3A_622 = arith.muli %scan3A_91, %mul3A_621 : i32
      %add3A_623 = arith.constant 14 : i32
      %add3A_624 = arith.addi %mul3A_622, %add3A_623 : i32
      %slice3A_625 = vector.extract_strided_slice %mul3A_103 {offsets = [14], sizes = [1], strides = [1]} : vector<16xi32> to vector<1xi32>
      %squeeze3A_626 = vector.extract %slice3A_625[0] : i32 from vector<1xi32>
      %add3A_627 = arith.constant 16 : i32
      %add3A_628 = arith.addi %squeeze3A_626, %add3A_627 : i32
      %get3A_629 = arith.index_cast %add3A_624 : i32 to index
      %get3A_630 = arith.index_cast %add3A_628 : i32 to index
      %get3A_631 = tpu.vector_load %arg8[%get3A_629, %get3A_630] {strides = array<i32>} : memref<512x128xf32, #tpu.memory_space<vmem>>, vector<1x16xf32>,
      %get3A_632 = vector.shape_cast %get3A_631 : vector<1x16xf32> to vector<16xf32>
      %mul3A_633 = vector.broadcast %squeeze3A_620 : f32 to vector<16xf32>
      %mul3A_634 = arith.mulf %mul3A_633, %get3A_632 : vector<16xf32>
      %add3A_635 = arith.addf %add3A_618, %mul3A_634 : vector<16xf32>
      %slice3A_636 = vector.extract_strided_slice %get3A_95 {offsets = [15], sizes = [1], strides = [1]} : vector<16xf32> to vector<1xf32>
      %squeeze3A_637 = vector.extract %slice3A_636[0] : f32 from vector<1xf32>
      %mul3A_638 = arith.constant 16 : i32
      %mul3A_639 = arith.muli %scan3A_91, %mul3A_638 : i32
      %add3A_640 = arith.constant 15 : i32
      %add3A_641 = arith.addi %mul3A_639, %add3A_640 : i32
      %slice3A_642 = vector.extract_strided_slice %mul3A_103 {offsets = [15], sizes = [1], strides = [1]} : vector<16xi32> to vector<1xi32>
      %squeeze3A_643 = vector.extract %slice3A_642[0] : i32 from vector<1xi32>
      %add3A_644 = arith.constant 16 : i32
      %add3A_645 = arith.addi %squeeze3A_643, %add3A_644 : i32
      %get3A_646 = arith.index_cast %add3A_641 : i32 to index
      %get3A_647 = arith.index_cast %add3A_645 : i32 to index
      %get3A_648 = tpu.vector_load %arg8[%get3A_646, %get3A_647] {strides = array<i32>} : memref<512x128xf32, #tpu.memory_space<vmem>>, vector<1x16xf32>,
      %get3A_649 = vector.shape_cast %get3A_648 : vector<1x16xf32> to vector<16xf32>
      %mul3A_650 = vector.broadcast %squeeze3A_637 : f32 to vector<16xf32>
      %mul3A_651 = arith.mulf %mul3A_650, %get3A_649 : vector<16xf32>
      %add3A_652 = arith.addf %add3A_635, %mul3A_651 : vector<16xf32>
      %swap3A_653 = arith.index_cast %scan3A_91 : i32 to index
      %swap3A_654 = arith.constant 16 : index
      %swap3A_655 = tpu.vector_load %arg11[%swap3A_653, %swap3A_654] {strides = array<i32>} : memref<32x64xf32, #tpu.memory_space<vmem>>, vector<1x16xf32>,
      %swap3A_656 = vector.shape_cast %swap3A_655 : vector<1x16xf32> to vector<16xf32>
      %swap3A_657 = vector.shape_cast %add3A_652 : vector<16xf32> to vector<1x16xf32>
      tpu.vector_store %arg11[%swap3A_653, %swap3A_654], %swap3A_657 {strides = array<i32>} : memref<32x64xf32, #tpu.memory_space<vmem>>, vector<1x16xf32>,
      %broadcast_in_dim3A_658 = arith.constant 0.000000e+00 : f32
      %broadcast_in_dim3A_659 = vector.broadcast %broadcast_in_dim3A_658 : f32 to vector<16xf32>
      %slice3A_660 = vector.extract_strided_slice %get3A_95 {offsets = [0], sizes = [1], strides = [1]} : vector<16xf32> to vector<1xf32>
      %squeeze3A_661 = vector.extract %slice3A_660[0] : f32 from vector<1xf32>
      %mul3A_662 = arith.constant 16 : i32
      %mul3A_663 = arith.muli %scan3A_91, %mul3A_662 : i32
      %add3A_664 = arith.constant 0 : i32
      %add3A_665 = arith.addi %mul3A_663, %add3A_664 : i32
      %slice3A_666 = vector.extract_strided_slice %mul3A_103 {offsets = [0], sizes = [1], strides = [1]} : vector<16xi32> to vector<1xi32>
      %squeeze3A_667 = vector.extract %slice3A_666[0] : i32 from vector<1xi32>
      %add3A_668 = arith.constant 32 : i32
      %add3A_669 = arith.addi %squeeze3A_667, %add3A_668 : i32
      %get3A_670 = arith.index_cast %add3A_665 : i32 to index
      %get3A_671 = arith.index_cast %add3A_669 : i32 to index
      %get3A_672 = tpu.vector_load %arg8[%get3A_670, %get3A_671] {strides = array<i32>} : memref<512x128xf32, #tpu.memory_space<vmem>>, vector<1x16xf32>,
      %get3A_673 = vector.shape_cast %get3A_672 : vector<1x16xf32> to vector<16xf32>
      %mul3A_674 = vector.broadcast %squeeze3A_661 : f32 to vector<16xf32>
      %mul3A_675 = arith.mulf %mul3A_674, %get3A_673 : vector<16xf32>
      %add3A_676 = arith.addf %broadcast_in_dim3A_659, %mul3A_675 : vector<16xf32>
      %slice3A_677 = vector.extract_strided_slice %get3A_95 {offsets = [1], sizes = [1], strides = [1]} : vector<16xf32> to vector<1xf32>
      %squeeze3A_678 = vector.extract %slice3A_677[0] : f32 from vector<1xf32>
      %mul3A_679 = arith.constant 16 : i32
      %mul3A_680 = arith.muli %scan3A_91, %mul3A_679 : i32
      %add3A_681 = arith.constant 1 : i32
      %add3A_682 = arith.addi %mul3A_680, %add3A_681 : i32
      %slice3A_683 = vector.extract_strided_slice %mul3A_103 {offsets = [1], sizes = [1], strides = [1]} : vector<16xi32> to vector<1xi32>
      %squeeze3A_684 = vector.extract %slice3A_683[0] : i32 from vector<1xi32>
      %add3A_685 = arith.constant 32 : i32
      %add3A_686 = arith.addi %squeeze3A_684, %add3A_685 : i32
      %get3A_687 = arith.index_cast %add3A_682 : i32 to index
      %get3A_688 = arith.index_cast %add3A_686 : i32 to index
      %get3A_689 = tpu.vector_load %arg8[%get3A_687, %get3A_688] {strides = array<i32>} : memref<512x128xf32, #tpu.memory_space<vmem>>, vector<1x16xf32>,
      %get3A_690 = vector.shape_cast %get3A_689 : vector<1x16xf32> to vector<16xf32>
      %mul3A_691 = vector.broadcast %squeeze3A_678 : f32 to vector<16xf32>
      %mul3A_692 = arith.mulf %mul3A_691, %get3A_690 : vector<16xf32>
      %add3A_693 = arith.addf %add3A_676, %mul3A_692 : vector<16xf32>
      %slice3A_694 = vector.extract_strided_slice %get3A_95 {offsets = [2], sizes = [1], strides = [1]} : vector<16xf32> to vector<1xf32>
      %squeeze3A_695 = vector.extract %slice3A_694[0] : f32 from vector<1xf32>
      %mul3A_696 = arith.constant 16 : i32
      %mul3A_697 = arith.muli %scan3A_91, %mul3A_696 : i32
      %add3A_698 = arith.constant 2 : i32
      %add3A_699 = arith.addi %mul3A_697, %add3A_698 : i32
      %slice3A_700 = vector.extract_strided_slice %mul3A_103 {offsets = [2], sizes = [1], strides = [1]} : vector<16xi32> to vector<1xi32>
      %squeeze3A_701 = vector.extract %slice3A_700[0] : i32 from vector<1xi32>
      %add3A_702 = arith.constant 32 : i32
      %add3A_703 = arith.addi %squeeze3A_701, %add3A_702 : i32
      %get3A_704 = arith.index_cast %add3A_699 : i32 to index
      %get3A_705 = arith.index_cast %add3A_703 : i32 to index
      %get3A_706 = tpu.vector_load %arg8[%get3A_704, %get3A_705] {strides = array<i32>} : memref<512x128xf32, #tpu.memory_space<vmem>>, vector<1x16xf32>,
      %get3A_707 = vector.shape_cast %get3A_706 : vector<1x16xf32> to vector<16xf32>
      %mul3A_708 = vector.broadcast %squeeze3A_695 : f32 to vector<16xf32>
      %mul3A_709 = arith.mulf %mul3A_708, %get3A_707 : vector<16xf32>
      %add3A_710 = arith.addf %add3A_693, %mul3A_709 : vector<16xf32>
      %slice3A_711 = vector.extract_strided_slice %get3A_95 {offsets = [3], sizes = [1], strides = [1]} : vector<16xf32> to vector<1xf32>
      %squeeze3A_712 = vector.extract %slice3A_711[0] : f32 from vector<1xf32>
      %mul3A_713 = arith.constant 16 : i32
      %mul3A_714 = arith.muli %scan3A_91, %mul3A_713 : i32
      %add3A_715 = arith.constant 3 : i32
      %add3A_716 = arith.addi %mul3A_714, %add3A_715 : i32
      %slice3A_717 = vector.extract_strided_slice %mul3A_103 {offsets = [3], sizes = [1], strides = [1]} : vector<16xi32> to vector<1xi32>
      %squeeze3A_718 = vector.extract %slice3A_717[0] : i32 from vector<1xi32>
      %add3A_719 = arith.constant 32 : i32
      %add3A_720 = arith.addi %squeeze3A_718, %add3A_719 : i32
      %get3A_721 = arith.index_cast %add3A_716 : i32 to index
      %get3A_722 = arith.index_cast %add3A_720 : i32 to index
      %get3A_723 = tpu.vector_load %arg8[%get3A_721, %get3A_722] {strides = array<i32>} : memref<512x128xf32, #tpu.memory_space<vmem>>, vector<1x16xf32>,
      %get3A_724 = vector.shape_cast %get3A_723 : vector<1x16xf32> to vector<16xf32>
      %mul3A_725 = vector.broadcast %squeeze3A_712 : f32 to vector<16xf32>
      %mul3A_726 = arith.mulf %mul3A_725, %get3A_724 : vector<16xf32>
      %add3A_727 = arith.addf %add3A_710, %mul3A_726 : vector<16xf32>
      %slice3A_728 = vector.extract_strided_slice %get3A_95 {offsets = [4], sizes = [1], strides = [1]} : vector<16xf32> to vector<1xf32>
      %squeeze3A_729 = vector.extract %slice3A_728[0] : f32 from vector<1xf32>
      %mul3A_730 = arith.constant 16 : i32
      %mul3A_731 = arith.muli %scan3A_91, %mul3A_730 : i32
      %add3A_732 = arith.constant 4 : i32
      %add3A_733 = arith.addi %mul3A_731, %add3A_732 : i32
      %slice3A_734 = vector.extract_strided_slice %mul3A_103 {offsets = [4], sizes = [1], strides = [1]} : vector<16xi32> to vector<1xi32>
      %squeeze3A_735 = vector.extract %slice3A_734[0] : i32 from vector<1xi32>
      %add3A_736 = arith.constant 32 : i32
      %add3A_737 = arith.addi %squeeze3A_735, %add3A_736 : i32
      %get3A_738 = arith.index_cast %add3A_733 : i32 to index
      %get3A_739 = arith.index_cast %add3A_737 : i32 to index
      %get3A_740 = tpu.vector_load %arg8[%get3A_738, %get3A_739] {strides = array<i32>} : memref<512x128xf32, #tpu.memory_space<vmem>>, vector<1x16xf32>,
      %get3A_741 = vector.shape_cast %get3A_740 : vector<1x16xf32> to vector<16xf32>
      %mul3A_742 = vector.broadcast %squeeze3A_729 : f32 to vector<16xf32>
      %mul3A_743 = arith.mulf %mul3A_742, %get3A_741 : vector<16xf32>
      %add3A_744 = arith.addf %add3A_727, %mul3A_743 : vector<16xf32>
      %slice3A_745 = vector.extract_strided_slice %get3A_95 {offsets = [5], sizes = [1], strides = [1]} : vector<16xf32> to vector<1xf32>
      %squeeze3A_746 = vector.extract %slice3A_745[0] : f32 from vector<1xf32>
      %mul3A_747 = arith.constant 16 : i32
      %mul3A_748 = arith.muli %scan3A_91, %mul3A_747 : i32
      %add3A_749 = arith.constant 5 : i32
      %add3A_750 = arith.addi %mul3A_748, %add3A_749 : i32
      %slice3A_751 = vector.extract_strided_slice %mul3A_103 {offsets = [5], sizes = [1], strides = [1]} : vector<16xi32> to vector<1xi32>
      %squeeze3A_752 = vector.extract %slice3A_751[0] : i32 from vector<1xi32>
      %add3A_753 = arith.constant 32 : i32
      %add3A_754 = arith.addi %squeeze3A_752, %add3A_753 : i32
      %get3A_755 = arith.index_cast %add3A_750 : i32 to index
      %get3A_756 = arith.index_cast %add3A_754 : i32 to index
      %get3A_757 = tpu.vector_load %arg8[%get3A_755, %get3A_756] {strides = array<i32>} : memref<512x128xf32, #tpu.memory_space<vmem>>, vector<1x16xf32>,
      %get3A_758 = vector.shape_cast %get3A_757 : vector<1x16xf32> to vector<16xf32>
      %mul3A_759 = vector.broadcast %squeeze3A_746 : f32 to vector<16xf32>
      %mul3A_760 = arith.mulf %mul3A_759, %get3A_758 : vector<16xf32>
      %add3A_761 = arith.addf %add3A_744, %mul3A_760 : vector<16xf32>
      %slice3A_762 = vector.extract_strided_slice %get3A_95 {offsets = [6], sizes = [1], strides = [1]} : vector<16xf32> to vector<1xf32>
      %squeeze3A_763 = vector.extract %slice3A_762[0] : f32 from vector<1xf32>
      %mul3A_764 = arith.constant 16 : i32
      %mul3A_765 = arith.muli %scan3A_91, %mul3A_764 : i32
      %add3A_766 = arith.constant 6 : i32
      %add3A_767 = arith.addi %mul3A_765, %add3A_766 : i32
      %slice3A_768 = vector.extract_strided_slice %mul3A_103 {offsets = [6], sizes = [1], strides = [1]} : vector<16xi32> to vector<1xi32>
      %squeeze3A_769 = vector.extract %slice3A_768[0] : i32 from vector<1xi32>
      %add3A_770 = arith.constant 32 : i32
      %add3A_771 = arith.addi %squeeze3A_769, %add3A_770 : i32
      %get3A_772 = arith.index_cast %add3A_767 : i32 to index
      %get3A_773 = arith.index_cast %add3A_771 : i32 to index
      %get3A_774 = tpu.vector_load %arg8[%get3A_772, %get3A_773] {strides = array<i32>} : memref<512x128xf32, #tpu.memory_space<vmem>>, vector<1x16xf32>,
      %get3A_775 = vector.shape_cast %get3A_774 : vector<1x16xf32> to vector<16xf32>
      %mul3A_776 = vector.broadcast %squeeze3A_763 : f32 to vector<16xf32>
      %mul3A_777 = arith.mulf %mul3A_776, %get3A_775 : vector<16xf32>
      %add3A_778 = arith.addf %add3A_761, %mul3A_777 : vector<16xf32>
      %slice3A_779 = vector.extract_strided_slice %get3A_95 {offsets = [7], sizes = [1], strides = [1]} : vector<16xf32> to vector<1xf32>
      %squeeze3A_780 = vector.extract %slice3A_779[0] : f32 from vector<1xf32>
      %mul3A_781 = arith.constant 16 : i32
      %mul3A_782 = arith.muli %scan3A_91, %mul3A_781 : i32
      %add3A_783 = arith.constant 7 : i32
      %add3A_784 = arith.addi %mul3A_782, %add3A_783 : i32
      %slice3A_785 = vector.extract_strided_slice %mul3A_103 {offsets = [7], sizes = [1], strides = [1]} : vector<16xi32> to vector<1xi32>
      %squeeze3A_786 = vector.extract %slice3A_785[0] : i32 from vector<1xi32>
      %add3A_787 = arith.constant 32 : i32
      %add3A_788 = arith.addi %squeeze3A_786, %add3A_787 : i32
      %get3A_789 = arith.index_cast %add3A_784 : i32 to index
      %get3A_790 = arith.index_cast %add3A_788 : i32 to index
      %get3A_791 = tpu.vector_load %arg8[%get3A_789, %get3A_790] {strides = array<i32>} : memref<512x128xf32, #tpu.memory_space<vmem>>, vector<1x16xf32>,
      %get3A_792 = vector.shape_cast %get3A_791 : vector<1x16xf32> to vector<16xf32>
      %mul3A_793 = vector.broadcast %squeeze3A_780 : f32 to vector<16xf32>
      %mul3A_794 = arith.mulf %mul3A_793, %get3A_792 : vector<16xf32>
      %add3A_795 = arith.addf %add3A_778, %mul3A_794 : vector<16xf32>
      %slice3A_796 = vector.extract_strided_slice %get3A_95 {offsets = [8], sizes = [1], strides = [1]} : vector<16xf32> to vector<1xf32>
      %squeeze3A_797 = vector.extract %slice3A_796[0] : f32 from vector<1xf32>
      %mul3A_798 = arith.constant 16 : i32
      %mul3A_799 = arith.muli %scan3A_91, %mul3A_798 : i32
      %add3A_800 = arith.constant 8 : i32
      %add3A_801 = arith.addi %mul3A_799, %add3A_800 : i32
      %slice3A_802 = vector.extract_strided_slice %mul3A_103 {offsets = [8], sizes = [1], strides = [1]} : vector<16xi32> to vector<1xi32>
      %squeeze3A_803 = vector.extract %slice3A_802[0] : i32 from vector<1xi32>
      %add3A_804 = arith.constant 32 : i32
      %add3A_805 = arith.addi %squeeze3A_803, %add3A_804 : i32
      %get3A_806 = arith.index_cast %add3A_801 : i32 to index
      %get3A_807 = arith.index_cast %add3A_805 : i32 to index
      %get3A_808 = tpu.vector_load %arg8[%get3A_806, %get3A_807] {strides = array<i32>} : memref<512x128xf32, #tpu.memory_space<vmem>>, vector<1x16xf32>,
      %get3A_809 = vector.shape_cast %get3A_808 : vector<1x16xf32> to vector<16xf32>
      %mul3A_810 = vector.broadcast %squeeze3A_797 : f32 to vector<16xf32>
      %mul3A_811 = arith.mulf %mul3A_810, %get3A_809 : vector<16xf32>
      %add3A_812 = arith.addf %add3A_795, %mul3A_811 : vector<16xf32>
      %slice3A_813 = vector.extract_strided_slice %get3A_95 {offsets = [9], sizes = [1], strides = [1]} : vector<16xf32> to vector<1xf32>
      %squeeze3A_814 = vector.extract %slice3A_813[0] : f32 from vector<1xf32>
      %mul3A_815 = arith.constant 16 : i32
      %mul3A_816 = arith.muli %scan3A_91, %mul3A_815 : i32
      %add3A_817 = arith.constant 9 : i32
      %add3A_818 = arith.addi %mul3A_816, %add3A_817 : i32
      %slice3A_819 = vector.extract_strided_slice %mul3A_103 {offsets = [9], sizes = [1], strides = [1]} : vector<16xi32> to vector<1xi32>
      %squeeze3A_820 = vector.extract %slice3A_819[0] : i32 from vector<1xi32>
      %add3A_821 = arith.constant 32 : i32
      %add3A_822 = arith.addi %squeeze3A_820, %add3A_821 : i32
      %get3A_823 = arith.index_cast %add3A_818 : i32 to index
      %get3A_824 = arith.index_cast %add3A_822 : i32 to index
      %get3A_825 = tpu.vector_load %arg8[%get3A_823, %get3A_824] {strides = array<i32>} : memref<512x128xf32, #tpu.memory_space<vmem>>, vector<1x16xf32>,
      %get3A_826 = vector.shape_cast %get3A_825 : vector<1x16xf32> to vector<16xf32>
      %mul3A_827 = vector.broadcast %squeeze3A_814 : f32 to vector<16xf32>
      %mul3A_828 = arith.mulf %mul3A_827, %get3A_826 : vector<16xf32>
      %add3A_829 = arith.addf %add3A_812, %mul3A_828 : vector<16xf32>
      %slice3A_830 = vector.extract_strided_slice %get3A_95 {offsets = [10], sizes = [1], strides = [1]} : vector<16xf32> to vector<1xf32>
      %squeeze3A_831 = vector.extract %slice3A_830[0] : f32 from vector<1xf32>
      %mul3A_832 = arith.constant 16 : i32
      %mul3A_833 = arith.muli %scan3A_91, %mul3A_832 : i32
      %add3A_834 = arith.constant 10 : i32
      %add3A_835 = arith.addi %mul3A_833, %add3A_834 : i32
      %slice3A_836 = vector.extract_strided_slice %mul3A_103 {offsets = [10], sizes = [1], strides = [1]} : vector<16xi32> to vector<1xi32>
      %squeeze3A_837 = vector.extract %slice3A_836[0] : i32 from vector<1xi32>
      %add3A_838 = arith.constant 32 : i32
      %add3A_839 = arith.addi %squeeze3A_837, %add3A_838 : i32
      %get3A_840 = arith.index_cast %add3A_835 : i32 to index
      %get3A_841 = arith.index_cast %add3A_839 : i32 to index
      %get3A_842 = tpu.vector_load %arg8[%get3A_840, %get3A_841] {strides = array<i32>} : memref<512x128xf32, #tpu.memory_space<vmem>>, vector<1x16xf32>,
      %get3A_843 = vector.shape_cast %get3A_842 : vector<1x16xf32> to vector<16xf32>
      %mul3A_844 = vector.broadcast %squeeze3A_831 : f32 to vector<16xf32>
      %mul3A_845 = arith.mulf %mul3A_844, %get3A_843 : vector<16xf32>
      %add3A_846 = arith.addf %add3A_829, %mul3A_845 : vector<16xf32>
      %slice3A_847 = vector.extract_strided_slice %get3A_95 {offsets = [11], sizes = [1], strides = [1]} : vector<16xf32> to vector<1xf32>
      %squeeze3A_848 = vector.extract %slice3A_847[0] : f32 from vector<1xf32>
      %mul3A_849 = arith.constant 16 : i32
      %mul3A_850 = arith.muli %scan3A_91, %mul3A_849 : i32
      %add3A_851 = arith.constant 11 : i32
      %add3A_852 = arith.addi %mul3A_850, %add3A_851 : i32
      %slice3A_853 = vector.extract_strided_slice %mul3A_103 {offsets = [11], sizes = [1], strides = [1]} : vector<16xi32> to vector<1xi32>
      %squeeze3A_854 = vector.extract %slice3A_853[0] : i32 from vector<1xi32>
      %add3A_855 = arith.constant 32 : i32
      %add3A_856 = arith.addi %squeeze3A_854, %add3A_855 : i32
      %get3A_857 = arith.index_cast %add3A_852 : i32 to index
      %get3A_858 = arith.index_cast %add3A_856 : i32 to index
      %get3A_859 = tpu.vector_load %arg8[%get3A_857, %get3A_858] {strides = array<i32>} : memref<512x128xf32, #tpu.memory_space<vmem>>, vector<1x16xf32>,
      %get3A_860 = vector.shape_cast %get3A_859 : vector<1x16xf32> to vector<16xf32>
      %mul3A_861 = vector.broadcast %squeeze3A_848 : f32 to vector<16xf32>
      %mul3A_862 = arith.mulf %mul3A_861, %get3A_860 : vector<16xf32>
      %add3A_863 = arith.addf %add3A_846, %mul3A_862 : vector<16xf32>
      %slice3A_864 = vector.extract_strided_slice %get3A_95 {offsets = [12], sizes = [1], strides = [1]} : vector<16xf32> to vector<1xf32>
      %squeeze3A_865 = vector.extract %slice3A_864[0] : f32 from vector<1xf32>
      %mul3A_866 = arith.constant 16 : i32
      %mul3A_867 = arith.muli %scan3A_91, %mul3A_866 : i32
      %add3A_868 = arith.constant 12 : i32
      %add3A_869 = arith.addi %mul3A_867, %add3A_868 : i32
      %slice3A_870 = vector.extract_strided_slice %mul3A_103 {offsets = [12], sizes = [1], strides = [1]} : vector<16xi32> to vector<1xi32>
      %squeeze3A_871 = vector.extract %slice3A_870[0] : i32 from vector<1xi32>
      %add3A_872 = arith.constant 32 : i32
      %add3A_873 = arith.addi %squeeze3A_871, %add3A_872 : i32
      %get3A_874 = arith.index_cast %add3A_869 : i32 to index
      %get3A_875 = arith.index_cast %add3A_873 : i32 to index
      %get3A_876 = tpu.vector_load %arg8[%get3A_874, %get3A_875] {strides = array<i32>} : memref<512x128xf32, #tpu.memory_space<vmem>>, vector<1x16xf32>,
      %get3A_877 = vector.shape_cast %get3A_876 : vector<1x16xf32> to vector<16xf32>
      %mul3A_878 = vector.broadcast %squeeze3A_865 : f32 to vector<16xf32>
      %mul3A_879 = arith.mulf %mul3A_878, %get3A_877 : vector<16xf32>
      %add3A_880 = arith.addf %add3A_863, %mul3A_879 : vector<16xf32>
      %slice3A_881 = vector.extract_strided_slice %get3A_95 {offsets = [13], sizes = [1], strides = [1]} : vector<16xf32> to vector<1xf32>
      %squeeze3A_882 = vector.extract %slice3A_881[0] : f32 from vector<1xf32>
      %mul3A_883 = arith.constant 16 : i32
      %mul3A_884 = arith.muli %scan3A_91, %mul3A_883 : i32
      %add3A_885 = arith.constant 13 : i32
      %add3A_886 = arith.addi %mul3A_884, %add3A_885 : i32
      %slice3A_887 = vector.extract_strided_slice %mul3A_103 {offsets = [13], sizes = [1], strides = [1]} : vector<16xi32> to vector<1xi32>
      %squeeze3A_888 = vector.extract %slice3A_887[0] : i32 from vector<1xi32>
      %add3A_889 = arith.constant 32 : i32
      %add3A_890 = arith.addi %squeeze3A_888, %add3A_889 : i32
      %get3A_891 = arith.index_cast %add3A_886 : i32 to index
      %get3A_892 = arith.index_cast %add3A_890 : i32 to index
      %get3A_893 = tpu.vector_load %arg8[%get3A_891, %get3A_892] {strides = array<i32>} : memref<512x128xf32, #tpu.memory_space<vmem>>, vector<1x16xf32>,
      %get3A_894 = vector.shape_cast %get3A_893 : vector<1x16xf32> to vector<16xf32>
      %mul3A_895 = vector.broadcast %squeeze3A_882 : f32 to vector<16xf32>
      %mul3A_896 = arith.mulf %mul3A_895, %get3A_894 : vector<16xf32>
      %add3A_897 = arith.addf %add3A_880, %mul3A_896 : vector<16xf32>
      %slice3A_898 = vector.extract_strided_slice %get3A_95 {offsets = [14], sizes = [1], strides = [1]} : vector<16xf32> to vector<1xf32>
      %squeeze3A_899 = vector.extract %slice3A_898[0] : f32 from vector<1xf32>
      %mul3A_900 = arith.constant 16 : i32
      %mul3A_901 = arith.muli %scan3A_91, %mul3A_900 : i32
      %add3A_902 = arith.constant 14 : i32
      %add3A_903 = arith.addi %mul3A_901, %add3A_902 : i32
      %slice3A_904 = vector.extract_strided_slice %mul3A_103 {offsets = [14], sizes = [1], strides = [1]} : vector<16xi32> to vector<1xi32>
      %squeeze3A_905 = vector.extract %slice3A_904[0] : i32 from vector<1xi32>
      %add3A_906 = arith.constant 32 : i32
      %add3A_907 = arith.addi %squeeze3A_905, %add3A_906 : i32
      %get3A_908 = arith.index_cast %add3A_903 : i32 to index
      %get3A_909 = arith.index_cast %add3A_907 : i32 to index
      %get3A_910 = tpu.vector_load %arg8[%get3A_908, %get3A_909] {strides = array<i32>} : memref<512x128xf32, #tpu.memory_space<vmem>>, vector<1x16xf32>,
      %get3A_911 = vector.shape_cast %get3A_910 : vector<1x16xf32> to vector<16xf32>
      %mul3A_912 = vector.broadcast %squeeze3A_899 : f32 to vector<16xf32>
      %mul3A_913 = arith.mulf %mul3A_912, %get3A_911 : vector<16xf32>
      %add3A_914 = arith.addf %add3A_897, %mul3A_913 : vector<16xf32>
      %slice3A_915 = vector.extract_strided_slice %get3A_95 {offsets = [15], sizes = [1], strides = [1]} : vector<16xf32> to vector<1xf32>
      %squeeze3A_916 = vector.extract %slice3A_915[0] : f32 from vector<1xf32>
      %mul3A_917 = arith.constant 16 : i32
      %mul3A_918 = arith.muli %scan3A_91, %mul3A_917 : i32
      %add3A_919 = arith.constant 15 : i32
      %add3A_920 = arith.addi %mul3A_918, %add3A_919 : i32
      %slice3A_921 = vector.extract_strided_slice %mul3A_103 {offsets = [15], sizes = [1], strides = [1]} : vector<16xi32> to vector<1xi32>
      %squeeze3A_922 = vector.extract %slice3A_921[0] : i32 from vector<1xi32>
      %add3A_923 = arith.constant 32 : i32
      %add3A_924 = arith.addi %squeeze3A_922, %add3A_923 : i32
      %get3A_925 = arith.index_cast %add3A_920 : i32 to index
      %get3A_926 = arith.index_cast %add3A_924 : i32 to index
      %get3A_927 = tpu.vector_load %arg8[%get3A_925, %get3A_926] {strides = array<i32>} : memref<512x128xf32, #tpu.memory_space<vmem>>, vector<1x16xf32>,
      %get3A_928 = vector.shape_cast %get3A_927 : vector<1x16xf32> to vector<16xf32>
      %mul3A_929 = vector.broadcast %squeeze3A_916 : f32 to vector<16xf32>
      %mul3A_930 = arith.mulf %mul3A_929, %get3A_928 : vector<16xf32>
      %add3A_931 = arith.addf %add3A_914, %mul3A_930 : vector<16xf32>
      %swap3A_932 = arith.index_cast %scan3A_91 : i32 to index
      %swap3A_933 = arith.constant 32 : index
      %swap3A_934 = tpu.vector_load %arg11[%swap3A_932, %swap3A_933] {strides = array<i32>} : memref<32x64xf32, #tpu.memory_space<vmem>>, vector<1x16xf32>,
      %swap3A_935 = vector.shape_cast %swap3A_934 : vector<1x16xf32> to vector<16xf32>
      %swap3A_936 = vector.shape_cast %add3A_931 : vector<16xf32> to vector<1x16xf32>
      tpu.vector_store %arg11[%swap3A_932, %swap3A_933], %swap3A_936 {strides = array<i32>} : memref<32x64xf32, #tpu.memory_space<vmem>>, vector<1x16xf32>,
      %broadcast_in_dim3A_937 = arith.constant 0.000000e+00 : f32
      %broadcast_in_dim3A_938 = vector.broadcast %broadcast_in_dim3A_937 : f32 to vector<16xf32>
      %slice3A_939 = vector.extract_strided_slice %get3A_95 {offsets = [0], sizes = [1], strides = [1]} : vector<16xf32> to vector<1xf32>
      %squeeze3A_940 = vector.extract %slice3A_939[0] : f32 from vector<1xf32>
      %mul3A_941 = arith.constant 16 : i32
      %mul3A_942 = arith.muli %scan3A_91, %mul3A_941 : i32
      %add3A_943 = arith.constant 0 : i32
      %add3A_944 = arith.addi %mul3A_942, %add3A_943 : i32
      %slice3A_945 = vector.extract_strided_slice %mul3A_103 {offsets = [0], sizes = [1], strides = [1]} : vector<16xi32> to vector<1xi32>
      %squeeze3A_946 = vector.extract %slice3A_945[0] : i32 from vector<1xi32>
      %add3A_947 = arith.constant 48 : i32
      %add3A_948 = arith.addi %squeeze3A_946, %add3A_947 : i32
      %get3A_949 = arith.index_cast %add3A_944 : i32 to index
      %get3A_950 = arith.index_cast %add3A_948 : i32 to index
      %get3A_951 = tpu.vector_load %arg8[%get3A_949, %get3A_950] {strides = array<i32>} : memref<512x128xf32, #tpu.memory_space<vmem>>, vector<1x16xf32>,
      %get3A_952 = vector.shape_cast %get3A_951 : vector<1x16xf32> to vector<16xf32>
      %mul3A_953 = vector.broadcast %squeeze3A_940 : f32 to vector<16xf32>
      %mul3A_954 = arith.mulf %mul3A_953, %get3A_952 : vector<16xf32>
      %add3A_955 = arith.addf %broadcast_in_dim3A_938, %mul3A_954 : vector<16xf32>
      %slice3A_956 = vector.extract_strided_slice %get3A_95 {offsets = [1], sizes = [1], strides = [1]} : vector<16xf32> to vector<1xf32>
      %squeeze3A_957 = vector.extract %slice3A_956[0] : f32 from vector<1xf32>
      %mul3A_958 = arith.constant 16 : i32
      %mul3A_959 = arith.muli %scan3A_91, %mul3A_958 : i32
      %add3A_960 = arith.constant 1 : i32
      %add3A_961 = arith.addi %mul3A_959, %add3A_960 : i32
      %slice3A_962 = vector.extract_strided_slice %mul3A_103 {offsets = [1], sizes = [1], strides = [1]} : vector<16xi32> to vector<1xi32>
      %squeeze3A_963 = vector.extract %slice3A_962[0] : i32 from vector<1xi32>
      %add3A_964 = arith.constant 48 : i32
      %add3A_965 = arith.addi %squeeze3A_963, %add3A_964 : i32
      %get3A_966 = arith.index_cast %add3A_961 : i32 to index
      %get3A_967 = arith.index_cast %add3A_965 : i32 to index
      %get3A_968 = tpu.vector_load %arg8[%get3A_966, %get3A_967] {strides = array<i32>} : memref<512x128xf32, #tpu.memory_space<vmem>>, vector<1x16xf32>,
      %get3A_969 = vector.shape_cast %get3A_968 : vector<1x16xf32> to vector<16xf32>
      %mul3A_970 = vector.broadcast %squeeze3A_957 : f32 to vector<16xf32>
      %mul3A_971 = arith.mulf %mul3A_970, %get3A_969 : vector<16xf32>
      %add3A_972 = arith.addf %add3A_955, %mul3A_971 : vector<16xf32>
      %slice3A_973 = vector.extract_strided_slice %get3A_95 {offsets = [2], sizes = [1], strides = [1]} : vector<16xf32> to vector<1xf32>
      %squeeze3A_974 = vector.extract %slice3A_973[0] : f32 from vector<1xf32>
      %mul3A_975 = arith.constant 16 : i32
      %mul3A_976 = arith.muli %scan3A_91, %mul3A_975 : i32
      %add3A_977 = arith.constant 2 : i32
      %add3A_978 = arith.addi %mul3A_976, %add3A_977 : i32
      %slice3A_979 = vector.extract_strided_slice %mul3A_103 {offsets = [2], sizes = [1], strides = [1]} : vector<16xi32> to vector<1xi32>
      %squeeze3A_980 = vector.extract %slice3A_979[0] : i32 from vector<1xi32>
      %add3A_981 = arith.constant 48 : i32
      %add3A_982 = arith.addi %squeeze3A_980, %add3A_981 : i32
      %get3A_983 = arith.index_cast %add3A_978 : i32 to index
      %get3A_984 = arith.index_cast %add3A_982 : i32 to index
      %get3A_985 = tpu.vector_load %arg8[%get3A_983, %get3A_984] {strides = array<i32>} : memref<512x128xf32, #tpu.memory_space<vmem>>, vector<1x16xf32>,
      %get3A_986 = vector.shape_cast %get3A_985 : vector<1x16xf32> to vector<16xf32>
      %mul3A_987 = vector.broadcast %squeeze3A_974 : f32 to vector<16xf32>
      %mul3A_988 = arith.mulf %mul3A_987, %get3A_986 : vector<16xf32>
      %add3A_989 = arith.addf %add3A_972, %mul3A_988 : vector<16xf32>
      %slice3A_990 = vector.extract_strided_slice %get3A_95 {offsets = [3], sizes = [1], strides = [1]} : vector<16xf32> to vector<1xf32>
      %squeeze3A_991 = vector.extract %slice3A_990[0] : f32 from vector<1xf32>
      %mul3A_992 = arith.constant 16 : i32
      %mul3A_993 = arith.muli %scan3A_91, %mul3A_992 : i32
      %add3A_994 = arith.constant 3 : i32
      %add3A_995 = arith.addi %mul3A_993, %add3A_994 : i32
      %slice3A_996 = vector.extract_strided_slice %mul3A_103 {offsets = [3], sizes = [1], strides = [1]} : vector<16xi32> to vector<1xi32>
      %squeeze3A_997 = vector.extract %slice3A_996[0] : i32 from vector<1xi32>
      %add3A_998 = arith.constant 48 : i32
      %add3A_999 = arith.addi %squeeze3A_997, %add3A_998 : i32
      %get3A_1000 = arith.index_cast %add3A_995 : i32 to index
      %get3A_1001 = arith.index_cast %add3A_999 : i32 to index
      %get3A_1002 = tpu.vector_load %arg8[%get3A_1000, %get3A_1001] {strides = array<i32>} : memref<512x128xf32, #tpu.memory_space<vmem>>, vector<1x16xf32>,
      %get3A_1003 = vector.shape_cast %get3A_1002 : vector<1x16xf32> to vector<16xf32>
      %mul3A_1004 = vector.broadcast %squeeze3A_991 : f32 to vector<16xf32>
      %mul3A_1005 = arith.mulf %mul3A_1004, %get3A_1003 : vector<16xf32>
      %add3A_1006 = arith.addf %add3A_989, %mul3A_1005 : vector<16xf32>
      %slice3A_1007 = vector.extract_strided_slice %get3A_95 {offsets = [4], sizes = [1], strides = [1]} : vector<16xf32> to vector<1xf32>
      %squeeze3A_1008 = vector.extract %slice3A_1007[0] : f32 from vector<1xf32>
      %mul3A_1009 = arith.constant 16 : i32
      %mul3A_1010 = arith.muli %scan3A_91, %mul3A_1009 : i32
      %add3A_1011 = arith.constant 4 : i32
      %add3A_1012 = arith.addi %mul3A_1010, %add3A_1011 : i32
      %slice3A_1013 = vector.extract_strided_slice %mul3A_103 {offsets = [4], sizes = [1], strides = [1]} : vector<16xi32> to vector<1xi32>
      %squeeze3A_1014 = vector.extract %slice3A_1013[0] : i32 from vector<1xi32>
      %add3A_1015 = arith.constant 48 : i32
      %add3A_1016 = arith.addi %squeeze3A_1014, %add3A_1015 : i32
      %get3A_1017 = arith.index_cast %add3A_1012 : i32 to index
      %get3A_1018 = arith.index_cast %add3A_1016 : i32 to index
      %get3A_1019 = tpu.vector_load %arg8[%get3A_1017, %get3A_1018] {strides = array<i32>} : memref<512x128xf32, #tpu.memory_space<vmem>>, vector<1x16xf32>,
      %get3A_1020 = vector.shape_cast %get3A_1019 : vector<1x16xf32> to vector<16xf32>
      %mul3A_1021 = vector.broadcast %squeeze3A_1008 : f32 to vector<16xf32>
      %mul3A_1022 = arith.mulf %mul3A_1021, %get3A_1020 : vector<16xf32>
      %add3A_1023 = arith.addf %add3A_1006, %mul3A_1022 : vector<16xf32>
      %slice3A_1024 = vector.extract_strided_slice %get3A_95 {offsets = [5], sizes = [1], strides = [1]} : vector<16xf32> to vector<1xf32>
      %squeeze3A_1025 = vector.extract %slice3A_1024[0] : f32 from vector<1xf32>
      %mul3A_1026 = arith.constant 16 : i32
      %mul3A_1027 = arith.muli %scan3A_91, %mul3A_1026 : i32
      %add3A_1028 = arith.constant 5 : i32
      %add3A_1029 = arith.addi %mul3A_1027, %add3A_1028 : i32
      %slice3A_1030 = vector.extract_strided_slice %mul3A_103 {offsets = [5], sizes = [1], strides = [1]} : vector<16xi32> to vector<1xi32>
      %squeeze3A_1031 = vector.extract %slice3A_1030[0] : i32 from vector<1xi32>
      %add3A_1032 = arith.constant 48 : i32
      %add3A_1033 = arith.addi %squeeze3A_1031, %add3A_1032 : i32
      %get3A_1034 = arith.index_cast %add3A_1029 : i32 to index
      %get3A_1035 = arith.index_cast %add3A_1033 : i32 to index
      %get3A_1036 = tpu.vector_load %arg8[%get3A_1034, %get3A_1035] {strides = array<i32>} : memref<512x128xf32, #tpu.memory_space<vmem>>, vector<1x16xf32>,
      %get3A_1037 = vector.shape_cast %get3A_1036 : vector<1x16xf32> to vector<16xf32>
      %mul3A_1038 = vector.broadcast %squeeze3A_1025 : f32 to vector<16xf32>
      %mul3A_1039 = arith.mulf %mul3A_1038, %get3A_1037 : vector<16xf32>
      %add3A_1040 = arith.addf %add3A_1023, %mul3A_1039 : vector<16xf32>
      %slice3A_1041 = vector.extract_strided_slice %get3A_95 {offsets = [6], sizes = [1], strides = [1]} : vector<16xf32> to vector<1xf32>
      %squeeze3A_1042 = vector.extract %slice3A_1041[0] : f32 from vector<1xf32>
      %mul3A_1043 = arith.constant 16 : i32
      %mul3A_1044 = arith.muli %scan3A_91, %mul3A_1043 : i32
      %add3A_1045 = arith.constant 6 : i32
      %add3A_1046 = arith.addi %mul3A_1044, %add3A_1045 : i32
      %slice3A_1047 = vector.extract_strided_slice %mul3A_103 {offsets = [6], sizes = [1], strides = [1]} : vector<16xi32> to vector<1xi32>
      %squeeze3A_1048 = vector.extract %slice3A_1047[0] : i32 from vector<1xi32>
      %add3A_1049 = arith.constant 48 : i32
      %add3A_1050 = arith.addi %squeeze3A_1048, %add3A_1049 : i32
      %get3A_1051 = arith.index_cast %add3A_1046 : i32 to index
      %get3A_1052 = arith.index_cast %add3A_1050 : i32 to index
      %get3A_1053 = tpu.vector_load %arg8[%get3A_1051, %get3A_1052] {strides = array<i32>} : memref<512x128xf32, #tpu.memory_space<vmem>>, vector<1x16xf32>,
      %get3A_1054 = vector.shape_cast %get3A_1053 : vector<1x16xf32> to vector<16xf32>
      %mul3A_1055 = vector.broadcast %squeeze3A_1042 : f32 to vector<16xf32>
      %mul3A_1056 = arith.mulf %mul3A_1055, %get3A_1054 : vector<16xf32>
      %add3A_1057 = arith.addf %add3A_1040, %mul3A_1056 : vector<16xf32>
      %slice3A_1058 = vector.extract_strided_slice %get3A_95 {offsets = [7], sizes = [1], strides = [1]} : vector<16xf32> to vector<1xf32>
      %squeeze3A_1059 = vector.extract %slice3A_1058[0] : f32 from vector<1xf32>
      %mul3A_1060 = arith.constant 16 : i32
      %mul3A_1061 = arith.muli %scan3A_91, %mul3A_1060 : i32
      %add3A_1062 = arith.constant 7 : i32
      %add3A_1063 = arith.addi %mul3A_1061, %add3A_1062 : i32
      %slice3A_1064 = vector.extract_strided_slice %mul3A_103 {offsets = [7], sizes = [1], strides = [1]} : vector<16xi32> to vector<1xi32>
      %squeeze3A_1065 = vector.extract %slice3A_1064[0] : i32 from vector<1xi32>
      %add3A_1066 = arith.constant 48 : i32
      %add3A_1067 = arith.addi %squeeze3A_1065, %add3A_1066 : i32
      %get3A_1068 = arith.index_cast %add3A_1063 : i32 to index
      %get3A_1069 = arith.index_cast %add3A_1067 : i32 to index
      %get3A_1070 = tpu.vector_load %arg8[%get3A_1068, %get3A_1069] {strides = array<i32>} : memref<512x128xf32, #tpu.memory_space<vmem>>, vector<1x16xf32>,
      %get3A_1071 = vector.shape_cast %get3A_1070 : vector<1x16xf32> to vector<16xf32>
      %mul3A_1072 = vector.broadcast %squeeze3A_1059 : f32 to vector<16xf32>
      %mul3A_1073 = arith.mulf %mul3A_1072, %get3A_1071 : vector<16xf32>
      %add3A_1074 = arith.addf %add3A_1057, %mul3A_1073 : vector<16xf32>
      %slice3A_1075 = vector.extract_strided_slice %get3A_95 {offsets = [8], sizes = [1], strides = [1]} : vector<16xf32> to vector<1xf32>
      %squeeze3A_1076 = vector.extract %slice3A_1075[0] : f32 from vector<1xf32>
      %mul3A_1077 = arith.constant 16 : i32
      %mul3A_1078 = arith.muli %scan3A_91, %mul3A_1077 : i32
      %add3A_1079 = arith.constant 8 : i32
      %add3A_1080 = arith.addi %mul3A_1078, %add3A_1079 : i32
      %slice3A_1081 = vector.extract_strided_slice %mul3A_103 {offsets = [8], sizes = [1], strides = [1]} : vector<16xi32> to vector<1xi32>
      %squeeze3A_1082 = vector.extract %slice3A_1081[0] : i32 from vector<1xi32>
      %add3A_1083 = arith.constant 48 : i32
      %add3A_1084 = arith.addi %squeeze3A_1082, %add3A_1083 : i32
      %get3A_1085 = arith.index_cast %add3A_1080 : i32 to index
      %get3A_1086 = arith.index_cast %add3A_1084 : i32 to index
      %get3A_1087 = tpu.vector_load %arg8[%get3A_1085, %get3A_1086] {strides = array<i32>} : memref<512x128xf32, #tpu.memory_space<vmem>>, vector<1x16xf32>,
      %get3A_1088 = vector.shape_cast %get3A_1087 : vector<1x16xf32> to vector<16xf32>
      %mul3A_1089 = vector.broadcast %squeeze3A_1076 : f32 to vector<16xf32>
      %mul3A_1090 = arith.mulf %mul3A_1089, %get3A_1088 : vector<16xf32>
      %add3A_1091 = arith.addf %add3A_1074, %mul3A_1090 : vector<16xf32>
      %slice3A_1092 = vector.extract_strided_slice %get3A_95 {offsets = [9], sizes = [1], strides = [1]} : vector<16xf32> to vector<1xf32>
      %squeeze3A_1093 = vector.extract %slice3A_1092[0] : f32 from vector<1xf32>
      %mul3A_1094 = arith.constant 16 : i32
      %mul3A_1095 = arith.muli %scan3A_91, %mul3A_1094 : i32
      %add3A_1096 = arith.constant 9 : i32
      %add3A_1097 = arith.addi %mul3A_1095, %add3A_1096 : i32
      %slice3A_1098 = vector.extract_strided_slice %mul3A_103 {offsets = [9], sizes = [1], strides = [1]} : vector<16xi32> to vector<1xi32>
      %squeeze3A_1099 = vector.extract %slice3A_1098[0] : i32 from vector<1xi32>
      %add3A_1100 = arith.constant 48 : i32
      %add3A_1101 = arith.addi %squeeze3A_1099, %add3A_1100 : i32
      %get3A_1102 = arith.index_cast %add3A_1097 : i32 to index
      %get3A_1103 = arith.index_cast %add3A_1101 : i32 to index
      %get3A_1104 = tpu.vector_load %arg8[%get3A_1102, %get3A_1103] {strides = array<i32>} : memref<512x128xf32, #tpu.memory_space<vmem>>, vector<1x16xf32>,
      %get3A_1105 = vector.shape_cast %get3A_1104 : vector<1x16xf32> to vector<16xf32>
      %mul3A_1106 = vector.broadcast %squeeze3A_1093 : f32 to vector<16xf32>
      %mul3A_1107 = arith.mulf %mul3A_1106, %get3A_1105 : vector<16xf32>
      %add3A_1108 = arith.addf %add3A_1091, %mul3A_1107 : vector<16xf32>
      %slice3A_1109 = vector.extract_strided_slice %get3A_95 {offsets = [10], sizes = [1], strides = [1]} : vector<16xf32> to vector<1xf32>
      %squeeze3A_1110 = vector.extract %slice3A_1109[0] : f32 from vector<1xf32>
      %mul3A_1111 = arith.constant 16 : i32
      %mul3A_1112 = arith.muli %scan3A_91, %mul3A_1111 : i32
      %add3A_1113 = arith.constant 10 : i32
      %add3A_1114 = arith.addi %mul3A_1112, %add3A_1113 : i32
      %slice3A_1115 = vector.extract_strided_slice %mul3A_103 {offsets = [10], sizes = [1], strides = [1]} : vector<16xi32> to vector<1xi32>
      %squeeze3A_1116 = vector.extract %slice3A_1115[0] : i32 from vector<1xi32>
      %add3A_1117 = arith.constant 48 : i32
      %add3A_1118 = arith.addi %squeeze3A_1116, %add3A_1117 : i32
      %get3A_1119 = arith.index_cast %add3A_1114 : i32 to index
      %get3A_1120 = arith.index_cast %add3A_1118 : i32 to index
      %get3A_1121 = tpu.vector_load %arg8[%get3A_1119, %get3A_1120] {strides = array<i32>} : memref<512x128xf32, #tpu.memory_space<vmem>>, vector<1x16xf32>,
      %get3A_1122 = vector.shape_cast %get3A_1121 : vector<1x16xf32> to vector<16xf32>
      %mul3A_1123 = vector.broadcast %squeeze3A_1110 : f32 to vector<16xf32>
      %mul3A_1124 = arith.mulf %mul3A_1123, %get3A_1122 : vector<16xf32>
      %add3A_1125 = arith.addf %add3A_1108, %mul3A_1124 : vector<16xf32>
      %slice3A_1126 = vector.extract_strided_slice %get3A_95 {offsets = [11], sizes = [1], strides = [1]} : vector<16xf32> to vector<1xf32>
      %squeeze3A_1127 = vector.extract %slice3A_1126[0] : f32 from vector<1xf32>
      %mul3A_1128 = arith.constant 16 : i32
      %mul3A_1129 = arith.muli %scan3A_91, %mul3A_1128 : i32
      %add3A_1130 = arith.constant 11 : i32
      %add3A_1131 = arith.addi %mul3A_1129, %add3A_1130 : i32
      %slice3A_1132 = vector.extract_strided_slice %mul3A_103 {offsets = [11], sizes = [1], strides = [1]} : vector<16xi32> to vector<1xi32>
      %squeeze3A_1133 = vector.extract %slice3A_1132[0] : i32 from vector<1xi32>
      %add3A_1134 = arith.constant 48 : i32
      %add3A_1135 = arith.addi %squeeze3A_1133, %add3A_1134 : i32
      %get3A_1136 = arith.index_cast %add3A_1131 : i32 to index
      %get3A_1137 = arith.index_cast %add3A_1135 : i32 to index
      %get3A_1138 = tpu.vector_load %arg8[%get3A_1136, %get3A_1137] {strides = array<i32>} : memref<512x128xf32, #tpu.memory_space<vmem>>, vector<1x16xf32>,
      %get3A_1139 = vector.shape_cast %get3A_1138 : vector<1x16xf32> to vector<16xf32>
      %mul3A_1140 = vector.broadcast %squeeze3A_1127 : f32 to vector<16xf32>
      %mul3A_1141 = arith.mulf %mul3A_1140, %get3A_1139 : vector<16xf32>
      %add3A_1142 = arith.addf %add3A_1125, %mul3A_1141 : vector<16xf32>
      %slice3A_1143 = vector.extract_strided_slice %get3A_95 {offsets = [12], sizes = [1], strides = [1]} : vector<16xf32> to vector<1xf32>
      %squeeze3A_1144 = vector.extract %slice3A_1143[0] : f32 from vector<1xf32>
      %mul3A_1145 = arith.constant 16 : i32
      %mul3A_1146 = arith.muli %scan3A_91, %mul3A_1145 : i32
      %add3A_1147 = arith.constant 12 : i32
      %add3A_1148 = arith.addi %mul3A_1146, %add3A_1147 : i32
      %slice3A_1149 = vector.extract_strided_slice %mul3A_103 {offsets = [12], sizes = [1], strides = [1]} : vector<16xi32> to vector<1xi32>
      %squeeze3A_1150 = vector.extract %slice3A_1149[0] : i32 from vector<1xi32>
      %add3A_1151 = arith.constant 48 : i32
      %add3A_1152 = arith.addi %squeeze3A_1150, %add3A_1151 : i32
      %get3A_1153 = arith.index_cast %add3A_1148 : i32 to index
      %get3A_1154 = arith.index_cast %add3A_1152 : i32 to index
      %get3A_1155 = tpu.vector_load %arg8[%get3A_1153, %get3A_1154] {strides = array<i32>} : memref<512x128xf32, #tpu.memory_space<vmem>>, vector<1x16xf32>,
      %get3A_1156 = vector.shape_cast %get3A_1155 : vector<1x16xf32> to vector<16xf32>
      %mul3A_1157 = vector.broadcast %squeeze3A_1144 : f32 to vector<16xf32>
      %mul3A_1158 = arith.mulf %mul3A_1157, %get3A_1156 : vector<16xf32>
      %add3A_1159 = arith.addf %add3A_1142, %mul3A_1158 : vector<16xf32>
      %slice3A_1160 = vector.extract_strided_slice %get3A_95 {offsets = [13], sizes = [1], strides = [1]} : vector<16xf32> to vector<1xf32>
      %squeeze3A_1161 = vector.extract %slice3A_1160[0] : f32 from vector<1xf32>
      %mul3A_1162 = arith.constant 16 : i32
      %mul3A_1163 = arith.muli %scan3A_91, %mul3A_1162 : i32
      %add3A_1164 = arith.constant 13 : i32
      %add3A_1165 = arith.addi %mul3A_1163, %add3A_1164 : i32
      %slice3A_1166 = vector.extract_strided_slice %mul3A_103 {offsets = [13], sizes = [1], strides = [1]} : vector<16xi32> to vector<1xi32>
      %squeeze3A_1167 = vector.extract %slice3A_1166[0] : i32 from vector<1xi32>
      %add3A_1168 = arith.constant 48 : i32
      %add3A_1169 = arith.addi %squeeze3A_1167, %add3A_1168 : i32
      %get3A_1170 = arith.index_cast %add3A_1165 : i32 to index
      %get3A_1171 = arith.index_cast %add3A_1169 : i32 to index
      %get3A_1172 = tpu.vector_load %arg8[%get3A_1170, %get3A_1171] {strides = array<i32>} : memref<512x128xf32, #tpu.memory_space<vmem>>, vector<1x16xf32>,
      %get3A_1173 = vector.shape_cast %get3A_1172 : vector<1x16xf32> to vector<16xf32>
      %mul3A_1174 = vector.broadcast %squeeze3A_1161 : f32 to vector<16xf32>
      %mul3A_1175 = arith.mulf %mul3A_1174, %get3A_1173 : vector<16xf32>
      %add3A_1176 = arith.addf %add3A_1159, %mul3A_1175 : vector<16xf32>
      %slice3A_1177 = vector.extract_strided_slice %get3A_95 {offsets = [14], sizes = [1], strides = [1]} : vector<16xf32> to vector<1xf32>
      %squeeze3A_1178 = vector.extract %slice3A_1177[0] : f32 from vector<1xf32>
      %mul3A_1179 = arith.constant 16 : i32
      %mul3A_1180 = arith.muli %scan3A_91, %mul3A_1179 : i32
      %add3A_1181 = arith.constant 14 : i32
      %add3A_1182 = arith.addi %mul3A_1180, %add3A_1181 : i32
      %slice3A_1183 = vector.extract_strided_slice %mul3A_103 {offsets = [14], sizes = [1], strides = [1]} : vector<16xi32> to vector<1xi32>
      %squeeze3A_1184 = vector.extract %slice3A_1183[0] : i32 from vector<1xi32>
      %add3A_1185 = arith.constant 48 : i32
      %add3A_1186 = arith.addi %squeeze3A_1184, %add3A_1185 : i32
      %get3A_1187 = arith.index_cast %add3A_1182 : i32 to index
      %get3A_1188 = arith.index_cast %add3A_1186 : i32 to index
      %get3A_1189 = tpu.vector_load %arg8[%get3A_1187, %get3A_1188] {strides = array<i32>} : memref<512x128xf32, #tpu.memory_space<vmem>>, vector<1x16xf32>,
      %get3A_1190 = vector.shape_cast %get3A_1189 : vector<1x16xf32> to vector<16xf32>
      %mul3A_1191 = vector.broadcast %squeeze3A_1178 : f32 to vector<16xf32>
      %mul3A_1192 = arith.mulf %mul3A_1191, %get3A_1190 : vector<16xf32>
      %add3A_1193 = arith.addf %add3A_1176, %mul3A_1192 : vector<16xf32>
      %slice3A_1194 = vector.extract_strided_slice %get3A_95 {offsets = [15], sizes = [1], strides = [1]} : vector<16xf32> to vector<1xf32>
      %squeeze3A_1195 = vector.extract %slice3A_1194[0] : f32 from vector<1xf32>
      %mul3A_1196 = arith.constant 16 : i32
      %mul3A_1197 = arith.muli %scan3A_91, %mul3A_1196 : i32
      %add3A_1198 = arith.constant 15 : i32
      %add3A_1199 = arith.addi %mul3A_1197, %add3A_1198 : i32
      %slice3A_1200 = vector.extract_strided_slice %mul3A_103 {offsets = [15], sizes = [1], strides = [1]} : vector<16xi32> to vector<1xi32>
      %squeeze3A_1201 = vector.extract %slice3A_1200[0] : i32 from vector<1xi32>
      %add3A_1202 = arith.constant 48 : i32
      %add3A_1203 = arith.addi %squeeze3A_1201, %add3A_1202 : i32
      %get3A_1204 = arith.index_cast %add3A_1199 : i32 to index
      %get3A_1205 = arith.index_cast %add3A_1203 : i32 to index
      %get3A_1206 = tpu.vector_load %arg8[%get3A_1204, %get3A_1205] {strides = array<i32>} : memref<512x128xf32, #tpu.memory_space<vmem>>, vector<1x16xf32>,
      %get3A_1207 = vector.shape_cast %get3A_1206 : vector<1x16xf32> to vector<16xf32>
      %mul3A_1208 = vector.broadcast %squeeze3A_1195 : f32 to vector<16xf32>
      %mul3A_1209 = arith.mulf %mul3A_1208, %get3A_1207 : vector<16xf32>
      %add3A_1210 = arith.addf %add3A_1193, %mul3A_1209 : vector<16xf32>
      %swap3A_1211 = arith.index_cast %scan3A_91 : i32 to index
      %swap3A_1212 = arith.constant 48 : index
      %swap3A_1213 = tpu.vector_load %arg11[%swap3A_1211, %swap3A_1212] {strides = array<i32>} : memref<32x64xf32, #tpu.memory_space<vmem>>, vector<1x16xf32>,
      %swap3A_1214 = vector.shape_cast %swap3A_1213 : vector<1x16xf32> to vector<16xf32>
      %swap3A_1215 = vector.shape_cast %add3A_1210 : vector<16xf32> to vector<1x16xf32>
      tpu.vector_store %arg11[%swap3A_1211, %swap3A_1212], %swap3A_1215 {strides = array<i32>} : memref<32x64xf32, #tpu.memory_space<vmem>>, vector<1x16xf32>,
    }
    %scan3A_88 = arith.constant 32 : i32
    %mul3A_89 = arith.constant 32 : i32
    %mul3A_90 = arith.muli %add3A, %mul3A_89 : i32
    "tpu.region"() ({
      %run_scoped3A = tpu.sem_alloc : memref<!tpu.dma_semaphore, #tpu.memory_space<semaphore_mem>>
      %dma_start3A_91 = arith.constant 0 : i32
      %dma_start3A_92 = tpu.memref_slice %arg6[%mul3A_90, %dma_start3A_91] : memref<1024x64xf32, #tpu.memory_space<hbm>> -> memref<32x64xf32, #tpu.memory_space<hbm>>
      %dma_start3A_93 = arith.constant 0 : i32
      %dma_start3A_94 = tpu.memref_slice %arg6[%mul3A_90, %dma_start3A_93] : memref<1024x64xf32, #tpu.memory_space<hbm>> -> memref<32x64xf32, #tpu.memory_space<hbm>>
      tpu.enqueue_dma source(%arg11 : memref<32x64xf32, #tpu.memory_space<vmem>>) target(%dma_start3A_94 : memref<32x64xf32, #tpu.memory_space<hbm>>) target_semaphore(%run_scoped3A : memref<!tpu.dma_semaphore, #tpu.memory_space<semaphore_mem>>)
      %dma_wait3A_95 = arith.constant 0 : i32
      %dma_wait3A_96 = tpu.memref_slice %arg6[%mul3A_90, %dma_wait3A_95] : memref<1024x64xf32, #tpu.memory_space<hbm>> -> memref<32x64xf32, #tpu.memory_space<hbm>>
      %dma_wait3A_97 = arith.constant 0 : i32
      %dma_wait3A_98 = tpu.memref_slice %arg6[%mul3A_90, %dma_wait3A_97] : memref<1024x64xf32, #tpu.memory_space<hbm>> -> memref<32x64xf32, #tpu.memory_space<hbm>>
      tpu.wait_dma2 semaphore(%run_scoped3A : memref<!tpu.dma_semaphore, #tpu.memory_space<semaphore_mem>>) src(%arg11 : memref<32x64xf32, #tpu.memory_space<vmem>>) dst(%dma_wait3A_98 : memref<32x64xf32, #tpu.memory_space<hbm>>)
      tpu.yield
    }) : () -> ()
    return
  }
}

module attributes {stable_mosaic.version = 14 : i64} {
  func.func @_front_body(%arg0: i32, %arg1: memref<128x50x256xf32, #tpu.memory_space<vmem>>, %arg2: memref<256x64xf32, #tpu.memory_space<vmem>>, %arg3: memref<1x64xf32, #tpu.memory_space<vmem>>, %arg4: memref<1x64xf32, #tpu.memory_space<vmem>>, %arg5: memref<1x64xf32, #tpu.memory_space<vmem>>, %arg6: memref<64x64xf32, #tpu.memory_space<vmem>>, %arg7: memref<1x64xf32, #tpu.memory_space<vmem>>, %arg8: memref<1x64xf32, #tpu.memory_space<vmem>>, %arg9: memref<128x64xf32, #tpu.memory_space<vmem>>) attributes {dimension_semantics = [#tpu.dimension_semantics<arbitrary>], iteration_bounds = array<i64: 8>, scalar_prefetch = 0 : i64, scratch_operands = 0 : i64, tpu.core_type = #tpu.core_type<tc>, window_params = [{transform_indices = @transform_0, window_bounds = array<i64: 128, 50, 256>}, {pipeline_mode = #tpu.pipeline_mode<synchronous>, transform_indices = @transform_1, window_bounds = array<i64: 256, 64>}, {pipeline_mode = #tpu.pipeline_mode<synchronous>, transform_indices = @transform_2, window_bounds = array<i64: 1, 64>}, {pipeline_mode = #tpu.pipeline_mode<synchronous>, transform_indices = @transform_3, window_bounds = array<i64: 1, 64>}, {pipeline_mode = #tpu.pipeline_mode<synchronous>, transform_indices = @transform_4, window_bounds = array<i64: 1, 64>}, {pipeline_mode = #tpu.pipeline_mode<synchronous>, transform_indices = @transform_5, window_bounds = array<i64: 64, 64>}, {pipeline_mode = #tpu.pipeline_mode<synchronous>, transform_indices = @transform_6, window_bounds = array<i64: 1, 64>}, {pipeline_mode = #tpu.pipeline_mode<synchronous>, transform_indices = @transform_7, window_bounds = array<i64: 1, 64>}, {transform_indices = @transform_8, window_bounds = array<i64: 128, 64>}]} {
    %get3A = arith.constant 0 : index
    %get3A_0 = arith.constant 0 : index
    %get3A_1 = arith.constant 0 : index
    %get3A_2 = vector.load %arg1[%get3A, %get3A_0, %get3A_1] : memref<128x50x256xf32, #tpu.memory_space<vmem>>, vector<128x50x256xf32>
    %reduce_sum3A = arith.constant dense<0.000000e+00> : vector<128x256xf32>
    %reduce_sum3A_3 = vector.multi_reduction <add>, %get3A_2, %reduce_sum3A [1] : vector<128x50x256xf32> to vector<128x256xf32>
    %div3A = arith.constant 5.000000e+01 : f32
    %div3A_4 = vector.broadcast %div3A : f32 to vector<128x256xf32>
    %div3A_5 = arith.divf %reduce_sum3A_3, %div3A_4 : vector<128x256xf32>
    %get3A_6 = arith.constant 0 : index
    %get3A_7 = arith.constant 0 : index
    %get3A_8 = vector.load %arg2[%get3A_6, %get3A_7] : memref<256x64xf32, #tpu.memory_space<vmem>>, vector<256x64xf32>
    %dot_general3A = arith.constant dense<0.000000e+00> : vector<128x64xf32>
    %dot_general3A_9 = tpu.matmul %div3A_5, %get3A_8, %dot_general3A {dimension_numbers = #tpu.dot_dimension_numbers<[1], [0], [0], [1], [0, 0, 1, 1], [], []>, transpose_lhs_hint = false} : vector<128x256xf32>, vector<256x64xf32>, vector<128x64xf32> -> vector<128x64xf32>
    %get3A_10 = arith.constant 0 : index
    %get3A_11 = arith.constant 0 : index
    %get3A_12 = vector.load %arg3[%get3A_10, %get3A_11] : memref<1x64xf32, #tpu.memory_space<vmem>>, vector<1x64xf32>
    %add3A = vector.broadcast %get3A_12 : vector<1x64xf32> to vector<128x64xf32>
    %add3A_13 = arith.addf %dot_general3A_9, %add3A : vector<128x64xf32>
    %reduce_sum3A_14 = arith.constant dense<0.000000e+00> : vector<128xf32>
    %reduce_sum3A_15 = vector.multi_reduction <add>, %add3A_13, %reduce_sum3A_14 [1] : vector<128x64xf32> to vector<128xf32>
    %broadcast_in_dim3A = vector.shape_cast %reduce_sum3A_15 : vector<128xf32> to vector<128x1xf32>
    %div3A_16 = arith.constant 6.400000e+01 : f32
    %div3A_17 = vector.broadcast %div3A_16 : f32 to vector<128x1xf32>
    %div3A_18 = arith.divf %broadcast_in_dim3A, %div3A_17 : vector<128x1xf32>
    %sub3A = vector.broadcast %div3A_18 : vector<128x1xf32> to vector<128x64xf32>
    %sub3A_19 = arith.subf %add3A_13, %sub3A : vector<128x64xf32>
    %integer_pow3A = arith.mulf %sub3A_19, %sub3A_19 : vector<128x64xf32>
    %reduce_sum3A_20 = arith.constant dense<0.000000e+00> : vector<128xf32>
    %reduce_sum3A_21 = vector.multi_reduction <add>, %integer_pow3A, %reduce_sum3A_20 [1] : vector<128x64xf32> to vector<128xf32>
    %broadcast_in_dim3A_22 = vector.shape_cast %reduce_sum3A_21 : vector<128xf32> to vector<128x1xf32>
    %div3A_23 = arith.constant 6.400000e+01 : f32
    %div3A_24 = vector.broadcast %div3A_23 : f32 to vector<128x1xf32>
    %div3A_25 = arith.divf %broadcast_in_dim3A_22, %div3A_24 : vector<128x1xf32>
    %sub3A_26 = vector.broadcast %div3A_18 : vector<128x1xf32> to vector<128x64xf32>
    %sub3A_27 = arith.subf %add3A_13, %sub3A_26 : vector<128x64xf32>
    %add3A_28 = arith.constant 9.99999974E-6 : f32
    %add3A_29 = vector.broadcast %add3A_28 : f32 to vector<128x1xf32>
    %add3A_30 = arith.addf %div3A_25, %add3A_29 : vector<128x1xf32>
    %sqrt3A = math.sqrt %add3A_30 : vector<128x1xf32>
    %div3A_31 = vector.broadcast %sqrt3A : vector<128x1xf32> to vector<128x64xf32>
    %div3A_32 = arith.divf %sub3A_27, %div3A_31 : vector<128x64xf32>
    %get3A_33 = arith.constant 0 : index
    %get3A_34 = arith.constant 0 : index
    %get3A_35 = vector.load %arg4[%get3A_33, %get3A_34] : memref<1x64xf32, #tpu.memory_space<vmem>>, vector<1x64xf32>
    %mul3A = vector.broadcast %get3A_35 : vector<1x64xf32> to vector<128x64xf32>
    %mul3A_36 = arith.mulf %div3A_32, %mul3A : vector<128x64xf32>
    %get3A_37 = arith.constant 0 : index
    %get3A_38 = arith.constant 0 : index
    %get3A_39 = vector.load %arg5[%get3A_37, %get3A_38] : memref<1x64xf32, #tpu.memory_space<vmem>>, vector<1x64xf32>
    %add3A_40 = vector.broadcast %get3A_39 : vector<1x64xf32> to vector<128x64xf32>
    %add3A_41 = arith.addf %mul3A_36, %add3A_40 : vector<128x64xf32>
    %mul3A_42 = arith.constant 5.000000e-01 : f32
    %mul3A_43 = vector.broadcast %mul3A_42 : f32 to vector<128x64xf32>
    %mul3A_44 = arith.mulf %mul3A_43, %add3A_41 : vector<128x64xf32>
    %sqrt3A_45 = arith.constant 2.000000e+00 : f32
    %sqrt3A_46 = math.sqrt %sqrt3A_45 : f32
    %div3A_47 = vector.broadcast %sqrt3A_46 : f32 to vector<128x64xf32>
    %div3A_48 = arith.divf %add3A_41, %div3A_47 : vector<128x64xf32>
    %erf3A = math.erf %div3A_48 : vector<128x64xf32>
    %add3A_49 = arith.constant 1.000000e+00 : f32
    %add3A_50 = vector.broadcast %add3A_49 : f32 to vector<128x64xf32>
    %add3A_51 = arith.addf %add3A_50, %erf3A : vector<128x64xf32>
    %mul3A_52 = arith.mulf %mul3A_44, %add3A_51 : vector<128x64xf32>
    %get3A_53 = arith.constant 0 : index
    %get3A_54 = arith.constant 0 : index
    %get3A_55 = vector.load %arg6[%get3A_53, %get3A_54] : memref<64x64xf32, #tpu.memory_space<vmem>>, vector<64x64xf32>
    %dot_general3A_56 = arith.constant dense<0.000000e+00> : vector<128x64xf32>
    %dot_general3A_57 = tpu.matmul %mul3A_52, %get3A_55, %dot_general3A_56 {dimension_numbers = #tpu.dot_dimension_numbers<[1], [0], [0], [1], [0, 0, 1, 1], [], []>, transpose_lhs_hint = false} : vector<128x64xf32>, vector<64x64xf32>, vector<128x64xf32> -> vector<128x64xf32>
    %get3A_58 = arith.constant 0 : index
    %get3A_59 = arith.constant 0 : index
    %get3A_60 = vector.load %arg7[%get3A_58, %get3A_59] : memref<1x64xf32, #tpu.memory_space<vmem>>, vector<1x64xf32>
    %add3A_61 = vector.broadcast %get3A_60 : vector<1x64xf32> to vector<128x64xf32>
    %add3A_62 = arith.addf %dot_general3A_57, %add3A_61 : vector<128x64xf32>
    %mul3A_63 = arith.mulf %add3A_62, %add3A_62 : vector<128x64xf32>
    %reduce_sum3A_64 = arith.constant dense<0.000000e+00> : vector<128xf32>
    %reduce_sum3A_65 = vector.multi_reduction <add>, %mul3A_63, %reduce_sum3A_64 [1] : vector<128x64xf32> to vector<128xf32>
    %broadcast_in_dim3A_66 = vector.shape_cast %reduce_sum3A_65 : vector<128xf32> to vector<128x1xf32>
    %sqrt3A_67 = math.sqrt %broadcast_in_dim3A_66 : vector<128x1xf32>
    %max3A = arith.constant 9.99999974E-6 : f32
    %max3A_68 = vector.broadcast %max3A : f32 to vector<128x1xf32>
    %max3A_69 = arith.maximumf %sqrt3A_67, %max3A_68 : vector<128x1xf32>
    %mul3A_70 = arith.constant 5.000000e-01 : f32
    %mul3A_71 = vector.broadcast %mul3A_70 : f32 to vector<128x1xf32>
    %mul3A_72 = arith.mulf %mul3A_71, %max3A_69 : vector<128x1xf32>
    %tanh3A = math.tanh %mul3A_72 : vector<128x1xf32>
    %mul3A_73 = vector.broadcast %tanh3A : vector<128x1xf32> to vector<128x64xf32>
    %mul3A_74 = arith.mulf %mul3A_73, %add3A_62 : vector<128x64xf32>
    %div3A_75 = vector.broadcast %max3A_69 : vector<128x1xf32> to vector<128x64xf32>
    %div3A_76 = arith.divf %mul3A_74, %div3A_75 : vector<128x64xf32>
    %get3A_77 = arith.constant 0 : index
    %get3A_78 = arith.constant 0 : index
    %get3A_79 = vector.load %arg8[%get3A_77, %get3A_78] : memref<1x64xf32, #tpu.memory_space<vmem>>, vector<1x64xf32>
    %mul3A_80 = vector.broadcast %get3A_79 : vector<1x64xf32> to vector<128x64xf32>
    %mul3A_81 = arith.mulf %mul3A_80, %div3A_76 : vector<128x64xf32>
    %reduce_sum3A_82 = arith.constant dense<0.000000e+00> : vector<128xf32>
    %reduce_sum3A_83 = vector.multi_reduction <add>, %mul3A_81, %reduce_sum3A_82 [1] : vector<128x64xf32> to vector<128xf32>
    %broadcast_in_dim3A_84 = vector.shape_cast %reduce_sum3A_83 : vector<128xf32> to vector<128x1xf32>
    %mul3A_85 = arith.mulf %get3A_79, %get3A_79 : vector<1x64xf32>
    %reduce_sum3A_86 = arith.constant dense<0.000000e+00> : vector<1xf32>
    %reduce_sum3A_87 = vector.multi_reduction <add>, %mul3A_85, %reduce_sum3A_86 [1] : vector<1x64xf32> to vector<1xf32>
    %broadcast_in_dim3A_88 = vector.shape_cast %reduce_sum3A_87 : vector<1xf32> to vector<1x1xf32>
    %jit3A = arith.constant 0.000000e+00 : f32
    %jit3A_89 = arith.constant 0.999979972 : f32
    %max3A_90 = vector.broadcast %jit3A : f32 to vector<1x1xf32>
    %max3A_91 = arith.maximumf %max3A_90, %broadcast_in_dim3A_88 : vector<1x1xf32>
    %min3A = vector.broadcast %jit3A_89 : f32 to vector<1x1xf32>
    %min3A_92 = arith.minimumf %min3A, %max3A_91 : vector<1x1xf32>
    %mul3A_93 = arith.mulf %div3A_76, %div3A_76 : vector<128x64xf32>
    %reduce_sum3A_94 = arith.constant dense<0.000000e+00> : vector<128xf32>
    %reduce_sum3A_95 = vector.multi_reduction <add>, %mul3A_93, %reduce_sum3A_94 [1] : vector<128x64xf32> to vector<128xf32>
    %broadcast_in_dim3A_96 = vector.shape_cast %reduce_sum3A_95 : vector<128xf32> to vector<128x1xf32>
    %jit3A_97 = arith.constant 0.000000e+00 : f32
    %jit3A_98 = arith.constant 0.999979972 : f32
    %max3A_99 = vector.broadcast %jit3A_97 : f32 to vector<128x1xf32>
    %max3A_100 = arith.maximumf %max3A_99, %broadcast_in_dim3A_96 : vector<128x1xf32>
    %min3A_101 = vector.broadcast %jit3A_98 : f32 to vector<128x1xf32>
    %min3A_102 = arith.minimumf %min3A_101, %max3A_100 : vector<128x1xf32>
    %mul3A_103 = arith.constant 2.000000e+00 : f32
    %mul3A_104 = vector.broadcast %mul3A_103 : f32 to vector<128x1xf32>
    %mul3A_105 = arith.mulf %mul3A_104, %broadcast_in_dim3A_84 : vector<128x1xf32>
    %add3A_106 = arith.constant 1.000000e+00 : f32
    %add3A_107 = vector.broadcast %add3A_106 : f32 to vector<128x1xf32>
    %add3A_108 = arith.addf %add3A_107, %mul3A_105 : vector<128x1xf32>
    %add3A_109 = arith.addf %add3A_108, %min3A_102 : vector<128x1xf32>
    %mul3A_110 = vector.broadcast %add3A_109 : vector<128x1xf32> to vector<128x64xf32>
    %mul3A_111 = vector.broadcast %get3A_79 : vector<1x64xf32> to vector<128x64xf32>
    %mul3A_112 = arith.mulf %mul3A_110, %mul3A_111 : vector<128x64xf32>
    %sub3A_113 = arith.constant 1.000000e+00 : f32
    %sub3A_114 = vector.broadcast %sub3A_113 : f32 to vector<1x1xf32>
    %sub3A_115 = arith.subf %sub3A_114, %min3A_92 : vector<1x1xf32>
    %mul3A_116 = vector.broadcast %sub3A_115 : vector<1x1xf32> to vector<128x64xf32>
    %mul3A_117 = arith.mulf %mul3A_116, %div3A_76 : vector<128x64xf32>
    %add3A_118 = arith.addf %mul3A_112, %mul3A_117 : vector<128x64xf32>
    %mul3A_119 = arith.constant 2.000000e+00 : f32
    %mul3A_120 = vector.broadcast %mul3A_119 : f32 to vector<128x1xf32>
    %mul3A_121 = arith.mulf %mul3A_120, %broadcast_in_dim3A_84 : vector<128x1xf32>
    %add3A_122 = arith.constant 1.000000e+00 : f32
    %add3A_123 = vector.broadcast %add3A_122 : f32 to vector<128x1xf32>
    %add3A_124 = arith.addf %add3A_123, %mul3A_121 : vector<128x1xf32>
    %mul3A_125 = vector.broadcast %min3A_92 : vector<1x1xf32> to vector<128x1xf32>
    %mul3A_126 = arith.mulf %mul3A_125, %min3A_102 : vector<128x1xf32>
    %add3A_127 = arith.addf %add3A_124, %mul3A_126 : vector<128x1xf32>
    %max3A_128 = arith.constant 9.99999974E-6 : f32
    %max3A_129 = vector.broadcast %max3A_128 : f32 to vector<128x1xf32>
    %max3A_130 = arith.maximumf %add3A_127, %max3A_129 : vector<128x1xf32>
    %div3A_131 = vector.broadcast %max3A_130 : vector<128x1xf32> to vector<128x64xf32>
    %div3A_132 = arith.divf %add3A_118, %div3A_131 : vector<128x64xf32>
    %mul3A_133 = arith.mulf %div3A_132, %div3A_132 : vector<128x64xf32>
    %reduce_sum3A_134 = arith.constant dense<0.000000e+00> : vector<128xf32>
    %reduce_sum3A_135 = vector.multi_reduction <add>, %mul3A_133, %reduce_sum3A_134 [1] : vector<128x64xf32> to vector<128xf32>
    %broadcast_in_dim3A_136 = vector.shape_cast %reduce_sum3A_135 : vector<128xf32> to vector<128x1xf32>
    %sqrt3A_137 = math.sqrt %broadcast_in_dim3A_136 : vector<128x1xf32>
    %max3A_138 = arith.constant 9.99999974E-6 : f32
    %max3A_139 = vector.broadcast %max3A_138 : f32 to vector<128x1xf32>
    %max3A_140 = arith.maximumf %sqrt3A_137, %max3A_139 : vector<128x1xf32>
    %div3A_141 = arith.constant 0.999989986 : f32
    %div3A_142 = vector.broadcast %div3A_141 : f32 to vector<128x1xf32>
    %div3A_143 = arith.divf %max3A_140, %div3A_142 : vector<128x1xf32>
    %max3A_144 = arith.constant 1.000000e+00 : f32
    %max3A_145 = vector.broadcast %max3A_144 : f32 to vector<128x1xf32>
    %max3A_146 = arith.maximumf %div3A_143, %max3A_145 : vector<128x1xf32>
    %div3A_147 = vector.broadcast %max3A_146 : vector<128x1xf32> to vector<128x64xf32>
    %div3A_148 = arith.divf %div3A_132, %div3A_147 : vector<128x64xf32>
    %swap3A = arith.constant 0 : index
    %swap3A_149 = arith.constant 0 : index
    %swap3A_150 = vector.load %arg9[%swap3A, %swap3A_149] : memref<128x64xf32, #tpu.memory_space<vmem>>, vector<128x64xf32>
    tpu.vector_store %arg9[%swap3A, %swap3A_149], %div3A_148 {strides = array<i32>} : memref<128x64xf32, #tpu.memory_space<vmem>>, vector<128x64xf32>,
    return
  }
  func.func @transform_0(%arg0: i32) -> (i32, i32, i32) {
    %c0_i32 = arith.constant 0 : i32
    %c0_i32_0 = arith.constant 0 : i32
    %c0_i32_1 = arith.constant 0 : i32
    return %arg0, %c0_i32, %c0_i32_0 : i32, i32, i32
  }
  func.func @transform_1(%arg0: i32) -> (i32, i32) {
    %c0_i32 = arith.constant 0 : i32
    %c0_i32_0 = arith.constant 0 : i32
    %c0_i32_1 = arith.constant 0 : i32
    return %c0_i32, %c0_i32_0 : i32, i32
  }
  func.func @transform_2(%arg0: i32) -> (i32, i32) {
    %c0_i32 = arith.constant 0 : i32
    %c0_i32_0 = arith.constant 0 : i32
    %c0_i32_1 = arith.constant 0 : i32
    return %c0_i32, %c0_i32_0 : i32, i32
  }
  func.func @transform_3(%arg0: i32) -> (i32, i32) {
    %c0_i32 = arith.constant 0 : i32
    %c0_i32_0 = arith.constant 0 : i32
    %c0_i32_1 = arith.constant 0 : i32
    return %c0_i32, %c0_i32_0 : i32, i32
  }
  func.func @transform_4(%arg0: i32) -> (i32, i32) {
    %c0_i32 = arith.constant 0 : i32
    %c0_i32_0 = arith.constant 0 : i32
    %c0_i32_1 = arith.constant 0 : i32
    return %c0_i32, %c0_i32_0 : i32, i32
  }
  func.func @transform_5(%arg0: i32) -> (i32, i32) {
    %c0_i32 = arith.constant 0 : i32
    %c0_i32_0 = arith.constant 0 : i32
    %c0_i32_1 = arith.constant 0 : i32
    return %c0_i32, %c0_i32_0 : i32, i32
  }
  func.func @transform_6(%arg0: i32) -> (i32, i32) {
    %c0_i32 = arith.constant 0 : i32
    %c0_i32_0 = arith.constant 0 : i32
    %c0_i32_1 = arith.constant 0 : i32
    return %c0_i32, %c0_i32_0 : i32, i32
  }
  func.func @transform_7(%arg0: i32) -> (i32, i32) {
    %c0_i32 = arith.constant 0 : i32
    %c0_i32_0 = arith.constant 0 : i32
    %c0_i32_1 = arith.constant 0 : i32
    return %c0_i32, %c0_i32_0 : i32, i32
  }
  func.func @transform_8(%arg0: i32) -> (i32, i32) {
    %c0_i32 = arith.constant 0 : i32
    %c0_i32_0 = arith.constant 0 : i32
    return %arg0, %c0_i32 : i32, i32
  }
}

module attributes {stable_mosaic.version = 14 : i64} {
  func.func @_gmerge_body(%arg0: i32, %arg1: memref<512x512xf32, #tpu.memory_space<vmem>>, %arg2: memref<512x16xf32, #tpu.memory_space<vmem>>, %arg3: memref<512x16xi32, #tpu.memory_space<vmem>>) attributes {dimension_semantics = [#tpu.dimension_semantics<arbitrary>], iteration_bounds = array<i64: 2>, scalar_prefetch = 0 : i64, scratch_operands = 0 : i64, tpu.core_type = #tpu.core_type<tc>, window_params = [{transform_indices = @transform_0, window_bounds = array<i64: 512, 512>}, {transform_indices = @transform_1, window_bounds = array<i64: 512, 16>}, {transform_indices = @transform_2, window_bounds = array<i64: 512, 16>}]} {
    %get3A = arith.constant 0 : index
    %get3A_0 = arith.constant 0 : index
    %get3A_1 = vector.load %arg1[%get3A, %get3A_0] : memref<512x512xf32, #tpu.memory_space<vmem>>, vector<512x512xf32>
    %iota3A = tpu.iota {dimensions = array<i32: 1>} : vector<512x512xi32>
    %bitcast_convert_type3A = tpu.bitcast %get3A_1 : vector<512x512xf32> -> vector<512x512xi32>
    %and3A = arith.constant 2047 : i32
    %and3A_2 = vector.broadcast %and3A : i32 to vector<512x512xi32>
    %and3A_3 = arith.andi %bitcast_convert_type3A, %and3A_2 : vector<512x512xi32>
    %shift_right_logical3A = arith.constant 4 : i32
    %shift_right_logical3A_4 = vector.broadcast %shift_right_logical3A : i32 to vector<512x512xi32>
    %shift_right_logical3A_5 = arith.shrui %and3A_3, %shift_right_logical3A_4 : vector<512x512xi32>
    %mul3A = arith.constant 2048 : i32
    %mul3A_6 = vector.broadcast %mul3A : i32 to vector<512x512xi32>
    %mul3A_7 = arith.muli %shift_right_logical3A_5, %mul3A_6 : vector<512x512xi32>
    %and3A_8 = arith.constant 15 : i32
    %and3A_9 = vector.broadcast %and3A_8 : i32 to vector<512x512xi32>
    %and3A_10 = arith.andi %and3A_3, %and3A_9 : vector<512x512xi32>
    %mul3A_11 = arith.constant 128 : i32
    %mul3A_12 = vector.broadcast %mul3A_11 : i32 to vector<512x512xi32>
    %mul3A_13 = arith.muli %and3A_10, %mul3A_12 : vector<512x512xi32>
    %add3A = arith.addi %mul3A_7, %mul3A_13 : vector<512x512xi32>
    %and3A_14 = arith.constant 127 : i32
    %and3A_15 = vector.broadcast %and3A_14 : i32 to vector<512x512xi32>
    %and3A_16 = arith.andi %iota3A, %and3A_15 : vector<512x512xi32>
    %add3A_17 = arith.addi %add3A, %and3A_16 : vector<512x512xi32>
    %reduce_min3A = arith.constant dense<0x7F800000> : vector<512xf32>
    %reduce_min3A_18 = vector.multi_reduction <minimumf>, %get3A_1, %reduce_min3A [1] : vector<512x512xf32> to vector<512xf32>
    %broadcast_in_dim3A = vector.shape_cast %reduce_min3A_18 : vector<512xf32> to vector<512x1xf32>
    %eq3A = vector.broadcast %broadcast_in_dim3A : vector<512x1xf32> to vector<512x512xf32>
    %eq3A_19 = arith.cmpf oeq, %get3A_1, %eq3A : vector<512x512xf32>
    %jit3A = arith.constant 2147483647 : i32
    %broadcast_in_dim3A_20 = vector.broadcast %jit3A : i32 to vector<512x512xi32>
    %select_n3A = arith.select %eq3A_19, %add3A_17, %broadcast_in_dim3A_20 : vector<512x512xi1>, vector<512x512xi32>
    %reduce_min3A_21 = arith.constant dense<2147483647> : vector<512xi32>
    %reduce_min3A_22 = vector.multi_reduction <minsi>, %select_n3A, %reduce_min3A_21 [1] : vector<512x512xi32> to vector<512xi32>
    %broadcast_in_dim3A_23 = vector.shape_cast %reduce_min3A_22 : vector<512xi32> to vector<512x1xi32>
    %eq3A_24 = vector.broadcast %broadcast_in_dim3A_23 : vector<512x1xi32> to vector<512x512xi32>
    %eq3A_25 = arith.cmpi eq, %select_n3A, %eq3A_24 : vector<512x512xi32>
    %jit3A_26 = arith.constant 0x7F800000 : f32
    %broadcast_in_dim3A_27 = vector.broadcast %jit3A_26 : f32 to vector<512x512xf32>
    %select_n3A_28 = arith.select %eq3A_25, %broadcast_in_dim3A_27, %get3A_1 : vector<512x512xi1>, vector<512x512xf32>
    %reduce_min3A_29 = arith.constant dense<0x7F800000> : vector<512xf32>
    %reduce_min3A_30 = vector.multi_reduction <minimumf>, %select_n3A_28, %reduce_min3A_29 [1] : vector<512x512xf32> to vector<512xf32>
    %broadcast_in_dim3A_31 = vector.shape_cast %reduce_min3A_30 : vector<512xf32> to vector<512x1xf32>
    %eq3A_32 = vector.broadcast %broadcast_in_dim3A_31 : vector<512x1xf32> to vector<512x512xf32>
    %eq3A_33 = arith.cmpf oeq, %select_n3A_28, %eq3A_32 : vector<512x512xf32>
    %jit3A_34 = arith.constant 2147483647 : i32
    %broadcast_in_dim3A_35 = vector.broadcast %jit3A_34 : i32 to vector<512x512xi32>
    %select_n3A_36 = arith.select %eq3A_33, %add3A_17, %broadcast_in_dim3A_35 : vector<512x512xi1>, vector<512x512xi32>
    %reduce_min3A_37 = arith.constant dense<2147483647> : vector<512xi32>
    %reduce_min3A_38 = vector.multi_reduction <minsi>, %select_n3A_36, %reduce_min3A_37 [1] : vector<512x512xi32> to vector<512xi32>
    %broadcast_in_dim3A_39 = vector.shape_cast %reduce_min3A_38 : vector<512xi32> to vector<512x1xi32>
    %eq3A_40 = vector.broadcast %broadcast_in_dim3A_39 : vector<512x1xi32> to vector<512x512xi32>
    %eq3A_41 = arith.cmpi eq, %select_n3A_36, %eq3A_40 : vector<512x512xi32>
    %jit3A_42 = arith.constant 0x7F800000 : f32
    %broadcast_in_dim3A_43 = vector.broadcast %jit3A_42 : f32 to vector<512x512xf32>
    %select_n3A_44 = arith.select %eq3A_41, %broadcast_in_dim3A_43, %select_n3A_28 : vector<512x512xi1>, vector<512x512xf32>
    %reduce_min3A_45 = arith.constant dense<0x7F800000> : vector<512xf32>
    %reduce_min3A_46 = vector.multi_reduction <minimumf>, %select_n3A_44, %reduce_min3A_45 [1] : vector<512x512xf32> to vector<512xf32>
    %broadcast_in_dim3A_47 = vector.shape_cast %reduce_min3A_46 : vector<512xf32> to vector<512x1xf32>
    %eq3A_48 = vector.broadcast %broadcast_in_dim3A_47 : vector<512x1xf32> to vector<512x512xf32>
    %eq3A_49 = arith.cmpf oeq, %select_n3A_44, %eq3A_48 : vector<512x512xf32>
    %jit3A_50 = arith.constant 2147483647 : i32
    %broadcast_in_dim3A_51 = vector.broadcast %jit3A_50 : i32 to vector<512x512xi32>
    %select_n3A_52 = arith.select %eq3A_49, %add3A_17, %broadcast_in_dim3A_51 : vector<512x512xi1>, vector<512x512xi32>
    %reduce_min3A_53 = arith.constant dense<2147483647> : vector<512xi32>
    %reduce_min3A_54 = vector.multi_reduction <minsi>, %select_n3A_52, %reduce_min3A_53 [1] : vector<512x512xi32> to vector<512xi32>
    %broadcast_in_dim3A_55 = vector.shape_cast %reduce_min3A_54 : vector<512xi32> to vector<512x1xi32>
    %eq3A_56 = vector.broadcast %broadcast_in_dim3A_55 : vector<512x1xi32> to vector<512x512xi32>
    %eq3A_57 = arith.cmpi eq, %select_n3A_52, %eq3A_56 : vector<512x512xi32>
    %jit3A_58 = arith.constant 0x7F800000 : f32
    %broadcast_in_dim3A_59 = vector.broadcast %jit3A_58 : f32 to vector<512x512xf32>
    %select_n3A_60 = arith.select %eq3A_57, %broadcast_in_dim3A_59, %select_n3A_44 : vector<512x512xi1>, vector<512x512xf32>
    %reduce_min3A_61 = arith.constant dense<0x7F800000> : vector<512xf32>
    %reduce_min3A_62 = vector.multi_reduction <minimumf>, %select_n3A_60, %reduce_min3A_61 [1] : vector<512x512xf32> to vector<512xf32>
    %broadcast_in_dim3A_63 = vector.shape_cast %reduce_min3A_62 : vector<512xf32> to vector<512x1xf32>
    %eq3A_64 = vector.broadcast %broadcast_in_dim3A_63 : vector<512x1xf32> to vector<512x512xf32>
    %eq3A_65 = arith.cmpf oeq, %select_n3A_60, %eq3A_64 : vector<512x512xf32>
    %jit3A_66 = arith.constant 2147483647 : i32
    %broadcast_in_dim3A_67 = vector.broadcast %jit3A_66 : i32 to vector<512x512xi32>
    %select_n3A_68 = arith.select %eq3A_65, %add3A_17, %broadcast_in_dim3A_67 : vector<512x512xi1>, vector<512x512xi32>
    %reduce_min3A_69 = arith.constant dense<2147483647> : vector<512xi32>
    %reduce_min3A_70 = vector.multi_reduction <minsi>, %select_n3A_68, %reduce_min3A_69 [1] : vector<512x512xi32> to vector<512xi32>
    %broadcast_in_dim3A_71 = vector.shape_cast %reduce_min3A_70 : vector<512xi32> to vector<512x1xi32>
    %eq3A_72 = vector.broadcast %broadcast_in_dim3A_71 : vector<512x1xi32> to vector<512x512xi32>
    %eq3A_73 = arith.cmpi eq, %select_n3A_68, %eq3A_72 : vector<512x512xi32>
    %jit3A_74 = arith.constant 0x7F800000 : f32
    %broadcast_in_dim3A_75 = vector.broadcast %jit3A_74 : f32 to vector<512x512xf32>
    %select_n3A_76 = arith.select %eq3A_73, %broadcast_in_dim3A_75, %select_n3A_60 : vector<512x512xi1>, vector<512x512xf32>
    %reduce_min3A_77 = arith.constant dense<0x7F800000> : vector<512xf32>
    %reduce_min3A_78 = vector.multi_reduction <minimumf>, %select_n3A_76, %reduce_min3A_77 [1] : vector<512x512xf32> to vector<512xf32>
    %broadcast_in_dim3A_79 = vector.shape_cast %reduce_min3A_78 : vector<512xf32> to vector<512x1xf32>
    %eq3A_80 = vector.broadcast %broadcast_in_dim3A_79 : vector<512x1xf32> to vector<512x512xf32>
    %eq3A_81 = arith.cmpf oeq, %select_n3A_76, %eq3A_80 : vector<512x512xf32>
    %jit3A_82 = arith.constant 2147483647 : i32
    %broadcast_in_dim3A_83 = vector.broadcast %jit3A_82 : i32 to vector<512x512xi32>
    %select_n3A_84 = arith.select %eq3A_81, %add3A_17, %broadcast_in_dim3A_83 : vector<512x512xi1>, vector<512x512xi32>
    %reduce_min3A_85 = arith.constant dense<2147483647> : vector<512xi32>
    %reduce_min3A_86 = vector.multi_reduction <minsi>, %select_n3A_84, %reduce_min3A_85 [1] : vector<512x512xi32> to vector<512xi32>
    %broadcast_in_dim3A_87 = vector.shape_cast %reduce_min3A_86 : vector<512xi32> to vector<512x1xi32>
    %eq3A_88 = vector.broadcast %broadcast_in_dim3A_87 : vector<512x1xi32> to vector<512x512xi32>
    %eq3A_89 = arith.cmpi eq, %select_n3A_84, %eq3A_88 : vector<512x512xi32>
    %jit3A_90 = arith.constant 0x7F800000 : f32
    %broadcast_in_dim3A_91 = vector.broadcast %jit3A_90 : f32 to vector<512x512xf32>
    %select_n3A_92 = arith.select %eq3A_89, %broadcast_in_dim3A_91, %select_n3A_76 : vector<512x512xi1>, vector<512x512xf32>
    %reduce_min3A_93 = arith.constant dense<0x7F800000> : vector<512xf32>
    %reduce_min3A_94 = vector.multi_reduction <minimumf>, %select_n3A_92, %reduce_min3A_93 [1] : vector<512x512xf32> to vector<512xf32>
    %broadcast_in_dim3A_95 = vector.shape_cast %reduce_min3A_94 : vector<512xf32> to vector<512x1xf32>
    %eq3A_96 = vector.broadcast %broadcast_in_dim3A_95 : vector<512x1xf32> to vector<512x512xf32>
    %eq3A_97 = arith.cmpf oeq, %select_n3A_92, %eq3A_96 : vector<512x512xf32>
    %jit3A_98 = arith.constant 2147483647 : i32
    %broadcast_in_dim3A_99 = vector.broadcast %jit3A_98 : i32 to vector<512x512xi32>
    %select_n3A_100 = arith.select %eq3A_97, %add3A_17, %broadcast_in_dim3A_99 : vector<512x512xi1>, vector<512x512xi32>
    %reduce_min3A_101 = arith.constant dense<2147483647> : vector<512xi32>
    %reduce_min3A_102 = vector.multi_reduction <minsi>, %select_n3A_100, %reduce_min3A_101 [1] : vector<512x512xi32> to vector<512xi32>
    %broadcast_in_dim3A_103 = vector.shape_cast %reduce_min3A_102 : vector<512xi32> to vector<512x1xi32>
    %eq3A_104 = vector.broadcast %broadcast_in_dim3A_103 : vector<512x1xi32> to vector<512x512xi32>
    %eq3A_105 = arith.cmpi eq, %select_n3A_100, %eq3A_104 : vector<512x512xi32>
    %jit3A_106 = arith.constant 0x7F800000 : f32
    %broadcast_in_dim3A_107 = vector.broadcast %jit3A_106 : f32 to vector<512x512xf32>
    %select_n3A_108 = arith.select %eq3A_105, %broadcast_in_dim3A_107, %select_n3A_92 : vector<512x512xi1>, vector<512x512xf32>
    %reduce_min3A_109 = arith.constant dense<0x7F800000> : vector<512xf32>
    %reduce_min3A_110 = vector.multi_reduction <minimumf>, %select_n3A_108, %reduce_min3A_109 [1] : vector<512x512xf32> to vector<512xf32>
    %broadcast_in_dim3A_111 = vector.shape_cast %reduce_min3A_110 : vector<512xf32> to vector<512x1xf32>
    %eq3A_112 = vector.broadcast %broadcast_in_dim3A_111 : vector<512x1xf32> to vector<512x512xf32>
    %eq3A_113 = arith.cmpf oeq, %select_n3A_108, %eq3A_112 : vector<512x512xf32>
    %jit3A_114 = arith.constant 2147483647 : i32
    %broadcast_in_dim3A_115 = vector.broadcast %jit3A_114 : i32 to vector<512x512xi32>
    %select_n3A_116 = arith.select %eq3A_113, %add3A_17, %broadcast_in_dim3A_115 : vector<512x512xi1>, vector<512x512xi32>
    %reduce_min3A_117 = arith.constant dense<2147483647> : vector<512xi32>
    %reduce_min3A_118 = vector.multi_reduction <minsi>, %select_n3A_116, %reduce_min3A_117 [1] : vector<512x512xi32> to vector<512xi32>
    %broadcast_in_dim3A_119 = vector.shape_cast %reduce_min3A_118 : vector<512xi32> to vector<512x1xi32>
    %eq3A_120 = vector.broadcast %broadcast_in_dim3A_119 : vector<512x1xi32> to vector<512x512xi32>
    %eq3A_121 = arith.cmpi eq, %select_n3A_116, %eq3A_120 : vector<512x512xi32>
    %jit3A_122 = arith.constant 0x7F800000 : f32
    %broadcast_in_dim3A_123 = vector.broadcast %jit3A_122 : f32 to vector<512x512xf32>
    %select_n3A_124 = arith.select %eq3A_121, %broadcast_in_dim3A_123, %select_n3A_108 : vector<512x512xi1>, vector<512x512xf32>
    %reduce_min3A_125 = arith.constant dense<0x7F800000> : vector<512xf32>
    %reduce_min3A_126 = vector.multi_reduction <minimumf>, %select_n3A_124, %reduce_min3A_125 [1] : vector<512x512xf32> to vector<512xf32>
    %broadcast_in_dim3A_127 = vector.shape_cast %reduce_min3A_126 : vector<512xf32> to vector<512x1xf32>
    %eq3A_128 = vector.broadcast %broadcast_in_dim3A_127 : vector<512x1xf32> to vector<512x512xf32>
    %eq3A_129 = arith.cmpf oeq, %select_n3A_124, %eq3A_128 : vector<512x512xf32>
    %jit3A_130 = arith.constant 2147483647 : i32
    %broadcast_in_dim3A_131 = vector.broadcast %jit3A_130 : i32 to vector<512x512xi32>
    %select_n3A_132 = arith.select %eq3A_129, %add3A_17, %broadcast_in_dim3A_131 : vector<512x512xi1>, vector<512x512xi32>
    %reduce_min3A_133 = arith.constant dense<2147483647> : vector<512xi32>
    %reduce_min3A_134 = vector.multi_reduction <minsi>, %select_n3A_132, %reduce_min3A_133 [1] : vector<512x512xi32> to vector<512xi32>
    %broadcast_in_dim3A_135 = vector.shape_cast %reduce_min3A_134 : vector<512xi32> to vector<512x1xi32>
    %eq3A_136 = vector.broadcast %broadcast_in_dim3A_135 : vector<512x1xi32> to vector<512x512xi32>
    %eq3A_137 = arith.cmpi eq, %select_n3A_132, %eq3A_136 : vector<512x512xi32>
    %jit3A_138 = arith.constant 0x7F800000 : f32
    %broadcast_in_dim3A_139 = vector.broadcast %jit3A_138 : f32 to vector<512x512xf32>
    %select_n3A_140 = arith.select %eq3A_137, %broadcast_in_dim3A_139, %select_n3A_124 : vector<512x512xi1>, vector<512x512xf32>
    %reduce_min3A_141 = arith.constant dense<0x7F800000> : vector<512xf32>
    %reduce_min3A_142 = vector.multi_reduction <minimumf>, %select_n3A_140, %reduce_min3A_141 [1] : vector<512x512xf32> to vector<512xf32>
    %broadcast_in_dim3A_143 = vector.shape_cast %reduce_min3A_142 : vector<512xf32> to vector<512x1xf32>
    %eq3A_144 = vector.broadcast %broadcast_in_dim3A_143 : vector<512x1xf32> to vector<512x512xf32>
    %eq3A_145 = arith.cmpf oeq, %select_n3A_140, %eq3A_144 : vector<512x512xf32>
    %jit3A_146 = arith.constant 2147483647 : i32
    %broadcast_in_dim3A_147 = vector.broadcast %jit3A_146 : i32 to vector<512x512xi32>
    %select_n3A_148 = arith.select %eq3A_145, %add3A_17, %broadcast_in_dim3A_147 : vector<512x512xi1>, vector<512x512xi32>
    %reduce_min3A_149 = arith.constant dense<2147483647> : vector<512xi32>
    %reduce_min3A_150 = vector.multi_reduction <minsi>, %select_n3A_148, %reduce_min3A_149 [1] : vector<512x512xi32> to vector<512xi32>
    %broadcast_in_dim3A_151 = vector.shape_cast %reduce_min3A_150 : vector<512xi32> to vector<512x1xi32>
    %eq3A_152 = vector.broadcast %broadcast_in_dim3A_151 : vector<512x1xi32> to vector<512x512xi32>
    %eq3A_153 = arith.cmpi eq, %select_n3A_148, %eq3A_152 : vector<512x512xi32>
    %jit3A_154 = arith.constant 0x7F800000 : f32
    %broadcast_in_dim3A_155 = vector.broadcast %jit3A_154 : f32 to vector<512x512xf32>
    %select_n3A_156 = arith.select %eq3A_153, %broadcast_in_dim3A_155, %select_n3A_140 : vector<512x512xi1>, vector<512x512xf32>
    %reduce_min3A_157 = arith.constant dense<0x7F800000> : vector<512xf32>
    %reduce_min3A_158 = vector.multi_reduction <minimumf>, %select_n3A_156, %reduce_min3A_157 [1] : vector<512x512xf32> to vector<512xf32>
    %broadcast_in_dim3A_159 = vector.shape_cast %reduce_min3A_158 : vector<512xf32> to vector<512x1xf32>
    %eq3A_160 = vector.broadcast %broadcast_in_dim3A_159 : vector<512x1xf32> to vector<512x512xf32>
    %eq3A_161 = arith.cmpf oeq, %select_n3A_156, %eq3A_160 : vector<512x512xf32>
    %jit3A_162 = arith.constant 2147483647 : i32
    %broadcast_in_dim3A_163 = vector.broadcast %jit3A_162 : i32 to vector<512x512xi32>
    %select_n3A_164 = arith.select %eq3A_161, %add3A_17, %broadcast_in_dim3A_163 : vector<512x512xi1>, vector<512x512xi32>
    %reduce_min3A_165 = arith.constant dense<2147483647> : vector<512xi32>
    %reduce_min3A_166 = vector.multi_reduction <minsi>, %select_n3A_164, %reduce_min3A_165 [1] : vector<512x512xi32> to vector<512xi32>
    %broadcast_in_dim3A_167 = vector.shape_cast %reduce_min3A_166 : vector<512xi32> to vector<512x1xi32>
    %eq3A_168 = vector.broadcast %broadcast_in_dim3A_167 : vector<512x1xi32> to vector<512x512xi32>
    %eq3A_169 = arith.cmpi eq, %select_n3A_164, %eq3A_168 : vector<512x512xi32>
    %jit3A_170 = arith.constant 0x7F800000 : f32
    %broadcast_in_dim3A_171 = vector.broadcast %jit3A_170 : f32 to vector<512x512xf32>
    %select_n3A_172 = arith.select %eq3A_169, %broadcast_in_dim3A_171, %select_n3A_156 : vector<512x512xi1>, vector<512x512xf32>
    %reduce_min3A_173 = arith.constant dense<0x7F800000> : vector<512xf32>
    %reduce_min3A_174 = vector.multi_reduction <minimumf>, %select_n3A_172, %reduce_min3A_173 [1] : vector<512x512xf32> to vector<512xf32>
    %broadcast_in_dim3A_175 = vector.shape_cast %reduce_min3A_174 : vector<512xf32> to vector<512x1xf32>
    %eq3A_176 = vector.broadcast %broadcast_in_dim3A_175 : vector<512x1xf32> to vector<512x512xf32>
    %eq3A_177 = arith.cmpf oeq, %select_n3A_172, %eq3A_176 : vector<512x512xf32>
    %jit3A_178 = arith.constant 2147483647 : i32
    %broadcast_in_dim3A_179 = vector.broadcast %jit3A_178 : i32 to vector<512x512xi32>
    %select_n3A_180 = arith.select %eq3A_177, %add3A_17, %broadcast_in_dim3A_179 : vector<512x512xi1>, vector<512x512xi32>
    %reduce_min3A_181 = arith.constant dense<2147483647> : vector<512xi32>
    %reduce_min3A_182 = vector.multi_reduction <minsi>, %select_n3A_180, %reduce_min3A_181 [1] : vector<512x512xi32> to vector<512xi32>
    %broadcast_in_dim3A_183 = vector.shape_cast %reduce_min3A_182 : vector<512xi32> to vector<512x1xi32>
    %eq3A_184 = vector.broadcast %broadcast_in_dim3A_183 : vector<512x1xi32> to vector<512x512xi32>
    %eq3A_185 = arith.cmpi eq, %select_n3A_180, %eq3A_184 : vector<512x512xi32>
    %jit3A_186 = arith.constant 0x7F800000 : f32
    %broadcast_in_dim3A_187 = vector.broadcast %jit3A_186 : f32 to vector<512x512xf32>
    %select_n3A_188 = arith.select %eq3A_185, %broadcast_in_dim3A_187, %select_n3A_172 : vector<512x512xi1>, vector<512x512xf32>
    %reduce_min3A_189 = arith.constant dense<0x7F800000> : vector<512xf32>
    %reduce_min3A_190 = vector.multi_reduction <minimumf>, %select_n3A_188, %reduce_min3A_189 [1] : vector<512x512xf32> to vector<512xf32>
    %broadcast_in_dim3A_191 = vector.shape_cast %reduce_min3A_190 : vector<512xf32> to vector<512x1xf32>
    %eq3A_192 = vector.broadcast %broadcast_in_dim3A_191 : vector<512x1xf32> to vector<512x512xf32>
    %eq3A_193 = arith.cmpf oeq, %select_n3A_188, %eq3A_192 : vector<512x512xf32>
    %jit3A_194 = arith.constant 2147483647 : i32
    %broadcast_in_dim3A_195 = vector.broadcast %jit3A_194 : i32 to vector<512x512xi32>
    %select_n3A_196 = arith.select %eq3A_193, %add3A_17, %broadcast_in_dim3A_195 : vector<512x512xi1>, vector<512x512xi32>
    %reduce_min3A_197 = arith.constant dense<2147483647> : vector<512xi32>
    %reduce_min3A_198 = vector.multi_reduction <minsi>, %select_n3A_196, %reduce_min3A_197 [1] : vector<512x512xi32> to vector<512xi32>
    %broadcast_in_dim3A_199 = vector.shape_cast %reduce_min3A_198 : vector<512xi32> to vector<512x1xi32>
    %eq3A_200 = vector.broadcast %broadcast_in_dim3A_199 : vector<512x1xi32> to vector<512x512xi32>
    %eq3A_201 = arith.cmpi eq, %select_n3A_196, %eq3A_200 : vector<512x512xi32>
    %jit3A_202 = arith.constant 0x7F800000 : f32
    %broadcast_in_dim3A_203 = vector.broadcast %jit3A_202 : f32 to vector<512x512xf32>
    %select_n3A_204 = arith.select %eq3A_201, %broadcast_in_dim3A_203, %select_n3A_188 : vector<512x512xi1>, vector<512x512xf32>
    %reduce_min3A_205 = arith.constant dense<0x7F800000> : vector<512xf32>
    %reduce_min3A_206 = vector.multi_reduction <minimumf>, %select_n3A_204, %reduce_min3A_205 [1] : vector<512x512xf32> to vector<512xf32>
    %broadcast_in_dim3A_207 = vector.shape_cast %reduce_min3A_206 : vector<512xf32> to vector<512x1xf32>
    %eq3A_208 = vector.broadcast %broadcast_in_dim3A_207 : vector<512x1xf32> to vector<512x512xf32>
    %eq3A_209 = arith.cmpf oeq, %select_n3A_204, %eq3A_208 : vector<512x512xf32>
    %jit3A_210 = arith.constant 2147483647 : i32
    %broadcast_in_dim3A_211 = vector.broadcast %jit3A_210 : i32 to vector<512x512xi32>
    %select_n3A_212 = arith.select %eq3A_209, %add3A_17, %broadcast_in_dim3A_211 : vector<512x512xi1>, vector<512x512xi32>
    %reduce_min3A_213 = arith.constant dense<2147483647> : vector<512xi32>
    %reduce_min3A_214 = vector.multi_reduction <minsi>, %select_n3A_212, %reduce_min3A_213 [1] : vector<512x512xi32> to vector<512xi32>
    %broadcast_in_dim3A_215 = vector.shape_cast %reduce_min3A_214 : vector<512xi32> to vector<512x1xi32>
    %eq3A_216 = vector.broadcast %broadcast_in_dim3A_215 : vector<512x1xi32> to vector<512x512xi32>
    %eq3A_217 = arith.cmpi eq, %select_n3A_212, %eq3A_216 : vector<512x512xi32>
    %jit3A_218 = arith.constant 0x7F800000 : f32
    %broadcast_in_dim3A_219 = vector.broadcast %jit3A_218 : f32 to vector<512x512xf32>
    %select_n3A_220 = arith.select %eq3A_217, %broadcast_in_dim3A_219, %select_n3A_204 : vector<512x512xi1>, vector<512x512xf32>
    %reduce_min3A_221 = arith.constant dense<0x7F800000> : vector<512xf32>
    %reduce_min3A_222 = vector.multi_reduction <minimumf>, %select_n3A_220, %reduce_min3A_221 [1] : vector<512x512xf32> to vector<512xf32>
    %broadcast_in_dim3A_223 = vector.shape_cast %reduce_min3A_222 : vector<512xf32> to vector<512x1xf32>
    %eq3A_224 = vector.broadcast %broadcast_in_dim3A_223 : vector<512x1xf32> to vector<512x512xf32>
    %eq3A_225 = arith.cmpf oeq, %select_n3A_220, %eq3A_224 : vector<512x512xf32>
    %jit3A_226 = arith.constant 2147483647 : i32
    %broadcast_in_dim3A_227 = vector.broadcast %jit3A_226 : i32 to vector<512x512xi32>
    %select_n3A_228 = arith.select %eq3A_225, %add3A_17, %broadcast_in_dim3A_227 : vector<512x512xi1>, vector<512x512xi32>
    %reduce_min3A_229 = arith.constant dense<2147483647> : vector<512xi32>
    %reduce_min3A_230 = vector.multi_reduction <minsi>, %select_n3A_228, %reduce_min3A_229 [1] : vector<512x512xi32> to vector<512xi32>
    %broadcast_in_dim3A_231 = vector.shape_cast %reduce_min3A_230 : vector<512xi32> to vector<512x1xi32>
    %eq3A_232 = vector.broadcast %broadcast_in_dim3A_231 : vector<512x1xi32> to vector<512x512xi32>
    %eq3A_233 = arith.cmpi eq, %select_n3A_228, %eq3A_232 : vector<512x512xi32>
    %jit3A_234 = arith.constant 0x7F800000 : f32
    %broadcast_in_dim3A_235 = vector.broadcast %jit3A_234 : f32 to vector<512x512xf32>
    %select_n3A_236 = arith.select %eq3A_233, %broadcast_in_dim3A_235, %select_n3A_220 : vector<512x512xi1>, vector<512x512xf32>
    %reduce_min3A_237 = arith.constant dense<0x7F800000> : vector<512xf32>
    %reduce_min3A_238 = vector.multi_reduction <minimumf>, %select_n3A_236, %reduce_min3A_237 [1] : vector<512x512xf32> to vector<512xf32>
    %broadcast_in_dim3A_239 = vector.shape_cast %reduce_min3A_238 : vector<512xf32> to vector<512x1xf32>
    %eq3A_240 = vector.broadcast %broadcast_in_dim3A_239 : vector<512x1xf32> to vector<512x512xf32>
    %eq3A_241 = arith.cmpf oeq, %select_n3A_236, %eq3A_240 : vector<512x512xf32>
    %jit3A_242 = arith.constant 2147483647 : i32
    %broadcast_in_dim3A_243 = vector.broadcast %jit3A_242 : i32 to vector<512x512xi32>
    %select_n3A_244 = arith.select %eq3A_241, %add3A_17, %broadcast_in_dim3A_243 : vector<512x512xi1>, vector<512x512xi32>
    %reduce_min3A_245 = arith.constant dense<2147483647> : vector<512xi32>
    %reduce_min3A_246 = vector.multi_reduction <minsi>, %select_n3A_244, %reduce_min3A_245 [1] : vector<512x512xi32> to vector<512xi32>
    %broadcast_in_dim3A_247 = vector.shape_cast %reduce_min3A_246 : vector<512xi32> to vector<512x1xi32>
    %eq3A_248 = vector.broadcast %broadcast_in_dim3A_247 : vector<512x1xi32> to vector<512x512xi32>
    %eq3A_249 = arith.cmpi eq, %select_n3A_244, %eq3A_248 : vector<512x512xi32>
    %jit3A_250 = arith.constant 0x7F800000 : f32
    %broadcast_in_dim3A_251 = vector.broadcast %jit3A_250 : f32 to vector<512x512xf32>
    %select_n3A_252 = arith.select %eq3A_249, %broadcast_in_dim3A_251, %select_n3A_236 : vector<512x512xi1>, vector<512x512xf32>
    %reduce_min3A_253 = arith.constant dense<0x7F800000> : vector<512xf32>
    %reduce_min3A_254 = vector.multi_reduction <minimumf>, %select_n3A_252, %reduce_min3A_253 [1] : vector<512x512xf32> to vector<512xf32>
    %broadcast_in_dim3A_255 = vector.shape_cast %reduce_min3A_254 : vector<512xf32> to vector<512x1xf32>
    %eq3A_256 = vector.broadcast %broadcast_in_dim3A_255 : vector<512x1xf32> to vector<512x512xf32>
    %eq3A_257 = arith.cmpf oeq, %select_n3A_252, %eq3A_256 : vector<512x512xf32>
    %jit3A_258 = arith.constant 2147483647 : i32
    %broadcast_in_dim3A_259 = vector.broadcast %jit3A_258 : i32 to vector<512x512xi32>
    %select_n3A_260 = arith.select %eq3A_257, %add3A_17, %broadcast_in_dim3A_259 : vector<512x512xi1>, vector<512x512xi32>
    %reduce_min3A_261 = arith.constant dense<2147483647> : vector<512xi32>
    %reduce_min3A_262 = vector.multi_reduction <minsi>, %select_n3A_260, %reduce_min3A_261 [1] : vector<512x512xi32> to vector<512xi32>
    %broadcast_in_dim3A_263 = vector.shape_cast %reduce_min3A_262 : vector<512xi32> to vector<512x1xi32>
    %concatenate3A = tpu.concatenate %broadcast_in_dim3A, %broadcast_in_dim3A_31, %broadcast_in_dim3A_47, %broadcast_in_dim3A_63, %broadcast_in_dim3A_79, %broadcast_in_dim3A_95, %broadcast_in_dim3A_111, %broadcast_in_dim3A_127, %broadcast_in_dim3A_143, %broadcast_in_dim3A_159, %broadcast_in_dim3A_175, %broadcast_in_dim3A_191, %broadcast_in_dim3A_207, %broadcast_in_dim3A_223, %broadcast_in_dim3A_239, %broadcast_in_dim3A_255 in 1 : vector<512x1xf32>, vector<512x1xf32>, vector<512x1xf32>, vector<512x1xf32>, vector<512x1xf32>, vector<512x1xf32>, vector<512x1xf32>, vector<512x1xf32>, vector<512x1xf32>, vector<512x1xf32>, vector<512x1xf32>, vector<512x1xf32>, vector<512x1xf32>, vector<512x1xf32>, vector<512x1xf32>, vector<512x1xf32> -> vector<512x16xf32>
    %bitcast_convert_type3A_264 = tpu.bitcast %concatenate3A : vector<512x16xf32> -> vector<512x16xi32>
    %and3A_265 = arith.constant -2048 : i32
    %and3A_266 = vector.broadcast %and3A_265 : i32 to vector<512x16xi32>
    %and3A_267 = arith.andi %bitcast_convert_type3A_264, %and3A_266 : vector<512x16xi32>
    %bitcast_convert_type3A_268 = tpu.bitcast %and3A_267 : vector<512x16xi32> -> vector<512x16xf32>
    %max3A = arith.constant 9.99999996E-13 : f32
    %max3A_269 = vector.broadcast %max3A : f32 to vector<512x16xf32>
    %max3A_270 = arith.maximumf %bitcast_convert_type3A_268, %max3A_269 : vector<512x16xf32>
    %add3A_271 = arith.constant 1.000000e+00 : f32
    %add3A_272 = vector.broadcast %add3A_271 : f32 to vector<512x16xf32>
    %add3A_273 = arith.addf %add3A_272, %max3A_270 : vector<512x16xf32>
    %sub3A = arith.constant 1.000000e+00 : f32
    %sub3A_274 = vector.broadcast %sub3A : f32 to vector<512x16xf32>
    %sub3A_275 = arith.subf %add3A_273, %sub3A_274 : vector<512x16xf32>
    %add3A_276 = arith.constant 1.000000e+00 : f32
    %add3A_277 = vector.broadcast %add3A_276 : f32 to vector<512x16xf32>
    %add3A_278 = arith.addf %add3A_273, %add3A_277 : vector<512x16xf32>
    %mul3A_279 = arith.mulf %sub3A_275, %add3A_278 : vector<512x16xf32>
    %sqrt3A = math.sqrt %mul3A_279 : vector<512x16xf32>
    %add3A_280 = arith.addf %add3A_273, %sqrt3A : vector<512x16xf32>
    %log3A = math.log %add3A_280 : vector<512x16xf32>
    %neg3A = arith.constant 0.000000e+00 : f32
    %neg3A_281 = vector.broadcast %neg3A : f32 to vector<512x16xf32>
    %neg3A_282 = arith.subf %neg3A_281, %log3A : vector<512x16xf32>
    %reduce_max3A = arith.constant dense<0xFF800000> : vector<512xf32>
    %reduce_max3A_283 = vector.multi_reduction <maximumf>, %neg3A_282, %reduce_max3A [1] : vector<512x16xf32> to vector<512xf32>
    %broadcast_in_dim3A_284 = vector.shape_cast %reduce_max3A_283 : vector<512xf32> to vector<512x1xf32>
    %sub3A_285 = vector.broadcast %broadcast_in_dim3A_284 : vector<512x1xf32> to vector<512x16xf32>
    %sub3A_286 = arith.subf %neg3A_282, %sub3A_285 : vector<512x16xf32>
    %exp3A = math.exp %sub3A_286 : vector<512x16xf32>
    %reduce_sum3A = arith.constant dense<0.000000e+00> : vector<512xf32>
    %reduce_sum3A_287 = vector.multi_reduction <add>, %exp3A, %reduce_sum3A [1] : vector<512x16xf32> to vector<512xf32>
    %broadcast_in_dim3A_288 = vector.shape_cast %reduce_sum3A_287 : vector<512xf32> to vector<512x1xf32>
    %div3A = vector.broadcast %broadcast_in_dim3A_288 : vector<512x1xf32> to vector<512x16xf32>
    %div3A_289 = arith.divf %exp3A, %div3A : vector<512x16xf32>
    %swap3A = arith.constant 0 : index
    %swap3A_290 = arith.constant 0 : index
    %swap3A_291 = vector.load %arg2[%swap3A, %swap3A_290] : memref<512x16xf32, #tpu.memory_space<vmem>>, vector<512x16xf32>
    tpu.vector_store %arg2[%swap3A, %swap3A_290], %div3A_289 {strides = array<i32>} : memref<512x16xf32, #tpu.memory_space<vmem>>, vector<512x16xf32>,
    %concatenate3A_292 = tpu.concatenate %broadcast_in_dim3A_23, %broadcast_in_dim3A_39, %broadcast_in_dim3A_55, %broadcast_in_dim3A_71, %broadcast_in_dim3A_87, %broadcast_in_dim3A_103, %broadcast_in_dim3A_119, %broadcast_in_dim3A_135, %broadcast_in_dim3A_151, %broadcast_in_dim3A_167, %broadcast_in_dim3A_183, %broadcast_in_dim3A_199, %broadcast_in_dim3A_215, %broadcast_in_dim3A_231, %broadcast_in_dim3A_247, %broadcast_in_dim3A_263 in 1 : vector<512x1xi32>, vector<512x1xi32>, vector<512x1xi32>, vector<512x1xi32>, vector<512x1xi32>, vector<512x1xi32>, vector<512x1xi32>, vector<512x1xi32>, vector<512x1xi32>, vector<512x1xi32>, vector<512x1xi32>, vector<512x1xi32>, vector<512x1xi32>, vector<512x1xi32>, vector<512x1xi32>, vector<512x1xi32> -> vector<512x16xi32>
    %swap3A_293 = arith.constant 0 : index
    %swap3A_294 = arith.constant 0 : index
    %swap3A_295 = vector.load %arg3[%swap3A_293, %swap3A_294] : memref<512x16xi32, #tpu.memory_space<vmem>>, vector<512x16xi32>
    tpu.vector_store %arg3[%swap3A_293, %swap3A_294], %concatenate3A_292 {strides = array<i32>} : memref<512x16xi32, #tpu.memory_space<vmem>>, vector<512x16xi32>,
    return
  }
  func.func @transform_0(%arg0: i32) -> (i32, i32) {
    %c0_i32 = arith.constant 0 : i32
    %c0_i32_0 = arith.constant 0 : i32
    return %arg0, %c0_i32 : i32, i32
  }
  func.func @transform_1(%arg0: i32) -> (i32, i32) {
    %c0_i32 = arith.constant 0 : i32
    %c0_i32_0 = arith.constant 0 : i32
    return %arg0, %c0_i32 : i32, i32
  }
  func.func @transform_2(%arg0: i32) -> (i32, i32) {
    %c0_i32 = arith.constant 0 : i32
    %c0_i32_0 = arith.constant 0 : i32
    return %arg0, %c0_i32 : i32, i32
  }
}

module attributes {stable_mosaic.version = 14 : i64} {
  func.func @_rclass_body(%arg0: i32, %arg1: i32, %arg2: memref<512x64xf32, #tpu.memory_space<vmem>>, %arg3: memref<2048x64xf32, #tpu.memory_space<vmem>>, %arg4: memref<512x512xf32, #tpu.memory_space<vmem>>, %arg5: memref<512x512xf32, #tpu.memory_space<vmem>>) attributes {dimension_semantics = [#tpu.dimension_semantics<arbitrary>, #tpu.dimension_semantics<arbitrary>], iteration_bounds = array<i64: 2, 49>, scalar_prefetch = 0 : i64, scratch_operands = 1 : i64, tpu.core_type = #tpu.core_type<tc>, window_params = [{transform_indices = @transform_0, window_bounds = array<i64: 512, 64>}, {transform_indices = @transform_1, window_bounds = array<i64: 2048, 64>}, {transform_indices = @transform_2, window_bounds = array<i64: 512, 512>}]} {
    %eq3A = arith.constant 0 : i32
    %eq3A_0 = arith.cmpi eq, %arg1, %eq3A : i32
    %convert_element_type3A = arith.extui %eq3A_0 : i1 to i32
    %cond3A = arith.constant 0 : i32
    %cond3A_1 = arith.cmpi ne, %convert_element_type3A, %cond3A : i32
    scf.if %cond3A_1 {
      %broadcast_in_dim3A_156 = arith.constant 0x7F800000 : f32
      %broadcast_in_dim3A_157 = vector.broadcast %broadcast_in_dim3A_156 : f32 to vector<512x512xf32>
      %swap3A_158 = arith.constant 0 : index
      %swap3A_159 = arith.constant 0 : index
      %swap3A_160 = vector.load %arg5[%swap3A_158, %swap3A_159] : memref<512x512xf32, #tpu.memory_space<vmem>>, vector<512x512xf32>
      tpu.vector_store %arg5[%swap3A_158, %swap3A_159], %broadcast_in_dim3A_157 {strides = array<i32>} : memref<512x512xf32, #tpu.memory_space<vmem>>, vector<512x512xf32>,
    } else {
    }
    %get3A = arith.constant 0 : index
    %get3A_2 = arith.constant 0 : index
    %get3A_3 = vector.load %arg2[%get3A, %get3A_2] : memref<512x64xf32, #tpu.memory_space<vmem>>, vector<512x64xf32>
    %get3A_4 = arith.constant 0 : index
    %get3A_5 = arith.constant 0 : index
    %get3A_6 = vector.load %arg3[%get3A_4, %get3A_5] : memref<2048x64xf32, #tpu.memory_space<vmem>>, vector<2048x64xf32>
    %mul3A = arith.mulf %get3A_3, %get3A_3 : vector<512x64xf32>
    %reduce_sum3A = arith.constant dense<0.000000e+00> : vector<512xf32>
    %reduce_sum3A_7 = vector.multi_reduction <add>, %mul3A, %reduce_sum3A [1] : vector<512x64xf32> to vector<512xf32>
    %broadcast_in_dim3A = vector.shape_cast %reduce_sum3A_7 : vector<512xf32> to vector<512x1xf32>
    %jit3A = arith.constant 0.000000e+00 : f32
    %jit3A_8 = arith.constant 0.999979972 : f32
    %max3A = vector.broadcast %jit3A : f32 to vector<512x1xf32>
    %max3A_9 = arith.maximumf %max3A, %broadcast_in_dim3A : vector<512x1xf32>
    %min3A = vector.broadcast %jit3A_8 : f32 to vector<512x1xf32>
    %min3A_10 = arith.minimumf %min3A, %max3A_9 : vector<512x1xf32>
    %mul3A_11 = arith.mulf %get3A_6, %get3A_6 : vector<2048x64xf32>
    %reduce_sum3A_12 = arith.constant dense<0.000000e+00> : vector<2048xf32>
    %reduce_sum3A_13 = vector.multi_reduction <add>, %mul3A_11, %reduce_sum3A_12 [1] : vector<2048x64xf32> to vector<2048xf32>
    %broadcast_in_dim3A_14 = vector.shape_cast %reduce_sum3A_13 : vector<2048xf32> to vector<1x2048xf32>
    %dot_general3A = arith.constant dense<0.000000e+00> : vector<512x2048xf32>
    %dot_general3A_15 = tpu.matmul %get3A_3, %get3A_6, %dot_general3A {dimension_numbers = #tpu.dot_dimension_numbers<[1], [1], [0], [0], [0, 0, 1, 0], [], []>, transpose_lhs_hint = false} : vector<512x64xf32>, vector<2048x64xf32>, vector<512x2048xf32> -> vector<512x2048xf32>
    %add3A = vector.broadcast %broadcast_in_dim3A : vector<512x1xf32> to vector<512x2048xf32>
    %add3A_16 = vector.broadcast %broadcast_in_dim3A_14 : vector<1x2048xf32> to vector<512x2048xf32>
    %add3A_17 = arith.addf %add3A, %add3A_16 : vector<512x2048xf32>
    %mul3A_18 = arith.constant 2.000000e+00 : f32
    %mul3A_19 = vector.broadcast %mul3A_18 : f32 to vector<512x2048xf32>
    %mul3A_20 = arith.mulf %mul3A_19, %dot_general3A_15 : vector<512x2048xf32>
    %sub3A = arith.subf %add3A_17, %mul3A_20 : vector<512x2048xf32>
    %max3A_21 = arith.constant 0.000000e+00 : f32
    %max3A_22 = vector.broadcast %max3A_21 : f32 to vector<512x2048xf32>
    %max3A_23 = arith.maximumf %sub3A, %max3A_22 : vector<512x2048xf32>
    %jit3A_24 = arith.constant 0.000000e+00 : f32
    %jit3A_25 = arith.constant 0.999979972 : f32
    %max3A_26 = vector.broadcast %jit3A_24 : f32 to vector<1x2048xf32>
    %max3A_27 = arith.maximumf %max3A_26, %broadcast_in_dim3A_14 : vector<1x2048xf32>
    %min3A_28 = vector.broadcast %jit3A_25 : f32 to vector<1x2048xf32>
    %min3A_29 = arith.minimumf %min3A_28, %max3A_27 : vector<1x2048xf32>
    %sub3A_30 = arith.constant 1.000000e+00 : f32
    %sub3A_31 = vector.broadcast %sub3A_30 : f32 to vector<512x1xf32>
    %sub3A_32 = arith.subf %sub3A_31, %min3A_10 : vector<512x1xf32>
    %sub3A_33 = arith.constant 1.000000e+00 : f32
    %sub3A_34 = vector.broadcast %sub3A_33 : f32 to vector<1x2048xf32>
    %sub3A_35 = arith.subf %sub3A_34, %min3A_29 : vector<1x2048xf32>
    %mul3A_36 = vector.broadcast %sub3A_32 : vector<512x1xf32> to vector<512x2048xf32>
    %mul3A_37 = vector.broadcast %sub3A_35 : vector<1x2048xf32> to vector<512x2048xf32>
    %mul3A_38 = arith.mulf %mul3A_36, %mul3A_37 : vector<512x2048xf32>
    %max3A_39 = arith.constant 9.99999974E-6 : f32
    %max3A_40 = vector.broadcast %max3A_39 : f32 to vector<512x2048xf32>
    %max3A_41 = arith.maximumf %mul3A_38, %max3A_40 : vector<512x2048xf32>
    %mul3A_42 = arith.constant 2.000000e+00 : f32
    %mul3A_43 = vector.broadcast %mul3A_42 : f32 to vector<512x2048xf32>
    %mul3A_44 = arith.mulf %mul3A_43, %max3A_23 : vector<512x2048xf32>
    %div3A = arith.divf %mul3A_44, %max3A_41 : vector<512x2048xf32>
    %iota3A = tpu.iota {dimensions = array<i32: 1>} : vector<512x2048xi32>
    %bitcast_convert_type3A = tpu.bitcast %div3A : vector<512x2048xf32> -> vector<512x2048xi32>
    %shift_right_logical3A = arith.constant 7 : i32
    %shift_right_logical3A_45 = vector.broadcast %shift_right_logical3A : i32 to vector<512x2048xi32>
    %shift_right_logical3A_46 = arith.shrui %iota3A, %shift_right_logical3A_45 : vector<512x2048xi32>
    %mul3A_47 = arith.constant 16 : i32
    %mul3A_48 = arith.muli %arg1, %mul3A_47 : i32
    %add3A_49 = vector.broadcast %mul3A_48 : i32 to vector<512x2048xi32>
    %add3A_50 = arith.addi %shift_right_logical3A_46, %add3A_49 : vector<512x2048xi32>
    %and3A = arith.constant -2048 : i32
    %and3A_51 = vector.broadcast %and3A : i32 to vector<512x2048xi32>
    %and3A_52 = arith.andi %bitcast_convert_type3A, %and3A_51 : vector<512x2048xi32>
    %or3A = arith.ori %and3A_52, %add3A_50 : vector<512x2048xi32>
    %bitcast_convert_type3A_53 = tpu.bitcast %or3A : vector<512x2048xi32> -> vector<512x2048xf32>
    %mul3A_54 = arith.constant 2048 : i32
    %mul3A_55 = arith.muli %arg1, %mul3A_54 : i32
    %add3A_56 = vector.broadcast %mul3A_55 : i32 to vector<512x2048xi32>
    %add3A_57 = arith.addi %iota3A, %add3A_56 : vector<512x2048xi32>
    %lt3A = arith.constant 100000 : i32
    %lt3A_58 = vector.broadcast %lt3A : i32 to vector<512x2048xi32>
    %lt3A_59 = arith.cmpi slt, %add3A_57, %lt3A_58 : vector<512x2048xi32>
    %jit3A_60 = arith.constant 0x7F800000 : f32
    %broadcast_in_dim3A_61 = vector.broadcast %jit3A_60 : f32 to vector<512x2048xf32>
    %select_n3A = arith.select %lt3A_59, %bitcast_convert_type3A_53, %broadcast_in_dim3A_61 : vector<512x2048xi1>, vector<512x2048xf32>
    %slice3A = vector.extract_strided_slice %select_n3A {offsets = [0, 0], sizes = [512, 128], strides = [1, 1]} : vector<512x2048xf32> to vector<512x128xf32>
    %slice3A_62 = vector.extract_strided_slice %select_n3A {offsets = [0, 128], sizes = [512, 128], strides = [1, 1]} : vector<512x2048xf32> to vector<512x128xf32>
    %min3A_63 = arith.minimumf %slice3A, %slice3A_62 : vector<512x128xf32>
    %slice3A_64 = vector.extract_strided_slice %select_n3A {offsets = [0, 256], sizes = [512, 128], strides = [1, 1]} : vector<512x2048xf32> to vector<512x128xf32>
    %min3A_65 = arith.minimumf %min3A_63, %slice3A_64 : vector<512x128xf32>
    %slice3A_66 = vector.extract_strided_slice %select_n3A {offsets = [0, 384], sizes = [512, 128], strides = [1, 1]} : vector<512x2048xf32> to vector<512x128xf32>
    %min3A_67 = arith.minimumf %min3A_65, %slice3A_66 : vector<512x128xf32>
    %slice3A_68 = vector.extract_strided_slice %select_n3A {offsets = [0, 512], sizes = [512, 128], strides = [1, 1]} : vector<512x2048xf32> to vector<512x128xf32>
    %min3A_69 = arith.minimumf %min3A_67, %slice3A_68 : vector<512x128xf32>
    %slice3A_70 = vector.extract_strided_slice %select_n3A {offsets = [0, 640], sizes = [512, 128], strides = [1, 1]} : vector<512x2048xf32> to vector<512x128xf32>
    %min3A_71 = arith.minimumf %min3A_69, %slice3A_70 : vector<512x128xf32>
    %slice3A_72 = vector.extract_strided_slice %select_n3A {offsets = [0, 768], sizes = [512, 128], strides = [1, 1]} : vector<512x2048xf32> to vector<512x128xf32>
    %min3A_73 = arith.minimumf %min3A_71, %slice3A_72 : vector<512x128xf32>
    %slice3A_74 = vector.extract_strided_slice %select_n3A {offsets = [0, 896], sizes = [512, 128], strides = [1, 1]} : vector<512x2048xf32> to vector<512x128xf32>
    %min3A_75 = arith.minimumf %min3A_73, %slice3A_74 : vector<512x128xf32>
    %slice3A_76 = vector.extract_strided_slice %select_n3A {offsets = [0, 1024], sizes = [512, 128], strides = [1, 1]} : vector<512x2048xf32> to vector<512x128xf32>
    %min3A_77 = arith.minimumf %min3A_75, %slice3A_76 : vector<512x128xf32>
    %slice3A_78 = vector.extract_strided_slice %select_n3A {offsets = [0, 1152], sizes = [512, 128], strides = [1, 1]} : vector<512x2048xf32> to vector<512x128xf32>
    %min3A_79 = arith.minimumf %min3A_77, %slice3A_78 : vector<512x128xf32>
    %slice3A_80 = vector.extract_strided_slice %select_n3A {offsets = [0, 1280], sizes = [512, 128], strides = [1, 1]} : vector<512x2048xf32> to vector<512x128xf32>
    %min3A_81 = arith.minimumf %min3A_79, %slice3A_80 : vector<512x128xf32>
    %slice3A_82 = vector.extract_strided_slice %select_n3A {offsets = [0, 1408], sizes = [512, 128], strides = [1, 1]} : vector<512x2048xf32> to vector<512x128xf32>
    %min3A_83 = arith.minimumf %min3A_81, %slice3A_82 : vector<512x128xf32>
    %slice3A_84 = vector.extract_strided_slice %select_n3A {offsets = [0, 1536], sizes = [512, 128], strides = [1, 1]} : vector<512x2048xf32> to vector<512x128xf32>
    %min3A_85 = arith.minimumf %min3A_83, %slice3A_84 : vector<512x128xf32>
    %slice3A_86 = vector.extract_strided_slice %select_n3A {offsets = [0, 1664], sizes = [512, 128], strides = [1, 1]} : vector<512x2048xf32> to vector<512x128xf32>
    %min3A_87 = arith.minimumf %min3A_85, %slice3A_86 : vector<512x128xf32>
    %slice3A_88 = vector.extract_strided_slice %select_n3A {offsets = [0, 1792], sizes = [512, 128], strides = [1, 1]} : vector<512x2048xf32> to vector<512x128xf32>
    %min3A_89 = arith.minimumf %min3A_87, %slice3A_88 : vector<512x128xf32>
    %slice3A_90 = vector.extract_strided_slice %select_n3A {offsets = [0, 1920], sizes = [512, 128], strides = [1, 1]} : vector<512x2048xf32> to vector<512x128xf32>
    %min3A_91 = arith.minimumf %min3A_89, %slice3A_90 : vector<512x128xf32>
    %concatenate3A = tpu.concatenate %min3A_91, %min3A_91, %min3A_91, %min3A_91, %min3A_91, %min3A_91, %min3A_91, %min3A_91, %min3A_91, %min3A_91, %min3A_91, %min3A_91, %min3A_91, %min3A_91, %min3A_91, %min3A_91 in 1 : vector<512x128xf32>, vector<512x128xf32>, vector<512x128xf32>, vector<512x128xf32>, vector<512x128xf32>, vector<512x128xf32>, vector<512x128xf32>, vector<512x128xf32>, vector<512x128xf32>, vector<512x128xf32>, vector<512x128xf32>, vector<512x128xf32>, vector<512x128xf32>, vector<512x128xf32>, vector<512x128xf32>, vector<512x128xf32> -> vector<512x2048xf32>
    %eq3A_92 = arith.cmpf oeq, %select_n3A, %concatenate3A : vector<512x2048xf32>
    %jit3A_93 = arith.constant 0x7F800000 : f32
    %broadcast_in_dim3A_94 = vector.broadcast %jit3A_93 : f32 to vector<512x2048xf32>
    %select_n3A_95 = arith.select %eq3A_92, %broadcast_in_dim3A_94, %select_n3A : vector<512x2048xi1>, vector<512x2048xf32>
    %slice3A_96 = vector.extract_strided_slice %select_n3A_95 {offsets = [0, 0], sizes = [512, 128], strides = [1, 1]} : vector<512x2048xf32> to vector<512x128xf32>
    %slice3A_97 = vector.extract_strided_slice %select_n3A_95 {offsets = [0, 128], sizes = [512, 128], strides = [1, 1]} : vector<512x2048xf32> to vector<512x128xf32>
    %min3A_98 = arith.minimumf %slice3A_96, %slice3A_97 : vector<512x128xf32>
    %slice3A_99 = vector.extract_strided_slice %select_n3A_95 {offsets = [0, 256], sizes = [512, 128], strides = [1, 1]} : vector<512x2048xf32> to vector<512x128xf32>
    %min3A_100 = arith.minimumf %min3A_98, %slice3A_99 : vector<512x128xf32>
    %slice3A_101 = vector.extract_strided_slice %select_n3A_95 {offsets = [0, 384], sizes = [512, 128], strides = [1, 1]} : vector<512x2048xf32> to vector<512x128xf32>
    %min3A_102 = arith.minimumf %min3A_100, %slice3A_101 : vector<512x128xf32>
    %slice3A_103 = vector.extract_strided_slice %select_n3A_95 {offsets = [0, 512], sizes = [512, 128], strides = [1, 1]} : vector<512x2048xf32> to vector<512x128xf32>
    %min3A_104 = arith.minimumf %min3A_102, %slice3A_103 : vector<512x128xf32>
    %slice3A_105 = vector.extract_strided_slice %select_n3A_95 {offsets = [0, 640], sizes = [512, 128], strides = [1, 1]} : vector<512x2048xf32> to vector<512x128xf32>
    %min3A_106 = arith.minimumf %min3A_104, %slice3A_105 : vector<512x128xf32>
    %slice3A_107 = vector.extract_strided_slice %select_n3A_95 {offsets = [0, 768], sizes = [512, 128], strides = [1, 1]} : vector<512x2048xf32> to vector<512x128xf32>
    %min3A_108 = arith.minimumf %min3A_106, %slice3A_107 : vector<512x128xf32>
    %slice3A_109 = vector.extract_strided_slice %select_n3A_95 {offsets = [0, 896], sizes = [512, 128], strides = [1, 1]} : vector<512x2048xf32> to vector<512x128xf32>
    %min3A_110 = arith.minimumf %min3A_108, %slice3A_109 : vector<512x128xf32>
    %slice3A_111 = vector.extract_strided_slice %select_n3A_95 {offsets = [0, 1024], sizes = [512, 128], strides = [1, 1]} : vector<512x2048xf32> to vector<512x128xf32>
    %min3A_112 = arith.minimumf %min3A_110, %slice3A_111 : vector<512x128xf32>
    %slice3A_113 = vector.extract_strided_slice %select_n3A_95 {offsets = [0, 1152], sizes = [512, 128], strides = [1, 1]} : vector<512x2048xf32> to vector<512x128xf32>
    %min3A_114 = arith.minimumf %min3A_112, %slice3A_113 : vector<512x128xf32>
    %slice3A_115 = vector.extract_strided_slice %select_n3A_95 {offsets = [0, 1280], sizes = [512, 128], strides = [1, 1]} : vector<512x2048xf32> to vector<512x128xf32>
    %min3A_116 = arith.minimumf %min3A_114, %slice3A_115 : vector<512x128xf32>
    %slice3A_117 = vector.extract_strided_slice %select_n3A_95 {offsets = [0, 1408], sizes = [512, 128], strides = [1, 1]} : vector<512x2048xf32> to vector<512x128xf32>
    %min3A_118 = arith.minimumf %min3A_116, %slice3A_117 : vector<512x128xf32>
    %slice3A_119 = vector.extract_strided_slice %select_n3A_95 {offsets = [0, 1536], sizes = [512, 128], strides = [1, 1]} : vector<512x2048xf32> to vector<512x128xf32>
    %min3A_120 = arith.minimumf %min3A_118, %slice3A_119 : vector<512x128xf32>
    %slice3A_121 = vector.extract_strided_slice %select_n3A_95 {offsets = [0, 1664], sizes = [512, 128], strides = [1, 1]} : vector<512x2048xf32> to vector<512x128xf32>
    %min3A_122 = arith.minimumf %min3A_120, %slice3A_121 : vector<512x128xf32>
    %slice3A_123 = vector.extract_strided_slice %select_n3A_95 {offsets = [0, 1792], sizes = [512, 128], strides = [1, 1]} : vector<512x2048xf32> to vector<512x128xf32>
    %min3A_124 = arith.minimumf %min3A_122, %slice3A_123 : vector<512x128xf32>
    %slice3A_125 = vector.extract_strided_slice %select_n3A_95 {offsets = [0, 1920], sizes = [512, 128], strides = [1, 1]} : vector<512x2048xf32> to vector<512x128xf32>
    %min3A_126 = arith.minimumf %min3A_124, %slice3A_125 : vector<512x128xf32>
    %get3A_127 = arith.constant 0 : index
    %get3A_128 = arith.constant 0 : index
    %get3A_129 = vector.load %arg5[%get3A_127, %get3A_128] : memref<512x512xf32, #tpu.memory_space<vmem>>, vector<512x512xf32>
    %slice3A_130 = vector.extract_strided_slice %get3A_129 {offsets = [0, 0], sizes = [512, 128], strides = [1, 1]} : vector<512x512xf32> to vector<512x128xf32>
    %slice3A_131 = vector.extract_strided_slice %get3A_129 {offsets = [0, 128], sizes = [512, 128], strides = [1, 1]} : vector<512x512xf32> to vector<512x128xf32>
    %slice3A_132 = vector.extract_strided_slice %get3A_129 {offsets = [0, 256], sizes = [512, 128], strides = [1, 1]} : vector<512x512xf32> to vector<512x128xf32>
    %slice3A_133 = vector.extract_strided_slice %get3A_129 {offsets = [0, 384], sizes = [512, 128], strides = [1, 1]} : vector<512x512xf32> to vector<512x128xf32>
    %min3A_134 = arith.minimumf %slice3A_130, %min3A_91 : vector<512x128xf32>
    %max3A_135 = arith.maximumf %slice3A_130, %min3A_91 : vector<512x128xf32>
    %min3A_136 = arith.minimumf %slice3A_131, %max3A_135 : vector<512x128xf32>
    %max3A_137 = arith.maximumf %slice3A_131, %max3A_135 : vector<512x128xf32>
    %min3A_138 = arith.minimumf %slice3A_132, %max3A_137 : vector<512x128xf32>
    %max3A_139 = arith.maximumf %slice3A_132, %max3A_137 : vector<512x128xf32>
    %min3A_140 = arith.minimumf %slice3A_133, %max3A_139 : vector<512x128xf32>
    %min3A_141 = arith.minimumf %min3A_134, %min3A_126 : vector<512x128xf32>
    %max3A_142 = arith.maximumf %min3A_134, %min3A_126 : vector<512x128xf32>
    %min3A_143 = arith.minimumf %min3A_136, %max3A_142 : vector<512x128xf32>
    %max3A_144 = arith.maximumf %min3A_136, %max3A_142 : vector<512x128xf32>
    %min3A_145 = arith.minimumf %min3A_138, %max3A_144 : vector<512x128xf32>
    %max3A_146 = arith.maximumf %min3A_138, %max3A_144 : vector<512x128xf32>
    %min3A_147 = arith.minimumf %min3A_140, %max3A_146 : vector<512x128xf32>
    %concatenate3A_148 = tpu.concatenate %min3A_141, %min3A_143, %min3A_145, %min3A_147 in 1 : vector<512x128xf32>, vector<512x128xf32>, vector<512x128xf32>, vector<512x128xf32> -> vector<512x512xf32>
    %swap3A = arith.constant 0 : index
    %swap3A_149 = arith.constant 0 : index
    %swap3A_150 = vector.load %arg5[%swap3A, %swap3A_149] : memref<512x512xf32, #tpu.memory_space<vmem>>, vector<512x512xf32>
    tpu.vector_store %arg5[%swap3A, %swap3A_149], %concatenate3A_148 {strides = array<i32>} : memref<512x512xf32, #tpu.memory_space<vmem>>, vector<512x512xf32>,
    %eq3A_151 = arith.constant 48 : i32
    %eq3A_152 = arith.cmpi eq, %arg1, %eq3A_151 : i32
    %convert_element_type3A_153 = arith.extui %eq3A_152 : i1 to i32
    %cond3A_154 = arith.constant 0 : i32
    %cond3A_155 = arith.cmpi ne, %convert_element_type3A_153, %cond3A_154 : i32
    scf.if %cond3A_155 {
      %swap3A_156 = arith.constant 0 : index
      %swap3A_157 = arith.constant 0 : index
      %swap3A_158 = vector.load %arg4[%swap3A_156, %swap3A_157] : memref<512x512xf32, #tpu.memory_space<vmem>>, vector<512x512xf32>
      tpu.vector_store %arg4[%swap3A_156, %swap3A_157], %concatenate3A_148 {strides = array<i32>} : memref<512x512xf32, #tpu.memory_space<vmem>>, vector<512x512xf32>,
    } else {
    }
    return
  }
  func.func @transform_0(%arg0: i32, %arg1: i32) -> (i32, i32) {
    %c0_i32 = arith.constant 0 : i32
    %c0_i32_0 = arith.constant 0 : i32
    return %arg0, %c0_i32 : i32, i32
  }
  func.func @transform_1(%arg0: i32, %arg1: i32) -> (i32, i32) {
    %c0_i32 = arith.constant 0 : i32
    %c0_i32_0 = arith.constant 0 : i32
    return %arg1, %c0_i32 : i32, i32
  }
  func.func @transform_2(%arg0: i32, %arg1: i32) -> (i32, i32) {
    %c0_i32 = arith.constant 0 : i32
    %c0_i32_0 = arith.constant 0 : i32
    return %arg0, %c0_i32 : i32, i32
  }
}

module attributes {stable_mosaic.version = 14 : i64} {
  func.func @_inject_body(%arg0: i32, %arg1: memref<128x50x256xf32, #tpu.memory_space<vmem>>, %arg2: memref<128x64xf32, #tpu.memory_space<vmem>>, %arg3: memref<64x256xf32, #tpu.memory_space<vmem>>, %arg4: memref<1x256xf32, #tpu.memory_space<vmem>>, %arg5: memref<128x50x256xf32, #tpu.memory_space<vmem>>) attributes {dimension_semantics = [#tpu.dimension_semantics<arbitrary>], iteration_bounds = array<i64: 8>, scalar_prefetch = 0 : i64, scratch_operands = 0 : i64, tpu.core_type = #tpu.core_type<tc>, window_params = [{transform_indices = @transform_0, window_bounds = array<i64: 128, 50, 256>}, {transform_indices = @transform_1, window_bounds = array<i64: 128, 64>}, {pipeline_mode = #tpu.pipeline_mode<synchronous>, transform_indices = @transform_2, window_bounds = array<i64: 64, 256>}, {pipeline_mode = #tpu.pipeline_mode<synchronous>, transform_indices = @transform_3, window_bounds = array<i64: 1, 256>}, {transform_indices = @transform_4, window_bounds = array<i64: 128, 50, 256>}]} {
    %get3A = arith.constant 0 : index
    %get3A_0 = arith.constant 0 : index
    %get3A_1 = vector.load %arg2[%get3A, %get3A_0] : memref<128x64xf32, #tpu.memory_space<vmem>>, vector<128x64xf32>
    %get3A_2 = arith.constant 0 : index
    %get3A_3 = arith.constant 0 : index
    %get3A_4 = vector.load %arg3[%get3A_2, %get3A_3] : memref<64x256xf32, #tpu.memory_space<vmem>>, vector<64x256xf32>
    %dot_general3A = arith.constant dense<0.000000e+00> : vector<128x256xf32>
    %dot_general3A_5 = tpu.matmul %get3A_1, %get3A_4, %dot_general3A {dimension_numbers = #tpu.dot_dimension_numbers<[1], [0], [0], [1], [0, 0, 1, 1], [], []>, transpose_lhs_hint = false} : vector<128x64xf32>, vector<64x256xf32>, vector<128x256xf32> -> vector<128x256xf32>
    %get3A_6 = arith.constant 0 : index
    %get3A_7 = arith.constant 0 : index
    %get3A_8 = vector.load %arg4[%get3A_6, %get3A_7] : memref<1x256xf32, #tpu.memory_space<vmem>>, vector<1x256xf32>
    %add3A = vector.broadcast %get3A_8 : vector<1x256xf32> to vector<128x256xf32>
    %add3A_9 = arith.addf %dot_general3A_5, %add3A : vector<128x256xf32>
    %get3A_10 = arith.constant 0 : index
    %get3A_11 = arith.constant 0 : index
    %get3A_12 = arith.constant 0 : index
    %get3A_13 = vector.load %arg1[%get3A_10, %get3A_11, %get3A_12] : memref<128x50x256xf32, #tpu.memory_space<vmem>>, vector<128x50x256xf32>
    %broadcast_in_dim3A = vector.shape_cast %add3A_9 : vector<128x256xf32> to vector<128x1x256xf32>
    %mul3A = arith.constant 1.000000e-01 : f32
    %mul3A_14 = vector.broadcast %mul3A : f32 to vector<128x1x256xf32>
    %mul3A_15 = arith.mulf %mul3A_14, %broadcast_in_dim3A : vector<128x1x256xf32>
    %add3A_16 = vector.broadcast %mul3A_15 : vector<128x1x256xf32> to vector<128x50x256xf32>
    %add3A_17 = arith.addf %get3A_13, %add3A_16 : vector<128x50x256xf32>
    %swap3A = arith.constant 0 : index
    %swap3A_18 = arith.constant 0 : index
    %swap3A_19 = arith.constant 0 : index
    %swap3A_20 = vector.load %arg5[%swap3A, %swap3A_18, %swap3A_19] : memref<128x50x256xf32, #tpu.memory_space<vmem>>, vector<128x50x256xf32>
    tpu.vector_store %arg5[%swap3A, %swap3A_18, %swap3A_19], %add3A_17 {strides = array<i32>} : memref<128x50x256xf32, #tpu.memory_space<vmem>>, vector<128x50x256xf32>,
    return
  }
  func.func @transform_0(%arg0: i32) -> (i32, i32, i32) {
    %c0_i32 = arith.constant 0 : i32
    %c0_i32_0 = arith.constant 0 : i32
    %c0_i32_1 = arith.constant 0 : i32
    return %arg0, %c0_i32, %c0_i32_0 : i32, i32, i32
  }
  func.func @transform_1(%arg0: i32) -> (i32, i32) {
    %c0_i32 = arith.constant 0 : i32
    %c0_i32_0 = arith.constant 0 : i32
    return %arg0, %c0_i32 : i32, i32
  }
  func.func @transform_2(%arg0: i32) -> (i32, i32) {
    %c0_i32 = arith.constant 0 : i32
    %c0_i32_0 = arith.constant 0 : i32
    %c0_i32_1 = arith.constant 0 : i32
    return %c0_i32, %c0_i32_0 : i32, i32
  }
  func.func @transform_3(%arg0: i32) -> (i32, i32) {
    %c0_i32 = arith.constant 0 : i32
    %c0_i32_0 = arith.constant 0 : i32
    %c0_i32_1 = arith.constant 0 : i32
    return %c0_i32, %c0_i32_0 : i32, i32
  }
  func.func @transform_4(%arg0: i32) -> (i32, i32, i32) {
    %c0_i32 = arith.constant 0 : i32
    %c0_i32_0 = arith.constant 0 : i32
    %c0_i32_1 = arith.constant 0 : i32
    return %arg0, %c0_i32, %c0_i32_0 : i32, i32, i32
  }
}

</mosaic_0001>

<sc_bundles>
// kernel: kernel.7.cloned.1.call-start
scs
__scs_entry_jumppad:
0x0: {  	(pc) =	sbr.rel $0x88, $3  }
0x1: {  	(tag) =	ssettag $0x0;
	lr =	simm.s32 $0x1  }
0x2: {  	[smem:$0x3F96] =	sst lr;
	_ =	strace $0xD0000000  }
0x3: {  	_ = 	snop  }
0x4: {  	_ = 	snop  }
0x5: {  	_ = 	snop  }
0x6: {  	_ = 	snop  }
0x7: {  	_ = 	snop  }
__scs_overlays_trampoline_lowered:
0x8: {  	[smem:$0x3FA5] =	sst s0  }
0x9: {  	[smem:$0x3FA6] =	sst s1  }
0xa: {  	[smem:$0x3FA7] =	sst s2  }
0xb: {  	[smem:$0x3FA8] =	sst s3  }
0xc: {  	[smem:$0x3FA9] =	sst s4  }
0xd: {  	[smem:$0x3FAA] =	sst s5  }
0xe: {  	[smem:$0x3FAB] =	sst s6  }
0xf: {  	[smem:$0x3FAC] =	sst s7  }
0x10: {  	[smem:$0x3FAD] =	sst s8  }
0x11: {  	[smem:$0x3FAE] =	sst s9;
	s0 =	simm.s32 @!p0 $0x0  }
0x12: {  	s1 =	sld [smem:$0x3F94];
	s0 =	simm.s32 @p0 $0x1  }
0x13: {  	[smem:$0x3FAF] =	sst s0;
	s0 =	simm.s32 @!p1 $0x0  }
0x14: {  	s2 =	sld [smem:$0x3F93];
	s0 =	simm.s32 @p1 $0x1  }
0x15: {  	[smem:$0x3FB0] =	sst s0;
	s0 =	simm.s32 @!p2 $0x0  }
0x16: {  	s3 =	sld [smem:$0x3FDB];
	s0 =	simm.s32 @p2 $0x1  }
0x17: {  	s4 =	simm.s32 $0x1BF5;
	[smem:$0x3FB2] =	sst s0  }
0x18: {  	s0 =	sld [smem:$0x3F95];
	_ =	swait.ge [sflag:s4], $0x0  }
0x19: {  	s7 =	sld [smem:$0x3F96]  }
0x1a: {  	s8 =	sadd.s32 $0xFFFFE003, lr  }
0x1b: {  	s9 =	sadd.s32 $0xFFFFFEF7, lr;
	s5 =	simm.s32 $0xFFFFFFFF;
	p2 =	slt.u32 s8, $0xFFFFF086  }
0x1c: {  	p1 =	slt.u32 s9, $0xF7A;
	s5 =	simm.s32 @!p2 $0x0  }
0x1d: {  	s5 =	simm.s32 @p1 $0x1;
	p0 =	seq.s32 s7, s2  }
0x1e: {  	s7 =	smul.u32 @!p0 $0xF7A, s2;
	p2 =	seq.s32 @!p0 s5, $0x0  }
0x1f: {  	s9 =	smul.u32 $0xF7A, s1;
	s8 =	simm.s32 @!p0 $0x1BF5;
	p2 =	por !p2, p0  }
0x20: {  	[sflag:s8] =	ssyncset.s32 @!p0 $0xFFFFF086;
	s6 =	sadd.s32 @!p0 s3, s7;
	s7 =	simm.s32 @!p0 $0x108  }
0x21: {  	s3 =	sadd.s32 s3, s9;
	s6 =	sadd.s32 @!p0 $0x88, s6;
	s7 =	simm.s32 @p2 $0x1082  }
0x22: {  	[simem:s7], [sflag:s8] =	dma.local @!p0 [hbm:s6], $0xF7A  }
0x23: {  	s9 =	sor.u32 $0xD0000000, s2;
	s6 =	simm.s32 $0x108;
	_ =	swait.ge @!p0 [sflag:s8], $0x0  }
0x24: {  	s3 =	sadd.s32 $0x88, s3;
	s6 =	simm.s32 @!p1 $0x1082;
	[sflag:s4] =	ssyncset.s32 $0xFFFFF086  }
0x25: {  	[simem:s6], [sflag:s4] =	dma.local [hbm:s3], $0xF7A  }
0x26: {  	[smem:$0x3F96] =	sst s1;
	(tag) =	ssettag s2;
	_ =	strace s9  }
0x27: {  	s1 =	sld [smem:$0x3FA6]  }
0x28: {  	s2 =	sld [smem:$0x3FA7]  }
0x29: {  	s4 =	sld [smem:$0x3FA9]  }
0x2a: {  	p0 =	seq.s32 s5, $0x0;
	s5 =	sld [smem:$0x3FAA]  }
0x2b: {  	s6 =	sld [smem:$0x3FAB]  }
0x2c: {  	s7 =	sld [smem:$0x3FAC]  }
0x2d: {  	s3 =	simm.s32 $0x108;
	s8 =	sld [smem:$0x3FAD]  }
0x2e: {  	s3 =	simm.s32 @!p0 $0x1082;
	s9 =	sld [smem:$0x3FAE]  }
0x2f: {  	lr =	sadd.s32 s0, s3;
	s0 =	sld [smem:$0x3FA5]  }
0x30: {  	s3 =	sld [smem:$0x3FA8]  }
0x31: {  	[smem:$0x3FB1] =	sst s10  }
0x32: {  	s10 =	sld [smem:$0x3FAF];
	_ =	sdelay $0x3  }
0x33: {  	p0 =	seq.s32 s10, $0x1;
	s10 =	sld [smem:$0x3FB1];
	_ =	sdelay $0x3  }
0x34: {  	[smem:$0x3FB1] =	sst s10  }
0x35: {  	s10 =	sld [smem:$0x3FB0];
	_ =	sdelay $0x3  }
0x36: {  	p1 =	seq.s32 s10, $0x1;
	s10 =	sld [smem:$0x3FB1];
	_ =	sdelay $0x3  }
0x37: {  	[smem:$0x3FB1] =	sst s10  }
0x38: {  	s10 =	sld [smem:$0x3FB2]  }
0x39: {  	_ = 	snop;
	(pc) =	sbr.ind lr, $3  }
0x3a: {  	_ = 	snop  }
0x3b: {  	_ = 	snop  }
0x3c: {  	p2 =	seq.s32 s10, $0x1;
	s10 =	sld [smem:$0x3FB1]  }
0x3d: {  	_ =	shalt  }
0x3e: {  	_ =	shalt  }
0x3f: {  	_ =	shalt  }
0x40: {  	_ =	shalt  }
0x41: {  	_ =	shalt  }
0x42: {  	_ =	shalt  }
0x43: {  	_ =	shalt  }
0x44: {  	_ =	shalt  }
0x45: {  	_ =	shalt  }
0x46: {  	_ =	shalt  }
0x47: {  	_ =	shalt  }
0x48: {  	_ =	shalt  }
0x49: {  	_ =	shalt  }
0x4a: {  	_ =	shalt  }
0x4b: {  	_ =	shalt  }
0x4c: {  	_ =	shalt  }
0x4d: {  	_ =	shalt  }
0x4e: {  	_ =	shalt  }
0x4f: {  	_ =	shalt  }
0x50: {  	_ =	shalt  }
0x51: {  	_ =	shalt  }
0x52: {  	_ =	shalt  }
0x53: {  	_ =	shalt  }
0x54: {  	_ =	shalt  }
0x55: {  	_ =	shalt  }
0x56: {  	_ =	shalt  }
0x57: {  	_ =	shalt  }
0x58: {  	_ =	shalt  }
0x59: {  	_ =	shalt  }
0x5a: {  	_ =	shalt  }
0x5b: {  	_ =	shalt  }
0x5c: {  	_ =	shalt  }
0x5d: {  	_ =	shalt  }
0x5e: {  	_ =	shalt  }
0x5f: {  	_ =	shalt  }
0x60: {  	_ =	shalt  }
0x61: {  	_ =	shalt  }
0x62: {  	_ =	shalt  }
0x63: {  	_ =	shalt  }
0x64: {  	_ =	shalt  }
0x65: {  	_ =	shalt  }
0x66: {  	_ =	shalt  }
0x67: {  	_ =	shalt  }
0x68: {  	_ =	shalt  }
0x69: {  	_ =	shalt  }
0x6a: {  	_ =	shalt  }
0x6b: {  	_ =	shalt  }
0x6c: {  	_ =	shalt  }
0x6d: {  	_ =	shalt  }
0x6e: {  	_ =	shalt  }
0x6f: {  	_ =	shalt  }
0x70: {  	_ =	shalt  }
0x71: {  	_ =	shalt  }
0x72: {  	_ =	shalt  }
0x73: {  	_ =	shalt  }
0x74: {  	_ =	shalt  }
0x75: {  	_ =	shalt  }
0x76: {  	_ =	shalt  }
0x77: {  	_ =	shalt  }
0x78: {  	_ =	shalt  }
0x79: {  	_ =	shalt  }
0x7a: {  	_ =	shalt  }
0x7b: {  	_ =	shalt  }
0x7c: {  	_ =	shalt  }
0x7d: {  	_ =	shalt  }
0x7e: {  	_ =	shalt  }
0x7f: {  	_ =	shalt  }
0x80: {  	_ =	shalt  }
0x81: {  	_ =	shalt  }
0x82: {  	_ =	shalt  }
0x83: {  	_ =	shalt  }
0x84: {  	_ =	shalt  }
0x85: {  	_ =	shalt  }
0x86: {  	_ =	shalt  }
0x87: {  	_ =	shalt  }
.Lfunc_end0:
.L_simem_size_0:
called_computation_lowered:
.L_overlay_start_0:
0x88: {  	s2 =	sld [smem:$0x3FD9]  }
0x89: {  	s3 =	sld [smem:$0x3FFE];
	_ =	sdelay $0x1  }
0x8a: {  	s1 =	srdreg.scid  }
0x8b: {  	s0 =	sand.u32 $0x1, s1  }
0x8c: {  	s17 =	sshll.u32 s0, $0xA;
	s2 =	sadd.s32 s3, s2  }
0x8d: {  	s2 =	sadd.s32 s2, s17  }
0x8e: {  	[smem:$0x3FBD] =	sst s2  }
0x8f: {  	_ = 	snop  }
0x90: {  	s2 =	sld [smem:$0x3FD0];
	(tm) =	ssettm $0x1  }
0x91: {  	s18 =	sld [smem:$0x3FFB];
	_ =	sdelay $0x3  }
0x92: {  	_ =	strace s18  }
0x93: {  	s3 =	sld [smem:$0x3FFC];
	_ =	sdelay $0x3  }
0x94: {  	_ =	strace s3  }
0x95: {  	s3 =	sld [smem:$0x3FFD];
	_ =	sdelay $0x3  }
0x96: {  	_ =	strace s3  }
0x97: {  	_ =	strace $0x8FFFFFFF  }
0x98: {  	s19 =	sld [smem:$0x3FDB];
	_ =	sdelay $0x1  }
0x99: {  	s4 =	simm.s32 $_scs_section_size  }
0x9a: {  	s5 =	simm.s32 $_size__tile_overlayer_lowered;
	s6 =	simm.s32 $_tile_overlayer_lowered  }
0x9b: {  	s22 =	simm.s32 $0x1BFF;
	s21 =	sshll.u32 s6, $0x1;
	s3 =	sadd.s32 s4, s19  }
0x9c: {  	s7 =	simm.s32 $0x0;
	s20 =	sshll.u32 s5, $0x1;
	s5 =	sadd.s32 s21, s3  }
0x9d: {  	[timem:s7], [sflag:s22] =	dma.local [hbm:s5], s20  }
0x9e: {  	_ =	swait.ge [sflag:s22], s20  }
0x9f: {  	s4 =	ssub.s32 $0x0, s20;
	[sflag:s22] =	ssyncset.done $0x0  }
0xa0: {  	[sflag:s22] =	ssyncadd.s32 s4;
	_ =	sdelay $0x1  }
0xa1: {  	s23 =	simm.s32 $0x1B8B  }
0xa2: {  	_ =	swait.ge [sflag:s23], $0x1  }
0xa3: {  	[sflag:s23] =	ssyncset.done $0x0  }
0xa4: {  	s25 =	simm.s32 $0x1B8E;
	s24 =	sld [smem:$0x3FFE];
	[sflag:s23] =	ssyncadd.s32 $0xFFFFFFFF  }
0xa5: {  	s26 =	simm.s32 $execute0_lowered;
	[smem:$0x3FD2] =	sst s25  }
0xa6: {  	s5 =	sshll.u32 s26, $0x1;
	_ =	strace $0x80000046;
	[dreg:$0x1] =	wrdreg $0xFFFFFFFF  }
0xa7: {  	s28 =	simm.s32 $_size_execute0_lowered;
	s3 =	sadd.s32 s3, s5;
	[dreg:$0x0] =	wrdreg $0x0  }
0xa8: {  	s5 =	sshll.u32 s28, $0x1;
	[dreg:$0x2] =	wrdreg s3  }
0xa9: {  	[dreg:$0x3] =	wrdreg s5  }
0xaa: {  	[dreg:$0x4] =	wrdreg $0xC0  }
0xab: {  	_ =	task [dreg:s7], $0x5FFFF  }
0xac: {  	[dreg:$0x1] =	wrdreg $0xFFFFFFFF  }
0xad: {  	[dreg:$0x0] =	wrdreg $0x60  }
0xae: {  	[dreg:$0x2] =	wrdreg s24  }
0xaf: {  	[dreg:$0x3] =	wrdreg s2  }
0xb0: {  	[dreg:$0x4] =	wrdreg $0x9  }
0xb1: {  	_ =	task.clear_ibuf [dreg:s7], $0x5FFFF;
	_ =	strace $0x90000046  }
0xb2: {  	s29 =	simm.s32 $0x9;
	_ =	strace $0x80000048  }
0xb3: {  	_ =	swait.ge [sflag:s29], $0x1  }
0xb4: {  	[sflag:s29] =	ssyncadd.s32 $0xFFFFFFFF  }
0xb5: {  	_ =	strace $0x90000048  }
0xb6: {  	_ =	sfence  }
0xb7: {  	s30 =	sld [smem:$0x0];
	_ =	sdelay $0x2  }
0xb8: {  	s31 =	sshll.u32 s1, $0xD;
	s1 =	sshrl.u32 s1, $0x2  }
0xb9: {  	s3 =	sand.u32 $0x4000, s31;
	s1 =	sadd.s32 s1, s30  }
0xba: {  	s0 =	sor.u32 s3, s0;
	s1 =	sshll.u32 s1, $0x11  }
0xbb: {  	s0 =	sor.u32 s1, s0  }
0xbc: {  	s0 =	sadd.s32 $0x8F2B, s0  }
0xbd: {  	[sflag:s0] =	ssyncadd.remote.s32 $0x1  }
0xbe: {  	_ =	sfence.sel $0xFFFF  }
0xbf: {  	[dreg:$0x0] =	wrdreg $0xFFFFFFFF;
	(pc) =	sbr.abs _section_cstart, $3  }
0xc0: {  	[dreg:$0x1] =	wrdreg $0xFFFFFFFF  }
0xc1: {  	_ =	task.clear_ibuf [dreg:s7], $0x2FFFF;
	_ =	strace $0x9FFFFFFF  }
0xc2: {  	(tm) =	ssettm $0x7FFFFFFF  }
0xc3: {  	_ =	shalt  }
tec
execute0_lowered:
.L_overlay_start_1:
0x0: {  	(tag) =	ssettag $0x1  }
0x1: {  	s0 =	srdreg.scid;
	s1 =	rddreg [dreg:$0x0]  }
0x2: {  	s2 =	stileid.u32;
	s7 =	rddreg [dreg:$0x1]  }
0x3: {  	s9 =	simm.s32 $0x2;
	s0 =	sand.u32 $0x1, s0;
	s2 =	sshll.u32 s2, $0x1  }
0x4: {  	s10 =	simm.s32 $0x80;
	s17 =	simm.s32 $0x1;
	s4 =	sor.u32 s0, s2  }
0x5: {  	s19 =	simm.s32 $0x0;
	s2 =	simm.s32 $0x0;
	s8 =	sshll.u32 s4, $0x9  }
0x6: {  	s5 =	sshll.u32 s0, $0x9;
	s0 =	ssub.s32 $0x2, s0;
	s3 =	sand.u32 $0x3C00, s8  }
0x7: {  	[smem:$0x7FF] =	sst s2;
	s4 =	sshll.u32 s4, $0x6;
	s5 =	sor.u32 s5, s3  }
0x8: {  	s6 =	sshrl.u32 s0, $0x1;
	_ =	strace $0x80000047;
	s5 =	sshrl.u32 s5, $0x3  }
0x9: {  	s0 =	ssub.s32 s0, s6;
	s7 =	sadd.s32 s7, s8;
	s5 =	sadd.s32 s5, s1  }
0xa: {  	s3 =	sadd.s32 $0x1C1E00, s1;
	s1 =	sadd.s32 s4, s1;
	s4 =	sadd.s32 $0x285400, s5  }
0xb: {  	s8 =	smax.u32 s0, $0x1;
	s5 =	sadd.s32 $0x286400, s1;
	s6 =	sadd.s32 $0x285C00, s1  }
.LBB2_1:
0xc: {  	[tilespmem:s2], [sflag:$0x2] =	stream.linear.gather [hbm4b:s4+s2], $0x200, $0x38;
	[tilespmem:$0x11600] =	vst v63  }
0xd: {  	_ =	swait.ge [sflag:s9], $0x200  }
0xe: {  	[sflag:s9] =	ssyncset.done $0x0  }
0xf: {  	s20 =	simm.s32 $0x10200;
	[sflag:s9] =	ssyncadd.s32 $0xFFFFFE00  }
0x10: {  	[tilespmem:s20], [sflag:$0x2] =	stream.linear.gather [hbm4b:s5+s2], $0x200, $0x38;
	[tilespmem:$0x11600] =	vst v63  }
0x11: {  	_ =	swait.ge [sflag:s9], $0x200  }
0x12: {  	[sflag:s9] =	ssyncset.done $0x0  }
0x13: {  	s21 =	simm.s32 $0x10400;
	[sflag:s9] =	ssyncadd.s32 $0xFFFFFE00  }
0x14: {  	[tilespmem:s21], [sflag:$0x2] =	stream.linear.gather [hbm4b:s6+s2], $0x200, $0x38;
	[tilespmem:$0x11600] =	vst v63  }
0x15: {  	_ =	swait.ge [sflag:s9], $0x200  }
0x16: {  	[sflag:s9] =	ssyncset.done $0x0  }
0x17: {  	s0 =	simm.s32 $0x200;
	[sflag:s9] =	ssyncadd.s32 $0xFFFFFE00  }
0x18: {  	[tilespmem:s0], [sflag:$0x1] =	stream.indirect.gather [hbm4b:s3+s10], $0x80, s2, s10, $0xb8;
	[tilespmem:$0x11600] =	vst v63  }
0x19: {  	s26 =	simm.s32 $0x4200  }
0x1a: {  	[tilespmem:s26], [sflag:$0x1] =	stream.indirect.gather [hbm4b:s3+s10], $0x80, s10, s10, $0xb8;
	[tilespmem:$0x11600] =	vst v63  }
0x1b: {  	s28 =	simm.s32 $0x100;
	s1 =	simm.s32 $0x8200  }
0x1c: {  	[tilespmem:s1], [sflag:$0x1] =	stream.indirect.gather [hbm4b:s3+s10], $0x80, s28, s10, $0xb8;
	[tilespmem:$0x11600] =	vst v63  }
0x1d: {  	s29 =	simm.s32 $0x180;
	s30 =	simm.s32 $0xC200  }
0x1e: {  	[tilespmem:s30], [sflag:$0x1] =	stream.indirect.gather [hbm4b:s3+s10], $0x80, s29, s10, $0xb8;
	[tilespmem:$0x11600] =	vst v63  }
0x1f: {  	_ =	swait.ge [sflag:s17], $0x4000  }
0x20: {  	[sflag:s17] =	ssyncset.done $0x0  }
0x21: {  	[sflag:s17] =	ssyncadd.s32 $0xFFFFC000  }
0x22: {  	_ =	swait.ge [sflag:s17], $0x4000  }
0x23: {  	[sflag:s17] =	ssyncset.done $0x0  }
0x24: {  	[sflag:s17] =	ssyncadd.s32 $0xFFFFC000  }
0x25: {  	_ =	swait.ge [sflag:s17], $0x4000  }
0x26: {  	[sflag:s17] =	ssyncset.done $0x0  }
0x27: {  	[sflag:s17] =	ssyncadd.s32 $0xFFFFC000  }
0x28: {  	_ =	swait.ge [sflag:s17], $0x4000  }
0x29: {  	[sflag:s17] =	ssyncset.done $0x0  }
0x2a: {  	[sflag:s17] =	ssyncadd.s32 $0xFFFFC000  }
0x2b: {  	v0 =	vld [tilespmem:s21+$0x0];
	_ =	sdelay $0x4  }
0x2c: {  	v0 =	vshll.u32 v0, $0x6  }
0x2d: {  	v0 =	vshll.u32 v0, $0x2  }
0x2e: {  	s31 =	simm.s32 $0x0;
	v0 =	vshra.s32 v0, $0x2  }
0x2f: {  	v6 =	vadd.s32 s31, v0  }
0x30: {  	(v2sf) =	vpush v6, $0x0;
	_ =	sdelay $0x1  }
0x31: {  	(v2sf) =	vpush v6, $0x1;
	_ =	sdelay $0x1  }
0x32: {  	(v2sf) =	vpush v6, $0x2;
	_ =	sdelay $0x1  }
0x33: {  	(v2sf) =	vpush v6, $0x3;
	_ =	sdelay $0x1  }
0x34: {  	(v2sf) =	vpush v6, $0x4;
	_ =	sdelay $0x1  }
0x35: {  	(v2sf) =	vpush v6, $0x5;
	_ =	sdelay $0x1  }
0x36: {  	(v2sf) =	vpush v6, $0x6;
	_ =	sdelay $0x1  }
0x37: {  	v15 =	vld [tilespmem:s20+$0x0];
	(v2sf) =	vpush v6, $0x7  }
0x38: {  	s1 =	spop (v2sf)  }
0x39: {  	(v2sf) =	vpush v6, $0x8;
	v1 =	vld [tilespmem:s1+$0x200]  }
0x3a: {  	s31 =	spop (v2sf)  }
0x3b: {  	(v2sf) =	vpush v6, $0x9;
	v2 =	vld [tilespmem:s31+$0x280]  }
0x3c: {  	v0 =	vbroadcast v15, $0x0;
	s11 =	spop (v2sf)  }
0x3d: {  	(v2sf) =	vpush v6, $0xA;
	v3 =	vld [tilespmem:s11+$0x300]  }
0x3e: {  	s12 =	spop (v2sf);
	v4 =	vmul.f32 v1, v0;
	v1 =	vbroadcast v15, $0x1  }
0x3f: {  	(v2sf) =	vpush v6, $0xB;
	v5 =	vld [tilespmem:s12+$0x380]  }
0x40: {  	s13 =	spop (v2sf);
	v4 =	vadd.f32 $0.0e+00, v4;
	v7 =	vmul.f32 v2, v1;
	v2 =	vbroadcast v15, $0x2  }
0x41: {  	(v2sf) =	vpush v6, $0xC;
	v8 =	vld [tilespmem:s13+$0x400]  }
0x42: {  	s14 =	spop (v2sf);
	v4 =	vadd.f32 v7, v4;
	v36 =	vmul.f32 v3, v2;
	v3 =	vbroadcast v15, $0x3  }
0x43: {  	(v2sf) =	vpush v6, $0xD;
	v9 =	vld [tilespmem:s14+$0x480]  }
0x44: {  	s15 =	spop (v2sf);
	v7 =	vadd.f32 v36, v4;
	v5 =	vmul.f32 v5, v3;
	v4 =	vbroadcast v15, $0x4  }
0x45: {  	(v2sf) =	vpush v6, $0xE;
	v10 =	vld [tilespmem:s15+$0x500]  }
0x46: {  	s16 =	spop (v2sf);
	v7 =	vadd.f32 v5, v7;
	v8 =	vmul.f32 v8, v4;
	v5 =	vbroadcast v15, $0x5  }
0x47: {  	(v2sf) =	vpush v6, $0xF;
	v11 =	vld [tilespmem:s16+$0x580]  }
0x48: {  	v6 =	vbroadcast v15, $0x6;
	s18 =	spop (v2sf);
	v7 =	vadd.f32 v8, v7;
	v37 =	vmul.f32 v9, v5  }
0x49: {  	v38 =	vld [tilespmem:s18+$0x600]  }
0x4a: {  	v10 =	vmul.f32 v10, v6;
	s23 =	spop (v2sf);
	v8 =	vadd.f32 v37, v7;
	v7 =	vbroadcast v15, $0x7  }
0x4b: {  	v12 =	vld [tilespmem:s23+$0x680]  }
0x4c: {  	s24 =	spop (v2sf);
	v10 =	vadd.f32 v10, v8;
	v11 =	vmul.f32 v11, v7;
	v8 =	vbroadcast v15, $0x8  }
0x4d: {  	v13 =	vld [tilespmem:s24+$0x700]  }
0x4e: {  	v9 =	vbroadcast v15, $0x9;
	s25 =	spop (v2sf);
	v10 =	vadd.f32 v11, v10;
	v39 =	vmul.f32 v38, v8  }
0x4f: {  	v14 =	vld [tilespmem:s25+$0x780]  }
0x50: {  	s26 =	spop (v2sf);
	v12 =	vmul.f32 v12, v9;
	v11 =	vadd.f32 v39, v10;
	v10 =	vbroadcast v15, $0xA  }
0x51: {  	v16 =	vld [tilespmem:s26+$0x800]  }
0x52: {  	s28 =	spop (v2sf);
	v12 =	vadd.f32 v12, v11;
	v13 =	vmul.f32 v13, v10;
	v11 =	vbroadcast v15, $0xB  }
0x53: {  	v17 =	vld [tilespmem:s28+$0x880]  }
0x54: {  	s29 =	spop (v2sf);
	v13 =	vadd.f32 v13, v12;
	v14 =	vmul.f32 v14, v11;
	v12 =	vbroadcast v15, $0xC  }
0x55: {  	v18 =	vld [tilespmem:s29+$0x900]  }
0x56: {  	s30 =	spop (v2sf);
	v19 =	vadd.f32 v14, v13;
	v16 =	vmul.f32 v16, v12;
	v14 =	vbroadcast v15, $0xD  }
0x57: {  	v20 =	vld [tilespmem:s30+$0x980]  }
0x58: {  	v13 =	vbroadcast v15, $0xE;
	v16 =	vadd.f32 v16, v19;
	v17 =	vmul.f32 v17, v14;
	_ =	sdelay $0x1  }
0x59: {  	v15 =	vbroadcast v15, $0xF;
	v40 =	vmul.f32 v18, v13;
	v16 =	vadd.f32 v17, v16;
	_ =	sdelay $0x1  }
0x5a: {  	v41 =	vmul.f32 v20, v15;
	v16 =	vadd.f32 v40, v16;
	_ =	sdelay $0x1  }
0x5b: {  	v16 =	vadd.f32 v41, v16  }
0x5c: {  	s22 =	simm.s32 $0x10620  }
0x5d: {  	[tilespmem:s22+$0xFFFFFFE0] =	vst v16  }
0x5e: {  	v16 =	vld [tilespmem:s1+$0x210];
	_ =	sdelay $0x1  }
0x5f: {  	v42 =	vld [tilespmem:s31+$0x290];
	_ =	sdelay $0x1  }
0x60: {  	v43 =	vld [tilespmem:s11+$0x310]  }
0x61: {  	v16 =	vmul.f32 v16, v0  }
0x62: {  	v44 =	vld [tilespmem:s12+$0x390]  }
0x63: {  	v17 =	vmul.f32 v42, v1;
	v16 =	vadd.f32 $0.0e+00, v16  }
0x64: {  	v45 =	vld [tilespmem:s13+$0x410]  }
0x65: {  	v46 =	vmul.f32 v43, v2;
	v16 =	vadd.f32 v17, v16  }
0x66: {  	v47 =	vld [tilespmem:s14+$0x490]  }
0x67: {  	v48 =	vmul.f32 v44, v3;
	v16 =	vadd.f32 v46, v16  }
0x68: {  	v49 =	vld [tilespmem:s15+$0x510]  }
0x69: {  	v50 =	vmul.f32 v45, v4;
	v16 =	vadd.f32 v48, v16  }
0x6a: {  	v51 =	vld [tilespmem:s16+$0x590]  }
0x6b: {  	v52 =	vmul.f32 v47, v5;
	v16 =	vadd.f32 v50, v16  }
0x6c: {  	v53 =	vld [tilespmem:s18+$0x610]  }
0x6d: {  	v54 =	vmul.f32 v49, v6;
	v16 =	vadd.f32 v52, v16  }
0x6e: {  	v55 =	vld [tilespmem:s23+$0x690]  }
0x6f: {  	v56 =	vmul.f32 v51, v7;
	v16 =	vadd.f32 v54, v16  }
0x70: {  	v57 =	vld [tilespmem:s24+$0x710]  }
0x71: {  	v58 =	vmul.f32 v53, v8;
	v16 =	vadd.f32 v56, v16  }
0x72: {  	v59 =	vld [tilespmem:s25+$0x790]  }
0x73: {  	v60 =	vmul.f32 v55, v9;
	v16 =	vadd.f32 v58, v16  }
0x74: {  	v61 =	vld [tilespmem:s26+$0x810]  }
0x75: {  	v62 =	vmul.f32 v57, v10;
	v16 =	vadd.f32 v60, v16  }
0x76: {  	v63 =	vld [tilespmem:s28+$0x890]  }
0x77: {  	v22 =	vmul.f32 v59, v11;
	v16 =	vadd.f32 v62, v16  }
0x78: {  	v23 =	vld [tilespmem:s29+$0x910]  }
0x79: {  	v24 =	vmul.f32 v61, v12;
	v16 =	vadd.f32 v22, v16  }
0x7a: {  	v25 =	vld [tilespmem:s30+$0x990]  }
0x7b: {  	v26 =	vmul.f32 v63, v14;
	v16 =	vadd.f32 v24, v16;
	_ =	sdelay $0x1  }
0x7c: {  	v27 =	vmul.f32 v23, v13;
	v16 =	vadd.f32 v26, v16;
	_ =	sdelay $0x1  }
0x7d: {  	v28 =	vmul.f32 v25, v15;
	v16 =	vadd.f32 v27, v16;
	_ =	sdelay $0x1  }
0x7e: {  	v16 =	vadd.f32 v28, v16;
	_ =	sdelay $0x1  }
0x7f: {  	[tilespmem:s22+$0xFFFFFFF0] =	vst v16  }
0x80: {  	v16 =	vld [tilespmem:s1+$0x220];
	_ =	sdelay $0x1  }
0x81: {  	v29 =	vld [tilespmem:s31+$0x2A0];
	_ =	sdelay $0x1  }
0x82: {  	v30 =	vld [tilespmem:s11+$0x320]  }
0x83: {  	v16 =	vmul.f32 v16, v0  }
0x84: {  	v31 =	vld [tilespmem:s12+$0x3A0]  }
0x85: {  	v17 =	vmul.f32 v29, v1;
	v16 =	vadd.f32 $0.0e+00, v16  }
0x86: {  	v32 =	vld [tilespmem:s13+$0x420]  }
0x87: {  	v33 =	vmul.f32 v30, v2;
	v16 =	vadd.f32 v17, v16  }
0x88: {  	v34 =	vld [tilespmem:s14+$0x4A0]  }
0x89: {  	v35 =	vmul.f32 v31, v3;
	v16 =	vadd.f32 v33, v16  }
0x8a: {  	v36 =	vld [tilespmem:s15+$0x520]  }
0x8b: {  	v37 =	vmul.f32 v32, v4;
	v16 =	vadd.f32 v35, v16  }
0x8c: {  	v38 =	vld [tilespmem:s16+$0x5A0]  }
0x8d: {  	v39 =	vmul.f32 v34, v5;
	v16 =	vadd.f32 v37, v16  }
0x8e: {  	v40 =	vld [tilespmem:s18+$0x620]  }
0x8f: {  	v41 =	vmul.f32 v36, v6;
	v16 =	vadd.f32 v39, v16  }
0x90: {  	v42 =	vld [tilespmem:s23+$0x6A0]  }
0x91: {  	v43 =	vmul.f32 v38, v7;
	v16 =	vadd.f32 v41, v16  }
0x92: {  	v44 =	vld [tilespmem:s24+$0x720]  }
0x93: {  	v45 =	vmul.f32 v40, v8;
	v16 =	vadd.f32 v43, v16  }
0x94: {  	v46 =	vld [tilespmem:s25+$0x7A0]  }
0x95: {  	v47 =	vmul.f32 v42, v9;
	v16 =	vadd.f32 v45, v16  }
0x96: {  	v48 =	vld [tilespmem:s26+$0x820]  }
0x97: {  	v49 =	vmul.f32 v44, v10;
	v16 =	vadd.f32 v47, v16  }
0x98: {  	v50 =	vld [tilespmem:s28+$0x8A0]  }
0x99: {  	v51 =	vmul.f32 v46, v11;
	v16 =	vadd.f32 v49, v16  }
0x9a: {  	v52 =	vld [tilespmem:s29+$0x920]  }
0x9b: {  	v53 =	vmul.f32 v48, v12;
	v16 =	vadd.f32 v51, v16  }
0x9c: {  	v54 =	vld [tilespmem:s30+$0x9A0]  }
0x9d: {  	v20 =	vmul.f32 v50, v14;
	v16 =	vadd.f32 v53, v16;
	_ =	sdelay $0x1  }
0x9e: {  	v55 =	vmul.f32 v52, v13;
	v16 =	vadd.f32 v20, v16;
	_ =	sdelay $0x1  }
0x9f: {  	v56 =	vmul.f32 v54, v15;
	v16 =	vadd.f32 v55, v16;
	_ =	sdelay $0x1  }
0xa0: {  	v16 =	vadd.f32 v56, v16;
	_ =	sdelay $0x1  }
0xa1: {  	[tilespmem:s22+$0x0] =	vst v16  }
0xa2: {  	v16 =	vld [tilespmem:s1+$0x230];
	_ =	sdelay $0x1  }
0xa3: {  	v57 =	vld [tilespmem:s31+$0x2B0];
	_ =	sdelay $0x1  }
0xa4: {  	v58 =	vld [tilespmem:s11+$0x330]  }
0xa5: {  	v0 =	vmul.f32 v16, v0  }
0xa6: {  	v59 =	vld [tilespmem:s12+$0x3B0]  }
0xa7: {  	v1 =	vmul.f32 v57, v1;
	v0 =	vadd.f32 $0.0e+00, v0  }
0xa8: {  	v60 =	vld [tilespmem:s13+$0x430]  }
0xa9: {  	v0 =	vadd.f32 v1, v0;
	v1 =	vmul.f32 v58, v2  }
0xaa: {  	v2 =	vld [tilespmem:s14+$0x4B0]  }
0xab: {  	v0 =	vadd.f32 v1, v0;
	v1 =	vmul.f32 v59, v3  }
0xac: {  	v3 =	vld [tilespmem:s15+$0x530]  }
0xad: {  	v0 =	vadd.f32 v1, v0;
	v1 =	vmul.f32 v60, v4  }
0xae: {  	v61 =	vld [tilespmem:s16+$0x5B0]  }
0xaf: {  	v0 =	vadd.f32 v1, v0;
	v1 =	vmul.f32 v2, v5  }
0xb0: {  	v2 =	vld [tilespmem:s18+$0x630]  }
0xb1: {  	v0 =	vadd.f32 v1, v0;
	v1 =	vmul.f32 v3, v6  }
0xb2: {  	v3 =	vld [tilespmem:s23+$0x6B0]  }
0xb3: {  	v0 =	vadd.f32 v1, v0;
	v1 =	vmul.f32 v61, v7  }
0xb4: {  	v62 =	vld [tilespmem:s24+$0x730]  }
0xb5: {  	v0 =	vadd.f32 v1, v0;
	v1 =	vmul.f32 v2, v8  }
0xb6: {  	v2 =	vld [tilespmem:s25+$0x7B0]  }
0xb7: {  	v0 =	vadd.f32 v1, v0;
	v1 =	vmul.f32 v3, v9  }
0xb8: {  	v3 =	vld [tilespmem:s26+$0x830]  }
0xb9: {  	v0 =	vadd.f32 v1, v0;
	v1 =	vmul.f32 v62, v10  }
0xba: {  	v63 =	vld [tilespmem:s28+$0x8B0]  }
0xbb: {  	v0 =	vadd.f32 v1, v0;
	v1 =	vmul.f32 v2, v11  }
0xbc: {  	v2 =	vld [tilespmem:s29+$0x930]  }
0xbd: {  	v3 =	vmul.f32 v3, v12;
	v0 =	vadd.f32 v1, v0  }
0xbe: {  	v1 =	vld [tilespmem:s30+$0x9B0]  }
0xbf: {  	v4 =	vmul.f32 v63, v14;
	v0 =	vadd.f32 v3, v0;
	_ =	sdelay $0x1  }
0xc0: {  	v2 =	vmul.f32 v2, v13;
	v0 =	vadd.f32 v4, v0;
	_ =	sdelay $0x1  }
0xc1: {  	v1 =	vmul.f32 v1, v15;
	v0 =	vadd.f32 v2, v0;
	_ =	sdelay $0x1  }
0xc2: {  	s23 =	simm.s32 $0x2000;
	v0 =	vadd.f32 v1, v0  }
.LBB2_2:
0xc3: {  	_ = 	snop  }
0xc4: {  	s20 =	sadd.s32 $0x10, s20;
	s21 =	sadd.s32 $0x10, s21;
	[tilespmem:s22+$0x10] =	vst v0;
	s22 =	sadd.s32 $0x80, s22  }
0xc5: {  	p0 =	sne.s32 s23, $0x3E000;
	s0 =	smov.u32 s23;
	s23 =	sadd.s32 $0x2000, s23;
	v0 =	vld [tilespmem:s21+$0x0]  }
0xc6: {  	_ =	sdelay $0x3  }
0xc7: {  	v0 =	vshll.u32 v0, $0x6  }
0xc8: {  	v0 =	vshll.u32 v0, $0x2  }
0xc9: {  	s0 =	sshra.s32 s0, $0x2;
	v0 =	vshra.s32 v0, $0x2  }
0xca: {  	v0 =	vadd.s32 s0, v0  }
0xcb: {  	(v2sf) =	vpush v0, $0x0  }
0xcc: {  	(v2sf) =	vpush v0, $0x1  }
0xcd: {  	(v2sf) =	vpush v0, $0x2  }
0xce: {  	(v2sf) =	vpush v0, $0x3  }
0xcf: {  	(v2sf) =	vpush v0, $0x4  }
0xd0: {  	(v2sf) =	vpush v0, $0x5  }
0xd1: {  	(v2sf) =	vpush v0, $0x6  }
0xd2: {  	(v2sf) =	vpush v0, $0x7  }
0xd3: {  	(v2sf) =	vpush v0, $0x8  }
0xd4: {  	(v2sf) =	vpush v0, $0x9  }
0xd5: {  	(v2sf) =	vpush v0, $0xA  }
0xd6: {  	(v2sf) =	vpush v0, $0xB  }
0xd7: {  	(v2sf) =	vpush v0, $0xC  }
0xd8: {  	(v2sf) =	vpush v0, $0xD  }
0xd9: {  	v15 =	vld [tilespmem:s20+$0x0];
	(v2sf) =	vpush v0, $0xE  }
0xda: {  	(v2sf) =	vpush v0, $0xF;
	s24 =	spop (v2sf)  }
0xdb: {  	v2 =	vld [tilespmem:s24+$0x200];
	s26 =	spop (v2sf)  }
0xdc: {  	s25 =	spop (v2sf)  }
0xdd: {  	v3 =	vld [tilespmem:s26+$0x280];
	s28 =	spop (v2sf)  }
0xde: {  	v1 =	vbroadcast v15, $0x0;
	v0 =	vbroadcast v15, $0xE;
	s30 =	spop (v2sf)  }
0xdf: {  	v4 =	vld [tilespmem:s25+$0x300];
	s29 =	spop (v2sf)  }
0xe0: {  	v5 =	vmul.f32 v2, v1;
	v2 =	vbroadcast v15, $0x1;
	s1 =	spop (v2sf)  }
0xe1: {  	v6 =	vld [tilespmem:s28+$0x380];
	s31 =	spop (v2sf)  }
0xe2: {  	v5 =	vadd.f32 $0.0e+00, v5;
	v7 =	vmul.f32 v3, v2;
	v3 =	vbroadcast v15, $0x2;
	s11 =	spop (v2sf)  }
0xe3: {  	v8 =	vld [tilespmem:s30+$0x400];
	s0 =	spop (v2sf)  }
0xe4: {  	v5 =	vadd.f32 v7, v5;
	v7 =	vmul.f32 v4, v3;
	v4 =	vbroadcast v15, $0x3;
	s13 =	spop (v2sf)  }
0xe5: {  	v9 =	vld [tilespmem:s29+$0x480];
	s12 =	spop (v2sf)  }
0xe6: {  	v7 =	vadd.f32 v7, v5;
	v6 =	vmul.f32 v6, v4;
	v5 =	vbroadcast v15, $0x4;
	s15 =	spop (v2sf)  }
0xe7: {  	v10 =	vld [tilespmem:s1+$0x500];
	s14 =	spop (v2sf)  }
0xe8: {  	v7 =	vadd.f32 v6, v7;
	v8 =	vmul.f32 v8, v5;
	v6 =	vbroadcast v15, $0x5;
	s18 =	spop (v2sf)  }
0xe9: {  	v11 =	vld [tilespmem:s31+$0x580];
	s16 =	spop (v2sf)  }
0xea: {  	v8 =	vadd.f32 v8, v7;
	v9 =	vmul.f32 v9, v6;
	v7 =	vbroadcast v15, $0x6  }
0xeb: {  	v12 =	vld [tilespmem:s11+$0x600]  }
0xec: {  	v9 =	vadd.f32 v9, v8;
	v10 =	vmul.f32 v10, v7;
	v8 =	vbroadcast v15, $0x7  }
0xed: {  	v13 =	vld [tilespmem:s0+$0x680]  }
0xee: {  	v10 =	vadd.f32 v10, v9;
	v11 =	vmul.f32 v11, v8;
	v9 =	vbroadcast v15, $0x8  }
0xef: {  	v14 =	vld [tilespmem:s13+$0x700]  }
0xf0: {  	v11 =	vadd.f32 v11, v10;
	v12 =	vmul.f32 v12, v9;
	v10 =	vbroadcast v15, $0x9  }
0xf1: {  	v16 =	vld [tilespmem:s12+$0x780]  }
0xf2: {  	v12 =	vadd.f32 v12, v11;
	v13 =	vmul.f32 v13, v10;
	v11 =	vbroadcast v15, $0xA  }
0xf3: {  	v17 =	vld [tilespmem:s15+$0x800]  }
0xf4: {  	v13 =	vadd.f32 v13, v12;
	v14 =	vmul.f32 v14, v11;
	v12 =	vbroadcast v15, $0xB  }
0xf5: {  	v18 =	vld [tilespmem:s14+$0x880]  }
0xf6: {  	v14 =	vadd.f32 v14, v13;
	v16 =	vmul.f32 v16, v12;
	v13 =	vbroadcast v15, $0xC  }
0xf7: {  	v19 =	vld [tilespmem:s18+$0x900]  }
0xf8: {  	v16 =	vadd.f32 v16, v14;
	v17 =	vmul.f32 v17, v13;
	v14 =	vbroadcast v15, $0xD  }
0xf9: {  	v20 =	vld [tilespmem:s16+$0x980]  }
0xfa: {  	v16 =	vadd.f32 v17, v16;
	v17 =	vmul.f32 v18, v14;
	_ =	sdelay $0x1  }
0xfb: {  	v15 =	vbroadcast v15, $0xF;
	v16 =	vadd.f32 v17, v16;
	v17 =	vmul.f32 v19, v0;
	_ =	sdelay $0x1  }
0xfc: {  	v16 =	vadd.f32 v17, v16;
	v17 =	vmul.f32 v20, v15;
	_ =	sdelay $0x1  }
0xfd: {  	v16 =	vadd.f32 v17, v16;
	_ =	sdelay $0x1  }
0xfe: {  	[tilespmem:s22+$0xFFFFFFE0] =	vst v16  }
0xff: {  	v16 =	vld [tilespmem:s24+$0x210];
	_ =	sdelay $0x1  }
0x100: {  	v17 =	vld [tilespmem:s26+$0x290];
	_ =	sdelay $0x1  }
0x101: {  	v18 =	vld [tilespmem:s25+$0x310]  }
0x102: {  	v16 =	vmul.f32 v16, v1  }
0x103: {  	v19 =	vld [tilespmem:s28+$0x390]  }
0x104: {  	v16 =	vadd.f32 $0.0e+00, v16;
	v17 =	vmul.f32 v17, v2  }
0x105: {  	v20 =	vld [tilespmem:s30+$0x410]  }
0x106: {  	v16 =	vadd.f32 v17, v16;
	v17 =	vmul.f32 v18, v3  }
0x107: {  	v18 =	vld [tilespmem:s29+$0x490]  }
0x108: {  	v16 =	vadd.f32 v17, v16;
	v17 =	vmul.f32 v19, v4  }
0x109: {  	v19 =	vld [tilespmem:s1+$0x510]  }
0x10a: {  	v16 =	vadd.f32 v17, v16;
	v17 =	vmul.f32 v20, v5  }
0x10b: {  	v20 =	vld [tilespmem:s31+$0x590]  }
0x10c: {  	v16 =	vadd.f32 v17, v16;
	v17 =	vmul.f32 v18, v6  }
0x10d: {  	v18 =	vld [tilespmem:s11+$0x610]  }
0x10e: {  	v16 =	vadd.f32 v17, v16;
	v17 =	vmul.f32 v19, v7  }
0x10f: {  	v19 =	vld [tilespmem:s0+$0x690]  }
0x110: {  	v16 =	vadd.f32 v17, v16;
	v17 =	vmul.f32 v20, v8  }
0x111: {  	v20 =	vld [tilespmem:s13+$0x710]  }
0x112: {  	v16 =	vadd.f32 v17, v16;
	v17 =	vmul.f32 v18, v9  }
0x113: {  	v18 =	vld [tilespmem:s12+$0x790]  }
0x114: {  	v16 =	vadd.f32 v17, v16;
	v17 =	vmul.f32 v19, v10  }
0x115: {  	v19 =	vld [tilespmem:s15+$0x810]  }
0x116: {  	v16 =	vadd.f32 v17, v16;
	v17 =	vmul.f32 v20, v11  }
0x117: {  	v20 =	vld [tilespmem:s14+$0x890]  }
0x118: {  	v16 =	vadd.f32 v17, v16;
	v17 =	vmul.f32 v18, v12  }
0x119: {  	v18 =	vld [tilespmem:s18+$0x910]  }
0x11a: {  	v16 =	vadd.f32 v17, v16;
	v17 =	vmul.f32 v19, v13  }
0x11b: {  	v19 =	vld [tilespmem:s16+$0x990]  }
0x11c: {  	v16 =	vadd.f32 v17, v16;
	v17 =	vmul.f32 v20, v14;
	_ =	sdelay $0x1  }
0x11d: {  	v16 =	vadd.f32 v17, v16;
	v17 =	vmul.f32 v18, v0;
	_ =	sdelay $0x1  }
0x11e: {  	v16 =	vadd.f32 v17, v16;
	v17 =	vmul.f32 v19, v15;
	_ =	sdelay $0x1  }
0x11f: {  	v16 =	vadd.f32 v17, v16;
	_ =	sdelay $0x1  }
0x120: {  	[tilespmem:s22+$0xFFFFFFF0] =	vst v16  }
0x121: {  	v16 =	vld [tilespmem:s24+$0x220]  }
0x122: {  	v17 =	vld [tilespmem:s26+$0x2A0]  }
0x123: {  	v18 =	vld [tilespmem:s25+$0x320]  }
0x124: {  	v19 =	vld [tilespmem:s28+$0x3A0]  }
0x125: {  	v20 =	vld [tilespmem:s30+$0x420]  }
0x126: {  	v16 =	vmul.f32 v16, v1;
	v21 =	vld [tilespmem:s29+$0x4A0]  }
0x127: {  	v22 =	vld [tilespmem:s1+$0x520]  }
0x128: {  	v17 =	vmul.f32 v17, v2;
	v16 =	vadd.f32 $0.0e+00, v16;
	v23 =	vld [tilespmem:s31+$0x5A0]  }
0x129: {  	v24 =	vld [tilespmem:s11+$0x620]  }
0x12a: {  	v16 =	vadd.f32 v17, v16;
	v17 =	vmul.f32 v18, v3;
	v18 =	vld [tilespmem:s0+$0x6A0]  }
0x12b: {  	v25 =	vld [tilespmem:s13+$0x720]  }
0x12c: {  	v16 =	vadd.f32 v17, v16;
	v17 =	vmul.f32 v19, v4;
	v19 =	vld [tilespmem:s12+$0x7A0]  }
0x12d: {  	v26 =	vld [tilespmem:s15+$0x820]  }
0x12e: {  	v16 =	vadd.f32 v17, v16;
	v17 =	vmul.f32 v20, v5;
	v20 =	vld [tilespmem:s14+$0x8A0]  }
0x12f: {  	v27 =	vld [tilespmem:s18+$0x920]  }
0x130: {  	v16 =	vadd.f32 v17, v16;
	v17 =	vmul.f32 v21, v6;
	v21 =	vld [tilespmem:s16+$0x9A0];
	_ =	sdelay $0x1  }
0x131: {  	v16 =	vadd.f32 v17, v16;
	v17 =	vmul.f32 v22, v7  }
0x132: {  	v20 =	vmul.f32 v20, v14  }
0x133: {  	v16 =	vadd.f32 v17, v16;
	v17 =	vmul.f32 v23, v8;
	v22 =	vmul.f32 v27, v0  }
0x134: {  	v21 =	vmul.f32 v21, v15  }
0x135: {  	v16 =	vadd.f32 v17, v16;
	v17 =	vmul.f32 v24, v9;
	_ =	sdelay $0x1  }
0x136: {  	v16 =	vadd.f32 v17, v16;
	v17 =	vmul.f32 v18, v10;
	_ =	sdelay $0x1  }
0x137: {  	v16 =	vadd.f32 v17, v16;
	v17 =	vmul.f32 v25, v11;
	_ =	sdelay $0x1  }
0x138: {  	v16 =	vadd.f32 v17, v16;
	v17 =	vmul.f32 v19, v12;
	_ =	sdelay $0x1  }
0x139: {  	v16 =	vadd.f32 v17, v16;
	v17 =	vmul.f32 v26, v13;
	_ =	sdelay $0x1  }
0x13a: {  	v16 =	vadd.f32 v17, v16;
	_ =	sdelay $0x1  }
0x13b: {  	v16 =	vadd.f32 v20, v16;
	_ =	sdelay $0x1  }
0x13c: {  	v16 =	vadd.f32 v22, v16;
	_ =	sdelay $0x1  }
0x13d: {  	v16 =	vadd.f32 v21, v16;
	_ =	sdelay $0x1  }
0x13e: {  	[tilespmem:s22+$0x0] =	vst v16  }
0x13f: {  	v16 =	vld [tilespmem:s24+$0x230]  }
0x140: {  	v17 =	vld [tilespmem:s26+$0x2B0]  }
0x141: {  	v18 =	vld [tilespmem:s25+$0x330]  }
0x142: {  	v19 =	vld [tilespmem:s28+$0x3B0]  }
0x143: {  	v20 =	vld [tilespmem:s30+$0x430]  }
0x144: {  	v1 =	vmul.f32 v16, v1;
	v16 =	vld [tilespmem:s29+$0x4B0]  }
0x145: {  	v21 =	vld [tilespmem:s1+$0x530]  }
0x146: {  	v2 =	vmul.f32 v17, v2;
	v1 =	vadd.f32 $0.0e+00, v1;
	v17 =	vld [tilespmem:s31+$0x5B0]  }
0x147: {  	v22 =	vld [tilespmem:s11+$0x630]  }
0x148: {  	v1 =	vadd.f32 v2, v1;
	v2 =	vmul.f32 v18, v3;
	v3 =	vld [tilespmem:s0+$0x6B0]  }
0x149: {  	v18 =	vld [tilespmem:s13+$0x730]  }
0x14a: {  	v1 =	vadd.f32 v2, v1;
	v2 =	vmul.f32 v19, v4;
	v4 =	vld [tilespmem:s12+$0x7B0]  }
0x14b: {  	v19 =	vld [tilespmem:s15+$0x830]  }
0x14c: {  	v1 =	vadd.f32 v2, v1;
	v2 =	vmul.f32 v20, v5;
	v5 =	vld [tilespmem:s14+$0x8B0]  }
0x14d: {  	v20 =	vld [tilespmem:s18+$0x930]  }
0x14e: {  	v1 =	vadd.f32 v2, v1;
	v2 =	vmul.f32 v16, v6;
	v6 =	vld [tilespmem:s16+$0x9B0];
	_ =	sdelay $0x1  }
0x14f: {  	v1 =	vadd.f32 v2, v1;
	v2 =	vmul.f32 v21, v7;
	v7 =	vmul.f32 v19, v13  }
0x150: {  	v5 =	vmul.f32 v5, v14  }
0x151: {  	v1 =	vadd.f32 v2, v1;
	v2 =	vmul.f32 v17, v8;
	v0 =	vmul.f32 v20, v0  }
0x152: {  	v6 =	vmul.f32 v6, v15  }
0x153: {  	v1 =	vadd.f32 v2, v1;
	v2 =	vmul.f32 v22, v9;
	_ =	sdelay $0x1  }
0x154: {  	v1 =	vadd.f32 v2, v1;
	v2 =	vmul.f32 v3, v10;
	_ =	sdelay $0x1  }
0x155: {  	v1 =	vadd.f32 v2, v1;
	v2 =	vmul.f32 v18, v11;
	_ =	sdelay $0x1  }
0x156: {  	v1 =	vadd.f32 v2, v1;
	v2 =	vmul.f32 v4, v12;
	_ =	sdelay $0x1  }
0x157: {  	v1 =	vadd.f32 v2, v1;
	_ =	sdelay $0x1  }
0x158: {  	v1 =	vadd.f32 v7, v1;
	_ =	sdelay $0x1  }
.Ltmp0:
0x159: {  	v1 =	vadd.f32 v5, v1;
	(pc) =	sbr.rel @p0 .LBB2_2-.Ltmp0, $3  }
0x15a: {  	_ = 	snop  }
0x15b: {  	v0 =	vadd.f32 v0, v1;
	_ =	sdelay $0x1  }
0x15c: {  	v0 =	vadd.f32 v6, v0  }
0x15d: {  	s19 =	sadd.s32 $0x1, s19  }
0x15e: {  	p0 =	sne.s32 s19, s8  }
.Ltmp1:
0x15f: {  	s0 =	simm.s32 $0x10600;
	[tilespmem:s22+$0x10] =	vst v0;
	(pc) =	sbr.rel @p0 .LBB2_1-.Ltmp1, $4  }
0x160: {  	[hbm4b:s7+s2] =	stream.linear.scatter [tilespmem:s0], [sflag:$0x2], $0x1000, $0x38;
	[tilespmem:$0x11600] =	vst v63  }
0x161: {  	_ =	swait.ge [sflag:s9], $0x1000  }
0x162: {  	[sflag:s9] =	ssyncset.done $0x0  }
0x163: {  	[sflag:s9] =	ssyncadd.s32 $0xFFFFF000  }
0x164: {  	_ =	sfence.sel $0x180000  }
0x165: {  	[bflag:$0x0] =	sbarrier.arrive $0xFFFF  }
0x166: {  	_ =	strace $0x90000047  }
0x167: {  	s0 =	stileid.u32;
	[bflag:$0x2] =	sbarrier.arrive $0xFFFF  }
0x168: {  	p0 =	sne.s32 s0, $0x0;
	s0 =	rddreg [dreg:$0x2]  }
0x169: {  	s0 =	sadd.s32 @!p0 $0x100000, s0  }
0x16a: {  	[sflag:s0] =	ssyncadd.tile.s32 @!p0 $0x1;
	_ =	shalt  }
.Lfunc_end2:
_tile_overlayer_lowered:
.L_overlay_start_2:
0x16b: {  	(tag) =	ssettag $0x2  }
0x16c: {  	s0 =	rddreg [dreg:$0x0];
	s2 =	stileid.u32  }
0x16d: {  	s1 =	rddreg [dreg:$0x1];
	p0 =	sne.s32 s2, $0x0  }
0x16e: {  	s3 =	rddreg [dreg:$0x2];
	[bflag:$0x3] =	sbarrier.arrive $0xFFFF;
	s2 =	simm.s32 @!p0 $0x1C02  }
0x16f: {  	[timem:s3], [sflag:s2] =	dma.local @!p0 [hbm:s0], s1  }
0x170: {  	s0 =	simm.s32 @!p0 $0x2  }
0x171: {  	_ =	swait.ge @!p0 [sflag:s0], s1  }
0x172: {  	s1 =	ssub.s32 @!p0 $0x0, s1;
	[sflag:s0] =	ssyncset.done @!p0 $0x0  }
0x173: {  	[sflag:s0] =	ssyncadd.s32 @!p0 s1  }
0x174: {  	[bflag:$0x3] =	sbarrier.arrive $0xFFFF  }
0x175: {  	_ =	shalt  }

</sc_bundles>
